<compile_context>
chip_gen: v7x
topology: tpu7x:2x2x1
jax: 0.10.2.dev20260603
libtpu: 0.0.44.dev20260713+nightly
codegen_flags: <defaults>
</compile_context>

<pallas_src>
import functools

import jax
import jax.numpy as jnp
from jax import lax
from jax.experimental import pallas as pl
from jax.experimental.pallas import tpu as pltpu
from jax.experimental.pallas import tpu_sc as plsc

B = 4096
F = 26
U1 = 64
U2 = 32

NC = 2
NS = 16
NW = NC * NS
RPW = B // NW
SUB = 4
G = RPW // SUB
CH = SUB * F

_PERM = [e for h in range(2) for par in range(2)
         for e in range(h * 32 + par, h * 32 + 32, 2)]


def _sc_embed(idx, w0, w1, table2):
  mesh = plsc.VectorSubcoreMesh(
      core_axis_name="c", subcore_axis_name="s", num_cores=NC, num_subcores=NS)

  @functools.partial(
      pl.kernel,
      mesh=mesh,
      out_type=jax.ShapeDtypeStruct((B, U1), jnp.float32),
      compiler_params=pltpu.CompilerParams(
          use_tc_tiling_on_sc=False, needs_layout_passes=False),
      scratch_types=[
          pltpu.VMEM((G, CH), jnp.int32),
          pltpu.VMEM((RPW, 32), jnp.float32),
          pltpu.VMEM((RPW, 32), jnp.float32),
          pltpu.VMEM((CH, 128), jnp.bfloat16),
          pltpu.VMEM((RPW, U1), jnp.float32),
          pltpu.SemaphoreType.DMA,
      ],
  )
  def k(idx_hbm, w0_hbm, w1_hbm, tab_hbm, out_hbm,
        idx_v, w0_v, w1_v, rows_v, out_v, sem):
    wid = lax.axis_index("s") * NC + lax.axis_index("c")
    base = wid * RPW
    pltpu.sync_copy(idx_hbm.at[wid], idx_v)
    pltpu.sync_copy(w0_hbm.at[pl.ds(base, RPW)], w0_v)
    pltpu.sync_copy(w1_hbm.at[pl.ds(base, RPW)], w1_v)

    def chunk_body(g, carry):
      pltpu.async_copy(tab_hbm.at[idx_v.at[g]], rows_v, sem).wait()

      def row_body(bl, carry2):
        row = g * SUB + bl
        rbase = bl * F
        wv0 = [w0_v[row, pl.ds(h * 16, 16)] for h in range(2)]
        wv1 = [w1_v[row, pl.ds(h * 16, 16)] for h in range(2)]
        acc = [jnp.zeros((16,), jnp.float32) for _ in range(4)]
        for f in range(F):
          a0 = wv0[f // 16][f % 16]
          a1 = wv1[f // 16][f % 16]
          r = rbase + f
          for h in range(2):
            e0, o0 = plsc.unpack(rows_v[r, pl.ds(h * 32, 32)],
                                 format=plsc.PackFormat.INTERLEAVED)
            e1, o1 = plsc.unpack(rows_v[r, pl.ds(64 + h * 32, 32)],
                                 format=plsc.PackFormat.INTERLEAVED)
            acc[2 * h] = acc[2 * h] + a0 * e0 + a1 * e1
            acc[2 * h + 1] = acc[2 * h + 1] + a0 * o0 + a1 * o1
        for j in range(4):
          out_v[row, pl.ds(j * 16, 16)] = acc[j]
        return carry2

      return lax.fori_loop(0, SUB, row_body, carry)

    lax.fori_loop(0, G, chunk_body, 0)
    pltpu.sync_copy(out_v, out_hbm.at[pl.ds(base, RPW)])

  return k(idx, w0, w1, table2)


def _tc_tail(x, b1, k2, b2):
  TB = 512

  def body(x_ref, b1_ref, k2_ref, b2_ref, o_ref):
    xb = jnp.maximum(x_ref[...] + b1_ref[...], 0.0)
    y = jnp.dot(xb, k2_ref[...], preferred_element_type=jnp.float32)
    o_ref[...] = jax.nn.sigmoid(y + b2_ref[...])

  return pl.pallas_call(
      body,
      grid=(B // TB,),
      in_specs=[
          pl.BlockSpec((TB, U1), lambda i: (i, 0)),
          pl.BlockSpec((1, U1), lambda i: (0, 0)),
          pl.BlockSpec((U1, U2), lambda i: (0, 0)),
          pl.BlockSpec((1, U2), lambda i: (0, 0)),
      ],
      out_specs=pl.BlockSpec((TB, U2), lambda i: (i, 0)),
      out_shape=jax.ShapeDtypeStruct((B, U2), jnp.float32),
  )(x, b1, k2, b2)


def kernel(indices, values, kernel1, bias1, kernel2, bias2):
  idx = indices.astype(jnp.int32)
  table2 = kernel1.astype(jnp.bfloat16).reshape(500000, 128)
  parity = (idx & 1).astype(jnp.float32)
  vals = values.astype(jnp.float32)
  w0 = jnp.pad(vals * (1.0 - parity), ((0, 0), (0, 32 - F)))
  w1 = jnp.pad(vals * parity, ((0, 0), (0, 32 - F)))
  idx2 = (idx >> 1).reshape(NW, G, CH)
  out1 = _sc_embed(idx2, w0, w1, table2)
  perm = jnp.asarray(_PERM, dtype=jnp.int32)
  b1p = bias1[perm].reshape(1, U1)
  k2p = kernel2[perm, :]
  return _tc_tail(out1, b1p, k2p, bias2.reshape(1, U2))

# --- scband reference (transcript-rebuilt; emitter-appended) ---
"""Pipeline reference for scband-category-prediction-51342039056819 (READ-ONLY COPY).

The authoritative reference and input builder live on the scoring server;
editing this copy changes nothing except your own understanding.
"""

import jax, jax.numpy as jnp
import numpy as np

BATCH = 4096
FIELDS = 26
VOCAB = 1000000
U1 = 64
U2 = 32

def setup_inputs(seed: int = 0) -> dict:
    key = jax.random.key(seed)
    k1, k2, k3, k4 = jax.random.split(key, 4)
    indices = jax.random.randint(k1, (BATCH, FIELDS), 0, VOCAB, dtype=jnp.int64 if jax.config.read('jax_enable_x64') else jnp.int32)
    values = jax.random.uniform(k2, (BATCH, FIELDS), dtype=jnp.float32)
    kernel1 = jax.random.normal(k3, (VOCAB, U1), dtype=jnp.float32) * 0.01
    bias1 = jnp.zeros((U1,), dtype=jnp.float32)
    kernel2 = jax.random.normal(k4, (U1, U2), dtype=jnp.float32) * 0.1
    bias2 = jnp.zeros((U2,), dtype=jnp.float32)
    return {"indices": indices, "values": values, "kernel1": kernel1, "bias1": bias1, "kernel2": kernel2, "bias2": bias2}

def reference(indices, values, kernel1, bias1, kernel2, bias2):
    # DenseLayerForSparse: sparse_tensor_dense_matmul(sp_input[B, V], kernel1[V, U1]) + bias1, relu.
    # Sparse input has FIELDS nonzeros per row at `indices` with weights `values`.
    gathered = jnp.take(kernel1, indices, axis=0)              # [B, F, U1] gather (embedding lookup)
    out1 = jnp.einsum('bf,bfu->bu', values, gathered) + bias1  # weighted scatter-sum per row
    out1 = jax.nn.relu(out1)
    out2 = jax.nn.sigmoid(jnp.dot(out1, kernel2) + bias2)      # Dense(num_units_2, sigmoid)
    return out2

if __name__ == "__main__":
    import jax
    _d = setup_inputs()
    print(jax.jit(kernel)(*tuple(_d.values())))

</pallas_src>

<mosaic_0001>
#map = affine_map<(d0, d1) -> (0, 0, 0)>
#map1 = affine_map<(d0, d1) -> (0, 0)>
module attributes {stable_mosaic.version = 14 : i64} {
  func.func @k(%arg0: i32, %arg1: i32, %arg2: memref<32x32x104xi32, #tpu.memory_space<hbm>>, %arg3: memref<4096x32xf32, #tpu.memory_space<hbm>>, %arg4: memref<4096x32xf32, #tpu.memory_space<hbm>>, %arg5: memref<500000x128xbf16, #tpu.memory_space<hbm>>, %arg6: memref<4096x64xf32, #tpu.memory_space<hbm>>, %arg7: memref<32x104xi32, #tpu.memory_space<vmem>>, %arg8: memref<128x32xf32, #tpu.memory_space<vmem>>, %arg9: memref<128x32xf32, #tpu.memory_space<vmem>>, %arg10: memref<104x128xbf16, #tpu.memory_space<vmem>>, %arg11: memref<128x64xf32, #tpu.memory_space<vmem>>, %arg12: memref<!tpu.dma_semaphore, #tpu.memory_space<semaphore_mem>>) attributes {dimension_semantics = [#tpu.dimension_semantics<core_parallel>, #tpu.dimension_semantics<subcore_parallel>], iteration_bounds = array<i64: 2, 16>, scalar_prefetch = 0 : i64, scratch_operands = 6 : i64, tpu.core_type = #tpu.core_type<sc_vector_subcore>, window_params = [{transform_indices = #map}, {transform_indices = #map1}, {transform_indices = #map1}, {transform_indices = #map1}, {transform_indices = #map1}]} {
    %mul3A = arith.constant 2 : i32
    %mul3A_0 = arith.muli %arg1, %mul3A : i32
    %add3A = arith.addi %mul3A_0, %arg0 : i32
    %mul3A_1 = arith.constant 128 : i32
    %mul3A_2 = arith.muli %add3A, %mul3A_1 : i32
    "tpu.region"() ({
      %run_scoped3A = tpu.sem_alloc : memref<!tpu.dma_semaphore, #tpu.memory_space<semaphore_mem>>
      %dma_start3A = arith.constant 0 : i32
      %dma_start3A_8 = arith.constant 0 : i32
      %dma_start3A_9 = tpu.memref_slice %arg2[%add3A, %dma_start3A, %dma_start3A_8] : memref<32x32x104xi32, #tpu.memory_space<hbm>> -> memref<1x32x104xi32, #tpu.memory_space<hbm>>
      %dma_start3A_10 = tpu.memref_squeeze %dma_start3A_9 : memref<1x32x104xi32, #tpu.memory_space<hbm>> -> memref<32x104xi32, #tpu.memory_space<hbm>>
      %dma_start3A_11 = arith.constant 0 : i32
      %dma_start3A_12 = arith.constant 0 : i32
      %dma_start3A_13 = tpu.memref_slice %arg2[%add3A, %dma_start3A_11, %dma_start3A_12] : memref<32x32x104xi32, #tpu.memory_space<hbm>> -> memref<1x32x104xi32, #tpu.memory_space<hbm>>
      %dma_start3A_14 = tpu.memref_squeeze %dma_start3A_13 : memref<1x32x104xi32, #tpu.memory_space<hbm>> -> memref<32x104xi32, #tpu.memory_space<hbm>>
      tpu.enqueue_dma source(%dma_start3A_14 : memref<32x104xi32, #tpu.memory_space<hbm>>) target(%arg7 : memref<32x104xi32, #tpu.memory_space<vmem>>) target_semaphore(%run_scoped3A : memref<!tpu.dma_semaphore, #tpu.memory_space<semaphore_mem>>)
      %dma_wait3A = arith.constant 0 : i32
      %dma_wait3A_15 = arith.constant 0 : i32
      %dma_wait3A_16 = tpu.memref_slice %arg2[%add3A, %dma_wait3A, %dma_wait3A_15] : memref<32x32x104xi32, #tpu.memory_space<hbm>> -> memref<1x32x104xi32, #tpu.memory_space<hbm>>
      %dma_wait3A_17 = tpu.memref_squeeze %dma_wait3A_16 : memref<1x32x104xi32, #tpu.memory_space<hbm>> -> memref<32x104xi32, #tpu.memory_space<hbm>>
      %dma_wait3A_18 = arith.constant 0 : i32
      %dma_wait3A_19 = arith.constant 0 : i32
      %dma_wait3A_20 = tpu.memref_slice %arg2[%add3A, %dma_wait3A_18, %dma_wait3A_19] : memref<32x32x104xi32, #tpu.memory_space<hbm>> -> memref<1x32x104xi32, #tpu.memory_space<hbm>>
      %dma_wait3A_21 = tpu.memref_squeeze %dma_wait3A_20 : memref<1x32x104xi32, #tpu.memory_space<hbm>> -> memref<32x104xi32, #tpu.memory_space<hbm>>
      tpu.wait_dma2 semaphore(%run_scoped3A : memref<!tpu.dma_semaphore, #tpu.memory_space<semaphore_mem>>) src(%dma_wait3A_21 : memref<32x104xi32, #tpu.memory_space<hbm>>) dst(%arg7 : memref<32x104xi32, #tpu.memory_space<vmem>>)
      tpu.yield
    }) : () -> ()
    "tpu.region"() ({
      %run_scoped3A = tpu.sem_alloc : memref<!tpu.dma_semaphore, #tpu.memory_space<semaphore_mem>>
      %dma_start3A = arith.constant 0 : i32
      %dma_start3A_8 = tpu.memref_slice %arg3[%mul3A_2, %dma_start3A] : memref<4096x32xf32, #tpu.memory_space<hbm>> -> memref<128x32xf32, #tpu.memory_space<hbm>>
      %dma_start3A_9 = arith.constant 0 : i32
      %dma_start3A_10 = tpu.memref_slice %arg3[%mul3A_2, %dma_start3A_9] : memref<4096x32xf32, #tpu.memory_space<hbm>> -> memref<128x32xf32, #tpu.memory_space<hbm>>
      tpu.enqueue_dma source(%dma_start3A_10 : memref<128x32xf32, #tpu.memory_space<hbm>>) target(%arg8 : memref<128x32xf32, #tpu.memory_space<vmem>>) target_semaphore(%run_scoped3A : memref<!tpu.dma_semaphore, #tpu.memory_space<semaphore_mem>>)
      %dma_wait3A = arith.constant 0 : i32
      %dma_wait3A_11 = tpu.memref_slice %arg3[%mul3A_2, %dma_wait3A] : memref<4096x32xf32, #tpu.memory_space<hbm>> -> memref<128x32xf32, #tpu.memory_space<hbm>>
      %dma_wait3A_12 = arith.constant 0 : i32
      %dma_wait3A_13 = tpu.memref_slice %arg3[%mul3A_2, %dma_wait3A_12] : memref<4096x32xf32, #tpu.memory_space<hbm>> -> memref<128x32xf32, #tpu.memory_space<hbm>>
      tpu.wait_dma2 semaphore(%run_scoped3A : memref<!tpu.dma_semaphore, #tpu.memory_space<semaphore_mem>>) src(%dma_wait3A_13 : memref<128x32xf32, #tpu.memory_space<hbm>>) dst(%arg8 : memref<128x32xf32, #tpu.memory_space<vmem>>)
      tpu.yield
    }) : () -> ()
    "tpu.region"() ({
      %run_scoped3A = tpu.sem_alloc : memref<!tpu.dma_semaphore, #tpu.memory_space<semaphore_mem>>
      %dma_start3A = arith.constant 0 : i32
      %dma_start3A_8 = tpu.memref_slice %arg4[%mul3A_2, %dma_start3A] : memref<4096x32xf32, #tpu.memory_space<hbm>> -> memref<128x32xf32, #tpu.memory_space<hbm>>
      %dma_start3A_9 = arith.constant 0 : i32
      %dma_start3A_10 = tpu.memref_slice %arg4[%mul3A_2, %dma_start3A_9] : memref<4096x32xf32, #tpu.memory_space<hbm>> -> memref<128x32xf32, #tpu.memory_space<hbm>>
      tpu.enqueue_dma source(%dma_start3A_10 : memref<128x32xf32, #tpu.memory_space<hbm>>) target(%arg9 : memref<128x32xf32, #tpu.memory_space<vmem>>) target_semaphore(%run_scoped3A : memref<!tpu.dma_semaphore, #tpu.memory_space<semaphore_mem>>)
      %dma_wait3A = arith.constant 0 : i32
      %dma_wait3A_11 = tpu.memref_slice %arg4[%mul3A_2, %dma_wait3A] : memref<4096x32xf32, #tpu.memory_space<hbm>> -> memref<128x32xf32, #tpu.memory_space<hbm>>
      %dma_wait3A_12 = arith.constant 0 : i32
      %dma_wait3A_13 = tpu.memref_slice %arg4[%mul3A_2, %dma_wait3A_12] : memref<4096x32xf32, #tpu.memory_space<hbm>> -> memref<128x32xf32, #tpu.memory_space<hbm>>
      tpu.wait_dma2 semaphore(%run_scoped3A : memref<!tpu.dma_semaphore, #tpu.memory_space<semaphore_mem>>) src(%dma_wait3A_13 : memref<128x32xf32, #tpu.memory_space<hbm>>) dst(%arg9 : memref<128x32xf32, #tpu.memory_space<vmem>>)
      tpu.yield
    }) : () -> ()
    %scan3A = arith.constant 0 : i32
    %scan3A_3 = arith.constant 0 : i32
    %scan3A_4 = arith.constant 32 : i32
    %scan3A_5 = arith.addi %scan3A_3, %scan3A_4 : i32
    %scan3A_6 = arith.constant 1 : i32
    scf.for %scan3A_8 = %scan3A_3 to %scan3A_5 step %scan3A_6  : i32 {
      %dma_start3A = arith.constant 0 : i32
      %dma_start3A_9 = tpu.memref_slice %arg7[%scan3A_8, %dma_start3A] : memref<32x104xi32, #tpu.memory_space<vmem>> -> memref<1x104xi32, #tpu.memory_space<vmem>>
      %dma_start3A_10 = tpu.memref_squeeze %dma_start3A_9 : memref<1x104xi32, #tpu.memory_space<vmem>> -> memref<104xi32, #tpu.memory_space<vmem>>
      %dma_start3A_11 = arith.constant 0 : i32
      %dma_start3A_12 = arith.constant 0 : i32
      %dma_start3A_13 = tpu.memref_slice %arg5[%dma_start3A_11, %dma_start3A_12] : memref<500000x128xbf16, #tpu.memory_space<hbm>> -> memref<500000x128xbf16, #tpu.memory_space<hbm>>
      tpu.enqueue_indirect_dma source(%dma_start3A_13 : memref<500000x128xbf16, #tpu.memory_space<hbm>>) target(%arg10 : memref<104x128xbf16, #tpu.memory_space<vmem>>) offsets(%dma_start3A_10 : memref<104xi32, #tpu.memory_space<vmem>>) semaphore(%arg12 : memref<!tpu.dma_semaphore, #tpu.memory_space<semaphore_mem>>)
      %dma_wait3A = arith.constant 0 : i32
      %dma_wait3A_14 = tpu.memref_slice %arg7[%scan3A_8, %dma_wait3A] : memref<32x104xi32, #tpu.memory_space<vmem>> -> memref<1x104xi32, #tpu.memory_space<vmem>>
      %dma_wait3A_15 = tpu.memref_squeeze %dma_wait3A_14 : memref<1x104xi32, #tpu.memory_space<vmem>> -> memref<104xi32, #tpu.memory_space<vmem>>
      %dma_wait3A_16 = arith.constant 0 : i32
      %dma_wait3A_17 = arith.constant 0 : i32
      %dma_wait3A_18 = tpu.memref_slice %arg5[%dma_wait3A_16, %dma_wait3A_17] : memref<500000x128xbf16, #tpu.memory_space<hbm>> -> memref<500000x128xbf16, #tpu.memory_space<hbm>>
      tpu.wait_indirect_dma semaphore(%arg12 : memref<!tpu.dma_semaphore, #tpu.memory_space<semaphore_mem>>) src(%dma_wait3A_18 : memref<500000x128xbf16, #tpu.memory_space<hbm>>) dst(%arg10 : memref<104x128xbf16, #tpu.memory_space<vmem>>)
      %scan3A_19 = arith.constant 0 : i32
      %scan3A_20 = arith.constant 4 : i32
      %scan3A_21 = arith.addi %scan3A_19, %scan3A_20 : i32
      %scan3A_22 = arith.constant 1 : i32
      scf.for %scan3A_24 = %scan3A_19 to %scan3A_21 step %scan3A_22  : i32 {
        %mul3A_25 = arith.constant 4 : i32
        %mul3A_26 = arith.muli %scan3A_8, %mul3A_25 : i32
        %add3A_27 = arith.addi %mul3A_26, %scan3A_24 : i32
        %mul3A_28 = arith.constant 26 : i32
        %mul3A_29 = arith.muli %scan3A_24, %mul3A_28 : i32
        %get3A = arith.index_cast %add3A_27 : i32 to index
        %get3A_30 = arith.constant 0 : index
        %get3A_31 = tpu.vector_load %arg8[%get3A, %get3A_30] {strides = array<i32>} : memref<128x32xf32, #tpu.memory_space<vmem>>, vector<16xf32>,
        %get3A_32 = arith.index_cast %add3A_27 : i32 to index
        %get3A_33 = arith.constant 16 : index
        %get3A_34 = tpu.vector_load %arg8[%get3A_32, %get3A_33] {strides = array<i32>} : memref<128x32xf32, #tpu.memory_space<vmem>>, vector<16xf32>,
        %get3A_35 = arith.index_cast %add3A_27 : i32 to index
        %get3A_36 = arith.constant 0 : index
        %get3A_37 = tpu.vector_load %arg9[%get3A_35, %get3A_36] {strides = array<i32>} : memref<128x32xf32, #tpu.memory_space<vmem>>, vector<16xf32>,
        %get3A_38 = arith.index_cast %add3A_27 : i32 to index
        %get3A_39 = arith.constant 16 : index
        %get3A_40 = tpu.vector_load %arg9[%get3A_38, %get3A_39] {strides = array<i32>} : memref<128x32xf32, #tpu.memory_space<vmem>>, vector<16xf32>,
        %broadcast_in_dim3A = arith.constant 0.000000e+00 : f32
        %broadcast_in_dim3A_41 = vector.broadcast %broadcast_in_dim3A : f32 to vector<16xf32>
        %broadcast_in_dim3A_42 = arith.constant 0.000000e+00 : f32
        %broadcast_in_dim3A_43 = vector.broadcast %broadcast_in_dim3A_42 : f32 to vector<16xf32>
        %broadcast_in_dim3A_44 = arith.constant 0.000000e+00 : f32
        %broadcast_in_dim3A_45 = vector.broadcast %broadcast_in_dim3A_44 : f32 to vector<16xf32>
        %broadcast_in_dim3A_46 = arith.constant 0.000000e+00 : f32
        %broadcast_in_dim3A_47 = vector.broadcast %broadcast_in_dim3A_46 : f32 to vector<16xf32>
        %slice3A = vector.extract_strided_slice %get3A_31 {offsets = [0], sizes = [1], strides = [1]} : vector<16xf32> to vector<1xf32>
        %squeeze3A = vector.extract %slice3A[0] : f32 from vector<1xf32>
        %slice3A_48 = vector.extract_strided_slice %get3A_37 {offsets = [0], sizes = [1], strides = [1]} : vector<16xf32> to vector<1xf32>
        %squeeze3A_49 = vector.extract %slice3A_48[0] : f32 from vector<1xf32>
        %add3A_50 = arith.constant 0 : i32
        %add3A_51 = arith.addi %mul3A_29, %add3A_50 : i32
        %get3A_52 = arith.index_cast %add3A_51 : i32 to index
        %get3A_53 = arith.constant 0 : index
        %get3A_54 = tpu.vector_load %arg10[%get3A_52, %get3A_53] {strides = array<i32>} : memref<104x128xbf16, #tpu.memory_space<vmem>>, vector<32xbf16>,
        %unpack3A = tpu.unpack_subelements %get3A_54, 0 {pack_format = #tpu.pack_format<interleaved>} : vector<32xbf16> -> vector<16xf32>
        %unpack3A_55 = tpu.unpack_subelements %get3A_54, 1 {pack_format = #tpu.pack_format<interleaved>} : vector<32xbf16> -> vector<16xf32>
        %get3A_56 = arith.index_cast %add3A_51 : i32 to index
        %get3A_57 = arith.constant 64 : index
        %get3A_58 = tpu.vector_load %arg10[%get3A_56, %get3A_57] {strides = array<i32>} : memref<104x128xbf16, #tpu.memory_space<vmem>>, vector<32xbf16>,
        %unpack3A_59 = tpu.unpack_subelements %get3A_58, 0 {pack_format = #tpu.pack_format<interleaved>} : vector<32xbf16> -> vector<16xf32>
        %unpack3A_60 = tpu.unpack_subelements %get3A_58, 1 {pack_format = #tpu.pack_format<interleaved>} : vector<32xbf16> -> vector<16xf32>
        %mul3A_61 = vector.broadcast %squeeze3A : f32 to vector<16xf32>
        %mul3A_62 = arith.mulf %mul3A_61, %unpack3A : vector<16xf32>
        %add3A_63 = arith.addf %broadcast_in_dim3A_41, %mul3A_62 : vector<16xf32>
        %mul3A_64 = vector.broadcast %squeeze3A_49 : f32 to vector<16xf32>
        %mul3A_65 = arith.mulf %mul3A_64, %unpack3A_59 : vector<16xf32>
        %add3A_66 = arith.addf %add3A_63, %mul3A_65 : vector<16xf32>
        %mul3A_67 = vector.broadcast %squeeze3A : f32 to vector<16xf32>
        %mul3A_68 = arith.mulf %mul3A_67, %unpack3A_55 : vector<16xf32>
        %add3A_69 = arith.addf %broadcast_in_dim3A_43, %mul3A_68 : vector<16xf32>
        %mul3A_70 = vector.broadcast %squeeze3A_49 : f32 to vector<16xf32>
        %mul3A_71 = arith.mulf %mul3A_70, %unpack3A_60 : vector<16xf32>
        %add3A_72 = arith.addf %add3A_69, %mul3A_71 : vector<16xf32>
        %get3A_73 = arith.index_cast %add3A_51 : i32 to index
        %get3A_74 = arith.constant 32 : index
        %get3A_75 = tpu.vector_load %arg10[%get3A_73, %get3A_74] {strides = array<i32>} : memref<104x128xbf16, #tpu.memory_space<vmem>>, vector<32xbf16>,
        %unpack3A_76 = tpu.unpack_subelements %get3A_75, 0 {pack_format = #tpu.pack_format<interleaved>} : vector<32xbf16> -> vector<16xf32>
        %unpack3A_77 = tpu.unpack_subelements %get3A_75, 1 {pack_format = #tpu.pack_format<interleaved>} : vector<32xbf16> -> vector<16xf32>
        %get3A_78 = arith.index_cast %add3A_51 : i32 to index
        %get3A_79 = arith.constant 96 : index
        %get3A_80 = tpu.vector_load %arg10[%get3A_78, %get3A_79] {strides = array<i32>} : memref<104x128xbf16, #tpu.memory_space<vmem>>, vector<32xbf16>,
        %unpack3A_81 = tpu.unpack_subelements %get3A_80, 0 {pack_format = #tpu.pack_format<interleaved>} : vector<32xbf16> -> vector<16xf32>
        %unpack3A_82 = tpu.unpack_subelements %get3A_80, 1 {pack_format = #tpu.pack_format<interleaved>} : vector<32xbf16> -> vector<16xf32>
        %mul3A_83 = vector.broadcast %squeeze3A : f32 to vector<16xf32>
        %mul3A_84 = arith.mulf %mul3A_83, %unpack3A_76 : vector<16xf32>
        %add3A_85 = arith.addf %broadcast_in_dim3A_45, %mul3A_84 : vector<16xf32>
        %mul3A_86 = vector.broadcast %squeeze3A_49 : f32 to vector<16xf32>
        %mul3A_87 = arith.mulf %mul3A_86, %unpack3A_81 : vector<16xf32>
        %add3A_88 = arith.addf %add3A_85, %mul3A_87 : vector<16xf32>
        %mul3A_89 = vector.broadcast %squeeze3A : f32 to vector<16xf32>
        %mul3A_90 = arith.mulf %mul3A_89, %unpack3A_77 : vector<16xf32>
        %add3A_91 = arith.addf %broadcast_in_dim3A_47, %mul3A_90 : vector<16xf32>
        %mul3A_92 = vector.broadcast %squeeze3A_49 : f32 to vector<16xf32>
        %mul3A_93 = arith.mulf %mul3A_92, %unpack3A_82 : vector<16xf32>
        %add3A_94 = arith.addf %add3A_91, %mul3A_93 : vector<16xf32>
        %slice3A_95 = vector.extract_strided_slice %get3A_31 {offsets = [1], sizes = [1], strides = [1]} : vector<16xf32> to vector<1xf32>
        %squeeze3A_96 = vector.extract %slice3A_95[0] : f32 from vector<1xf32>
        %slice3A_97 = vector.extract_strided_slice %get3A_37 {offsets = [1], sizes = [1], strides = [1]} : vector<16xf32> to vector<1xf32>
        %squeeze3A_98 = vector.extract %slice3A_97[0] : f32 from vector<1xf32>
        %add3A_99 = arith.constant 1 : i32
        %add3A_100 = arith.addi %mul3A_29, %add3A_99 : i32
        %get3A_101 = arith.index_cast %add3A_100 : i32 to index
        %get3A_102 = arith.constant 0 : index
        %get3A_103 = tpu.vector_load %arg10[%get3A_101, %get3A_102] {strides = array<i32>} : memref<104x128xbf16, #tpu.memory_space<vmem>>, vector<32xbf16>,
        %unpack3A_104 = tpu.unpack_subelements %get3A_103, 0 {pack_format = #tpu.pack_format<interleaved>} : vector<32xbf16> -> vector<16xf32>
        %unpack3A_105 = tpu.unpack_subelements %get3A_103, 1 {pack_format = #tpu.pack_format<interleaved>} : vector<32xbf16> -> vector<16xf32>
        %get3A_106 = arith.index_cast %add3A_100 : i32 to index
        %get3A_107 = arith.constant 64 : index
        %get3A_108 = tpu.vector_load %arg10[%get3A_106, %get3A_107] {strides = array<i32>} : memref<104x128xbf16, #tpu.memory_space<vmem>>, vector<32xbf16>,
        %unpack3A_109 = tpu.unpack_subelements %get3A_108, 0 {pack_format = #tpu.pack_format<interleaved>} : vector<32xbf16> -> vector<16xf32>
        %unpack3A_110 = tpu.unpack_subelements %get3A_108, 1 {pack_format = #tpu.pack_format<interleaved>} : vector<32xbf16> -> vector<16xf32>
        %mul3A_111 = vector.broadcast %squeeze3A_96 : f32 to vector<16xf32>
        %mul3A_112 = arith.mulf %mul3A_111, %unpack3A_104 : vector<16xf32>
        %add3A_113 = arith.addf %add3A_66, %mul3A_112 : vector<16xf32>
        %mul3A_114 = vector.broadcast %squeeze3A_98 : f32 to vector<16xf32>
        %mul3A_115 = arith.mulf %mul3A_114, %unpack3A_109 : vector<16xf32>
        %add3A_116 = arith.addf %add3A_113, %mul3A_115 : vector<16xf32>
        %mul3A_117 = vector.broadcast %squeeze3A_96 : f32 to vector<16xf32>
        %mul3A_118 = arith.mulf %mul3A_117, %unpack3A_105 : vector<16xf32>
        %add3A_119 = arith.addf %add3A_72, %mul3A_118 : vector<16xf32>
        %mul3A_120 = vector.broadcast %squeeze3A_98 : f32 to vector<16xf32>
        %mul3A_121 = arith.mulf %mul3A_120, %unpack3A_110 : vector<16xf32>
        %add3A_122 = arith.addf %add3A_119, %mul3A_121 : vector<16xf32>
        %get3A_123 = arith.index_cast %add3A_100 : i32 to index
        %get3A_124 = arith.constant 32 : index
        %get3A_125 = tpu.vector_load %arg10[%get3A_123, %get3A_124] {strides = array<i32>} : memref<104x128xbf16, #tpu.memory_space<vmem>>, vector<32xbf16>,
        %unpack3A_126 = tpu.unpack_subelements %get3A_125, 0 {pack_format = #tpu.pack_format<interleaved>} : vector<32xbf16> -> vector<16xf32>
        %unpack3A_127 = tpu.unpack_subelements %get3A_125, 1 {pack_format = #tpu.pack_format<interleaved>} : vector<32xbf16> -> vector<16xf32>
        %get3A_128 = arith.index_cast %add3A_100 : i32 to index
        %get3A_129 = arith.constant 96 : index
        %get3A_130 = tpu.vector_load %arg10[%get3A_128, %get3A_129] {strides = array<i32>} : memref<104x128xbf16, #tpu.memory_space<vmem>>, vector<32xbf16>,
        %unpack3A_131 = tpu.unpack_subelements %get3A_130, 0 {pack_format = #tpu.pack_format<interleaved>} : vector<32xbf16> -> vector<16xf32>
        %unpack3A_132 = tpu.unpack_subelements %get3A_130, 1 {pack_format = #tpu.pack_format<interleaved>} : vector<32xbf16> -> vector<16xf32>
        %mul3A_133 = vector.broadcast %squeeze3A_96 : f32 to vector<16xf32>
        %mul3A_134 = arith.mulf %mul3A_133, %unpack3A_126 : vector<16xf32>
        %add3A_135 = arith.addf %add3A_88, %mul3A_134 : vector<16xf32>
        %mul3A_136 = vector.broadcast %squeeze3A_98 : f32 to vector<16xf32>
        %mul3A_137 = arith.mulf %mul3A_136, %unpack3A_131 : vector<16xf32>
        %add3A_138 = arith.addf %add3A_135, %mul3A_137 : vector<16xf32>
        %mul3A_139 = vector.broadcast %squeeze3A_96 : f32 to vector<16xf32>
        %mul3A_140 = arith.mulf %mul3A_139, %unpack3A_127 : vector<16xf32>
        %add3A_141 = arith.addf %add3A_94, %mul3A_140 : vector<16xf32>
        %mul3A_142 = vector.broadcast %squeeze3A_98 : f32 to vector<16xf32>
        %mul3A_143 = arith.mulf %mul3A_142, %unpack3A_132 : vector<16xf32>
        %add3A_144 = arith.addf %add3A_141, %mul3A_143 : vector<16xf32>
        %slice3A_145 = vector.extract_strided_slice %get3A_31 {offsets = [2], sizes = [1], strides = [1]} : vector<16xf32> to vector<1xf32>
        %squeeze3A_146 = vector.extract %slice3A_145[0] : f32 from vector<1xf32>
        %slice3A_147 = vector.extract_strided_slice %get3A_37 {offsets = [2], sizes = [1], strides = [1]} : vector<16xf32> to vector<1xf32>
        %squeeze3A_148 = vector.extract %slice3A_147[0] : f32 from vector<1xf32>
        %add3A_149 = arith.constant 2 : i32
        %add3A_150 = arith.addi %mul3A_29, %add3A_149 : i32
        %get3A_151 = arith.index_cast %add3A_150 : i32 to index
        %get3A_152 = arith.constant 0 : index
        %get3A_153 = tpu.vector_load %arg10[%get3A_151, %get3A_152] {strides = array<i32>} : memref<104x128xbf16, #tpu.memory_space<vmem>>, vector<32xbf16>,
        %unpack3A_154 = tpu.unpack_subelements %get3A_153, 0 {pack_format = #tpu.pack_format<interleaved>} : vector<32xbf16> -> vector<16xf32>
        %unpack3A_155 = tpu.unpack_subelements %get3A_153, 1 {pack_format = #tpu.pack_format<interleaved>} : vector<32xbf16> -> vector<16xf32>
        %get3A_156 = arith.index_cast %add3A_150 : i32 to index
        %get3A_157 = arith.constant 64 : index
        %get3A_158 = tpu.vector_load %arg10[%get3A_156, %get3A_157] {strides = array<i32>} : memref<104x128xbf16, #tpu.memory_space<vmem>>, vector<32xbf16>,
        %unpack3A_159 = tpu.unpack_subelements %get3A_158, 0 {pack_format = #tpu.pack_format<interleaved>} : vector<32xbf16> -> vector<16xf32>
        %unpack3A_160 = tpu.unpack_subelements %get3A_158, 1 {pack_format = #tpu.pack_format<interleaved>} : vector<32xbf16> -> vector<16xf32>
        %mul3A_161 = vector.broadcast %squeeze3A_146 : f32 to vector<16xf32>
        %mul3A_162 = arith.mulf %mul3A_161, %unpack3A_154 : vector<16xf32>
        %add3A_163 = arith.addf %add3A_116, %mul3A_162 : vector<16xf32>
        %mul3A_164 = vector.broadcast %squeeze3A_148 : f32 to vector<16xf32>
        %mul3A_165 = arith.mulf %mul3A_164, %unpack3A_159 : vector<16xf32>
        %add3A_166 = arith.addf %add3A_163, %mul3A_165 : vector<16xf32>
        %mul3A_167 = vector.broadcast %squeeze3A_146 : f32 to vector<16xf32>
        %mul3A_168 = arith.mulf %mul3A_167, %unpack3A_155 : vector<16xf32>
        %add3A_169 = arith.addf %add3A_122, %mul3A_168 : vector<16xf32>
        %mul3A_170 = vector.broadcast %squeeze3A_148 : f32 to vector<16xf32>
        %mul3A_171 = arith.mulf %mul3A_170, %unpack3A_160 : vector<16xf32>
        %add3A_172 = arith.addf %add3A_169, %mul3A_171 : vector<16xf32>
        %get3A_173 = arith.index_cast %add3A_150 : i32 to index
        %get3A_174 = arith.constant 32 : index
        %get3A_175 = tpu.vector_load %arg10[%get3A_173, %get3A_174] {strides = array<i32>} : memref<104x128xbf16, #tpu.memory_space<vmem>>, vector<32xbf16>,
        %unpack3A_176 = tpu.unpack_subelements %get3A_175, 0 {pack_format = #tpu.pack_format<interleaved>} : vector<32xbf16> -> vector<16xf32>
        %unpack3A_177 = tpu.unpack_subelements %get3A_175, 1 {pack_format = #tpu.pack_format<interleaved>} : vector<32xbf16> -> vector<16xf32>
        %get3A_178 = arith.index_cast %add3A_150 : i32 to index
        %get3A_179 = arith.constant 96 : index
        %get3A_180 = tpu.vector_load %arg10[%get3A_178, %get3A_179] {strides = array<i32>} : memref<104x128xbf16, #tpu.memory_space<vmem>>, vector<32xbf16>,
        %unpack3A_181 = tpu.unpack_subelements %get3A_180, 0 {pack_format = #tpu.pack_format<interleaved>} : vector<32xbf16> -> vector<16xf32>
        %unpack3A_182 = tpu.unpack_subelements %get3A_180, 1 {pack_format = #tpu.pack_format<interleaved>} : vector<32xbf16> -> vector<16xf32>
        %mul3A_183 = vector.broadcast %squeeze3A_146 : f32 to vector<16xf32>
        %mul3A_184 = arith.mulf %mul3A_183, %unpack3A_176 : vector<16xf32>
        %add3A_185 = arith.addf %add3A_138, %mul3A_184 : vector<16xf32>
        %mul3A_186 = vector.broadcast %squeeze3A_148 : f32 to vector<16xf32>
        %mul3A_187 = arith.mulf %mul3A_186, %unpack3A_181 : vector<16xf32>
        %add3A_188 = arith.addf %add3A_185, %mul3A_187 : vector<16xf32>
        %mul3A_189 = vector.broadcast %squeeze3A_146 : f32 to vector<16xf32>
        %mul3A_190 = arith.mulf %mul3A_189, %unpack3A_177 : vector<16xf32>
        %add3A_191 = arith.addf %add3A_144, %mul3A_190 : vector<16xf32>
        %mul3A_192 = vector.broadcast %squeeze3A_148 : f32 to vector<16xf32>
        %mul3A_193 = arith.mulf %mul3A_192, %unpack3A_182 : vector<16xf32>
        %add3A_194 = arith.addf %add3A_191, %mul3A_193 : vector<16xf32>
        %slice3A_195 = vector.extract_strided_slice %get3A_31 {offsets = [3], sizes = [1], strides = [1]} : vector<16xf32> to vector<1xf32>
        %squeeze3A_196 = vector.extract %slice3A_195[0] : f32 from vector<1xf32>
        %slice3A_197 = vector.extract_strided_slice %get3A_37 {offsets = [3], sizes = [1], strides = [1]} : vector<16xf32> to vector<1xf32>
        %squeeze3A_198 = vector.extract %slice3A_197[0] : f32 from vector<1xf32>
        %add3A_199 = arith.constant 3 : i32
        %add3A_200 = arith.addi %mul3A_29, %add3A_199 : i32
        %get3A_201 = arith.index_cast %add3A_200 : i32 to index
        %get3A_202 = arith.constant 0 : index
        %get3A_203 = tpu.vector_load %arg10[%get3A_201, %get3A_202] {strides = array<i32>} : memref<104x128xbf16, #tpu.memory_space<vmem>>, vector<32xbf16>,
        %unpack3A_204 = tpu.unpack_subelements %get3A_203, 0 {pack_format = #tpu.pack_format<interleaved>} : vector<32xbf16> -> vector<16xf32>
        %unpack3A_205 = tpu.unpack_subelements %get3A_203, 1 {pack_format = #tpu.pack_format<interleaved>} : vector<32xbf16> -> vector<16xf32>
        %get3A_206 = arith.index_cast %add3A_200 : i32 to index
        %get3A_207 = arith.constant 64 : index
        %get3A_208 = tpu.vector_load %arg10[%get3A_206, %get3A_207] {strides = array<i32>} : memref<104x128xbf16, #tpu.memory_space<vmem>>, vector<32xbf16>,
        %unpack3A_209 = tpu.unpack_subelements %get3A_208, 0 {pack_format = #tpu.pack_format<interleaved>} : vector<32xbf16> -> vector<16xf32>
        %unpack3A_210 = tpu.unpack_subelements %get3A_208, 1 {pack_format = #tpu.pack_format<interleaved>} : vector<32xbf16> -> vector<16xf32>
        %mul3A_211 = vector.broadcast %squeeze3A_196 : f32 to vector<16xf32>
        %mul3A_212 = arith.mulf %mul3A_211, %unpack3A_204 : vector<16xf32>
        %add3A_213 = arith.addf %add3A_166, %mul3A_212 : vector<16xf32>
        %mul3A_214 = vector.broadcast %squeeze3A_198 : f32 to vector<16xf32>
        %mul3A_215 = arith.mulf %mul3A_214, %unpack3A_209 : vector<16xf32>
        %add3A_216 = arith.addf %add3A_213, %mul3A_215 : vector<16xf32>
        %mul3A_217 = vector.broadcast %squeeze3A_196 : f32 to vector<16xf32>
        %mul3A_218 = arith.mulf %mul3A_217, %unpack3A_205 : vector<16xf32>
        %add3A_219 = arith.addf %add3A_172, %mul3A_218 : vector<16xf32>
        %mul3A_220 = vector.broadcast %squeeze3A_198 : f32 to vector<16xf32>
        %mul3A_221 = arith.mulf %mul3A_220, %unpack3A_210 : vector<16xf32>
        %add3A_222 = arith.addf %add3A_219, %mul3A_221 : vector<16xf32>
        %get3A_223 = arith.index_cast %add3A_200 : i32 to index
        %get3A_224 = arith.constant 32 : index
        %get3A_225 = tpu.vector_load %arg10[%get3A_223, %get3A_224] {strides = array<i32>} : memref<104x128xbf16, #tpu.memory_space<vmem>>, vector<32xbf16>,
        %unpack3A_226 = tpu.unpack_subelements %get3A_225, 0 {pack_format = #tpu.pack_format<interleaved>} : vector<32xbf16> -> vector<16xf32>
        %unpack3A_227 = tpu.unpack_subelements %get3A_225, 1 {pack_format = #tpu.pack_format<interleaved>} : vector<32xbf16> -> vector<16xf32>
        %get3A_228 = arith.index_cast %add3A_200 : i32 to index
        %get3A_229 = arith.constant 96 : index
        %get3A_230 = tpu.vector_load %arg10[%get3A_228, %get3A_229] {strides = array<i32>} : memref<104x128xbf16, #tpu.memory_space<vmem>>, vector<32xbf16>,
        %unpack3A_231 = tpu.unpack_subelements %get3A_230, 0 {pack_format = #tpu.pack_format<interleaved>} : vector<32xbf16> -> vector<16xf32>
        %unpack3A_232 = tpu.unpack_subelements %get3A_230, 1 {pack_format = #tpu.pack_format<interleaved>} : vector<32xbf16> -> vector<16xf32>
        %mul3A_233 = vector.broadcast %squeeze3A_196 : f32 to vector<16xf32>
        %mul3A_234 = arith.mulf %mul3A_233, %unpack3A_226 : vector<16xf32>
        %add3A_235 = arith.addf %add3A_188, %mul3A_234 : vector<16xf32>
        %mul3A_236 = vector.broadcast %squeeze3A_198 : f32 to vector<16xf32>
        %mul3A_237 = arith.mulf %mul3A_236, %unpack3A_231 : vector<16xf32>
        %add3A_238 = arith.addf %add3A_235, %mul3A_237 : vector<16xf32>
        %mul3A_239 = vector.broadcast %squeeze3A_196 : f32 to vector<16xf32>
        %mul3A_240 = arith.mulf %mul3A_239, %unpack3A_227 : vector<16xf32>
        %add3A_241 = arith.addf %add3A_194, %mul3A_240 : vector<16xf32>
        %mul3A_242 = vector.broadcast %squeeze3A_198 : f32 to vector<16xf32>
        %mul3A_243 = arith.mulf %mul3A_242, %unpack3A_232 : vector<16xf32>
        %add3A_244 = arith.addf %add3A_241, %mul3A_243 : vector<16xf32>
        %slice3A_245 = vector.extract_strided_slice %get3A_31 {offsets = [4], sizes = [1], strides = [1]} : vector<16xf32> to vector<1xf32>
        %squeeze3A_246 = vector.extract %slice3A_245[0] : f32 from vector<1xf32>
        %slice3A_247 = vector.extract_strided_slice %get3A_37 {offsets = [4], sizes = [1], strides = [1]} : vector<16xf32> to vector<1xf32>
        %squeeze3A_248 = vector.extract %slice3A_247[0] : f32 from vector<1xf32>
        %add3A_249 = arith.constant 4 : i32
        %add3A_250 = arith.addi %mul3A_29, %add3A_249 : i32
        %get3A_251 = arith.index_cast %add3A_250 : i32 to index
        %get3A_252 = arith.constant 0 : index
        %get3A_253 = tpu.vector_load %arg10[%get3A_251, %get3A_252] {strides = array<i32>} : memref<104x128xbf16, #tpu.memory_space<vmem>>, vector<32xbf16>,
        %unpack3A_254 = tpu.unpack_subelements %get3A_253, 0 {pack_format = #tpu.pack_format<interleaved>} : vector<32xbf16> -> vector<16xf32>
        %unpack3A_255 = tpu.unpack_subelements %get3A_253, 1 {pack_format = #tpu.pack_format<interleaved>} : vector<32xbf16> -> vector<16xf32>
        %get3A_256 = arith.index_cast %add3A_250 : i32 to index
        %get3A_257 = arith.constant 64 : index
        %get3A_258 = tpu.vector_load %arg10[%get3A_256, %get3A_257] {strides = array<i32>} : memref<104x128xbf16, #tpu.memory_space<vmem>>, vector<32xbf16>,
        %unpack3A_259 = tpu.unpack_subelements %get3A_258, 0 {pack_format = #tpu.pack_format<interleaved>} : vector<32xbf16> -> vector<16xf32>
        %unpack3A_260 = tpu.unpack_subelements %get3A_258, 1 {pack_format = #tpu.pack_format<interleaved>} : vector<32xbf16> -> vector<16xf32>
        %mul3A_261 = vector.broadcast %squeeze3A_246 : f32 to vector<16xf32>
        %mul3A_262 = arith.mulf %mul3A_261, %unpack3A_254 : vector<16xf32>
        %add3A_263 = arith.addf %add3A_216, %mul3A_262 : vector<16xf32>
        %mul3A_264 = vector.broadcast %squeeze3A_248 : f32 to vector<16xf32>
        %mul3A_265 = arith.mulf %mul3A_264, %unpack3A_259 : vector<16xf32>
        %add3A_266 = arith.addf %add3A_263, %mul3A_265 : vector<16xf32>
        %mul3A_267 = vector.broadcast %squeeze3A_246 : f32 to vector<16xf32>
        %mul3A_268 = arith.mulf %mul3A_267, %unpack3A_255 : vector<16xf32>
        %add3A_269 = arith.addf %add3A_222, %mul3A_268 : vector<16xf32>
        %mul3A_270 = vector.broadcast %squeeze3A_248 : f32 to vector<16xf32>
        %mul3A_271 = arith.mulf %mul3A_270, %unpack3A_260 : vector<16xf32>
        %add3A_272 = arith.addf %add3A_269, %mul3A_271 : vector<16xf32>
        %get3A_273 = arith.index_cast %add3A_250 : i32 to index
        %get3A_274 = arith.constant 32 : index
        %get3A_275 = tpu.vector_load %arg10[%get3A_273, %get3A_274] {strides = array<i32>} : memref<104x128xbf16, #tpu.memory_space<vmem>>, vector<32xbf16>,
        %unpack3A_276 = tpu.unpack_subelements %get3A_275, 0 {pack_format = #tpu.pack_format<interleaved>} : vector<32xbf16> -> vector<16xf32>
        %unpack3A_277 = tpu.unpack_subelements %get3A_275, 1 {pack_format = #tpu.pack_format<interleaved>} : vector<32xbf16> -> vector<16xf32>
        %get3A_278 = arith.index_cast %add3A_250 : i32 to index
        %get3A_279 = arith.constant 96 : index
        %get3A_280 = tpu.vector_load %arg10[%get3A_278, %get3A_279] {strides = array<i32>} : memref<104x128xbf16, #tpu.memory_space<vmem>>, vector<32xbf16>,
        %unpack3A_281 = tpu.unpack_subelements %get3A_280, 0 {pack_format = #tpu.pack_format<interleaved>} : vector<32xbf16> -> vector<16xf32>
        %unpack3A_282 = tpu.unpack_subelements %get3A_280, 1 {pack_format = #tpu.pack_format<interleaved>} : vector<32xbf16> -> vector<16xf32>
        %mul3A_283 = vector.broadcast %squeeze3A_246 : f32 to vector<16xf32>
        %mul3A_284 = arith.mulf %mul3A_283, %unpack3A_276 : vector<16xf32>
        %add3A_285 = arith.addf %add3A_238, %mul3A_284 : vector<16xf32>
        %mul3A_286 = vector.broadcast %squeeze3A_248 : f32 to vector<16xf32>
        %mul3A_287 = arith.mulf %mul3A_286, %unpack3A_281 : vector<16xf32>
        %add3A_288 = arith.addf %add3A_285, %mul3A_287 : vector<16xf32>
        %mul3A_289 = vector.broadcast %squeeze3A_246 : f32 to vector<16xf32>
        %mul3A_290 = arith.mulf %mul3A_289, %unpack3A_277 : vector<16xf32>
        %add3A_291 = arith.addf %add3A_244, %mul3A_290 : vector<16xf32>
        %mul3A_292 = vector.broadcast %squeeze3A_248 : f32 to vector<16xf32>
        %mul3A_293 = arith.mulf %mul3A_292, %unpack3A_282 : vector<16xf32>
        %add3A_294 = arith.addf %add3A_291, %mul3A_293 : vector<16xf32>
        %slice3A_295 = vector.extract_strided_slice %get3A_31 {offsets = [5], sizes = [1], strides = [1]} : vector<16xf32> to vector<1xf32>
        %squeeze3A_296 = vector.extract %slice3A_295[0] : f32 from vector<1xf32>
        %slice3A_297 = vector.extract_strided_slice %get3A_37 {offsets = [5], sizes = [1], strides = [1]} : vector<16xf32> to vector<1xf32>
        %squeeze3A_298 = vector.extract %slice3A_297[0] : f32 from vector<1xf32>
        %add3A_299 = arith.constant 5 : i32
        %add3A_300 = arith.addi %mul3A_29, %add3A_299 : i32
        %get3A_301 = arith.index_cast %add3A_300 : i32 to index
        %get3A_302 = arith.constant 0 : index
        %get3A_303 = tpu.vector_load %arg10[%get3A_301, %get3A_302] {strides = array<i32>} : memref<104x128xbf16, #tpu.memory_space<vmem>>, vector<32xbf16>,
        %unpack3A_304 = tpu.unpack_subelements %get3A_303, 0 {pack_format = #tpu.pack_format<interleaved>} : vector<32xbf16> -> vector<16xf32>
        %unpack3A_305 = tpu.unpack_subelements %get3A_303, 1 {pack_format = #tpu.pack_format<interleaved>} : vector<32xbf16> -> vector<16xf32>
        %get3A_306 = arith.index_cast %add3A_300 : i32 to index
        %get3A_307 = arith.constant 64 : index
        %get3A_308 = tpu.vector_load %arg10[%get3A_306, %get3A_307] {strides = array<i32>} : memref<104x128xbf16, #tpu.memory_space<vmem>>, vector<32xbf16>,
        %unpack3A_309 = tpu.unpack_subelements %get3A_308, 0 {pack_format = #tpu.pack_format<interleaved>} : vector<32xbf16> -> vector<16xf32>
        %unpack3A_310 = tpu.unpack_subelements %get3A_308, 1 {pack_format = #tpu.pack_format<interleaved>} : vector<32xbf16> -> vector<16xf32>
        %mul3A_311 = vector.broadcast %squeeze3A_296 : f32 to vector<16xf32>
        %mul3A_312 = arith.mulf %mul3A_311, %unpack3A_304 : vector<16xf32>
        %add3A_313 = arith.addf %add3A_266, %mul3A_312 : vector<16xf32>
        %mul3A_314 = vector.broadcast %squeeze3A_298 : f32 to vector<16xf32>
        %mul3A_315 = arith.mulf %mul3A_314, %unpack3A_309 : vector<16xf32>
        %add3A_316 = arith.addf %add3A_313, %mul3A_315 : vector<16xf32>
        %mul3A_317 = vector.broadcast %squeeze3A_296 : f32 to vector<16xf32>
        %mul3A_318 = arith.mulf %mul3A_317, %unpack3A_305 : vector<16xf32>
        %add3A_319 = arith.addf %add3A_272, %mul3A_318 : vector<16xf32>
        %mul3A_320 = vector.broadcast %squeeze3A_298 : f32 to vector<16xf32>
        %mul3A_321 = arith.mulf %mul3A_320, %unpack3A_310 : vector<16xf32>
        %add3A_322 = arith.addf %add3A_319, %mul3A_321 : vector<16xf32>
        %get3A_323 = arith.index_cast %add3A_300 : i32 to index
        %get3A_324 = arith.constant 32 : index
        %get3A_325 = tpu.vector_load %arg10[%get3A_323, %get3A_324] {strides = array<i32>} : memref<104x128xbf16, #tpu.memory_space<vmem>>, vector<32xbf16>,
        %unpack3A_326 = tpu.unpack_subelements %get3A_325, 0 {pack_format = #tpu.pack_format<interleaved>} : vector<32xbf16> -> vector<16xf32>
        %unpack3A_327 = tpu.unpack_subelements %get3A_325, 1 {pack_format = #tpu.pack_format<interleaved>} : vector<32xbf16> -> vector<16xf32>
        %get3A_328 = arith.index_cast %add3A_300 : i32 to index
        %get3A_329 = arith.constant 96 : index
        %get3A_330 = tpu.vector_load %arg10[%get3A_328, %get3A_329] {strides = array<i32>} : memref<104x128xbf16, #tpu.memory_space<vmem>>, vector<32xbf16>,
        %unpack3A_331 = tpu.unpack_subelements %get3A_330, 0 {pack_format = #tpu.pack_format<interleaved>} : vector<32xbf16> -> vector<16xf32>
        %unpack3A_332 = tpu.unpack_subelements %get3A_330, 1 {pack_format = #tpu.pack_format<interleaved>} : vector<32xbf16> -> vector<16xf32>
        %mul3A_333 = vector.broadcast %squeeze3A_296 : f32 to vector<16xf32>
        %mul3A_334 = arith.mulf %mul3A_333, %unpack3A_326 : vector<16xf32>
        %add3A_335 = arith.addf %add3A_288, %mul3A_334 : vector<16xf32>
        %mul3A_336 = vector.broadcast %squeeze3A_298 : f32 to vector<16xf32>
        %mul3A_337 = arith.mulf %mul3A_336, %unpack3A_331 : vector<16xf32>
        %add3A_338 = arith.addf %add3A_335, %mul3A_337 : vector<16xf32>
        %mul3A_339 = vector.broadcast %squeeze3A_296 : f32 to vector<16xf32>
        %mul3A_340 = arith.mulf %mul3A_339, %unpack3A_327 : vector<16xf32>
        %add3A_341 = arith.addf %add3A_294, %mul3A_340 : vector<16xf32>
        %mul3A_342 = vector.broadcast %squeeze3A_298 : f32 to vector<16xf32>
        %mul3A_343 = arith.mulf %mul3A_342, %unpack3A_332 : vector<16xf32>
        %add3A_344 = arith.addf %add3A_341, %mul3A_343 : vector<16xf32>
        %slice3A_345 = vector.extract_strided_slice %get3A_31 {offsets = [6], sizes = [1], strides = [1]} : vector<16xf32> to vector<1xf32>
        %squeeze3A_346 = vector.extract %slice3A_345[0] : f32 from vector<1xf32>
        %slice3A_347 = vector.extract_strided_slice %get3A_37 {offsets = [6], sizes = [1], strides = [1]} : vector<16xf32> to vector<1xf32>
        %squeeze3A_348 = vector.extract %slice3A_347[0] : f32 from vector<1xf32>
        %add3A_349 = arith.constant 6 : i32
        %add3A_350 = arith.addi %mul3A_29, %add3A_349 : i32
        %get3A_351 = arith.index_cast %add3A_350 : i32 to index
        %get3A_352 = arith.constant 0 : index
        %get3A_353 = tpu.vector_load %arg10[%get3A_351, %get3A_352] {strides = array<i32>} : memref<104x128xbf16, #tpu.memory_space<vmem>>, vector<32xbf16>,
        %unpack3A_354 = tpu.unpack_subelements %get3A_353, 0 {pack_format = #tpu.pack_format<interleaved>} : vector<32xbf16> -> vector<16xf32>
        %unpack3A_355 = tpu.unpack_subelements %get3A_353, 1 {pack_format = #tpu.pack_format<interleaved>} : vector<32xbf16> -> vector<16xf32>
        %get3A_356 = arith.index_cast %add3A_350 : i32 to index
        %get3A_357 = arith.constant 64 : index
        %get3A_358 = tpu.vector_load %arg10[%get3A_356, %get3A_357] {strides = array<i32>} : memref<104x128xbf16, #tpu.memory_space<vmem>>, vector<32xbf16>,
        %unpack3A_359 = tpu.unpack_subelements %get3A_358, 0 {pack_format = #tpu.pack_format<interleaved>} : vector<32xbf16> -> vector<16xf32>
        %unpack3A_360 = tpu.unpack_subelements %get3A_358, 1 {pack_format = #tpu.pack_format<interleaved>} : vector<32xbf16> -> vector<16xf32>
        %mul3A_361 = vector.broadcast %squeeze3A_346 : f32 to vector<16xf32>
        %mul3A_362 = arith.mulf %mul3A_361, %unpack3A_354 : vector<16xf32>
        %add3A_363 = arith.addf %add3A_316, %mul3A_362 : vector<16xf32>
        %mul3A_364 = vector.broadcast %squeeze3A_348 : f32 to vector<16xf32>
        %mul3A_365 = arith.mulf %mul3A_364, %unpack3A_359 : vector<16xf32>
        %add3A_366 = arith.addf %add3A_363, %mul3A_365 : vector<16xf32>
        %mul3A_367 = vector.broadcast %squeeze3A_346 : f32 to vector<16xf32>
        %mul3A_368 = arith.mulf %mul3A_367, %unpack3A_355 : vector<16xf32>
        %add3A_369 = arith.addf %add3A_322, %mul3A_368 : vector<16xf32>
        %mul3A_370 = vector.broadcast %squeeze3A_348 : f32 to vector<16xf32>
        %mul3A_371 = arith.mulf %mul3A_370, %unpack3A_360 : vector<16xf32>
        %add3A_372 = arith.addf %add3A_369, %mul3A_371 : vector<16xf32>
        %get3A_373 = arith.index_cast %add3A_350 : i32 to index
        %get3A_374 = arith.constant 32 : index
        %get3A_375 = tpu.vector_load %arg10[%get3A_373, %get3A_374] {strides = array<i32>} : memref<104x128xbf16, #tpu.memory_space<vmem>>, vector<32xbf16>,
        %unpack3A_376 = tpu.unpack_subelements %get3A_375, 0 {pack_format = #tpu.pack_format<interleaved>} : vector<32xbf16> -> vector<16xf32>
        %unpack3A_377 = tpu.unpack_subelements %get3A_375, 1 {pack_format = #tpu.pack_format<interleaved>} : vector<32xbf16> -> vector<16xf32>
        %get3A_378 = arith.index_cast %add3A_350 : i32 to index
        %get3A_379 = arith.constant 96 : index
        %get3A_380 = tpu.vector_load %arg10[%get3A_378, %get3A_379] {strides = array<i32>} : memref<104x128xbf16, #tpu.memory_space<vmem>>, vector<32xbf16>,
        %unpack3A_381 = tpu.unpack_subelements %get3A_380, 0 {pack_format = #tpu.pack_format<interleaved>} : vector<32xbf16> -> vector<16xf32>
        %unpack3A_382 = tpu.unpack_subelements %get3A_380, 1 {pack_format = #tpu.pack_format<interleaved>} : vector<32xbf16> -> vector<16xf32>
        %mul3A_383 = vector.broadcast %squeeze3A_346 : f32 to vector<16xf32>
        %mul3A_384 = arith.mulf %mul3A_383, %unpack3A_376 : vector<16xf32>
        %add3A_385 = arith.addf %add3A_338, %mul3A_384 : vector<16xf32>
        %mul3A_386 = vector.broadcast %squeeze3A_348 : f32 to vector<16xf32>
        %mul3A_387 = arith.mulf %mul3A_386, %unpack3A_381 : vector<16xf32>
        %add3A_388 = arith.addf %add3A_385, %mul3A_387 : vector<16xf32>
        %mul3A_389 = vector.broadcast %squeeze3A_346 : f32 to vector<16xf32>
        %mul3A_390 = arith.mulf %mul3A_389, %unpack3A_377 : vector<16xf32>
        %add3A_391 = arith.addf %add3A_344, %mul3A_390 : vector<16xf32>
        %mul3A_392 = vector.broadcast %squeeze3A_348 : f32 to vector<16xf32>
        %mul3A_393 = arith.mulf %mul3A_392, %unpack3A_382 : vector<16xf32>
        %add3A_394 = arith.addf %add3A_391, %mul3A_393 : vector<16xf32>
        %slice3A_395 = vector.extract_strided_slice %get3A_31 {offsets = [7], sizes = [1], strides = [1]} : vector<16xf32> to vector<1xf32>
        %squeeze3A_396 = vector.extract %slice3A_395[0] : f32 from vector<1xf32>
        %slice3A_397 = vector.extract_strided_slice %get3A_37 {offsets = [7], sizes = [1], strides = [1]} : vector<16xf32> to vector<1xf32>
        %squeeze3A_398 = vector.extract %slice3A_397[0] : f32 from vector<1xf32>
        %add3A_399 = arith.constant 7 : i32
        %add3A_400 = arith.addi %mul3A_29, %add3A_399 : i32
        %get3A_401 = arith.index_cast %add3A_400 : i32 to index
        %get3A_402 = arith.constant 0 : index
        %get3A_403 = tpu.vector_load %arg10[%get3A_401, %get3A_402] {strides = array<i32>} : memref<104x128xbf16, #tpu.memory_space<vmem>>, vector<32xbf16>,
        %unpack3A_404 = tpu.unpack_subelements %get3A_403, 0 {pack_format = #tpu.pack_format<interleaved>} : vector<32xbf16> -> vector<16xf32>
        %unpack3A_405 = tpu.unpack_subelements %get3A_403, 1 {pack_format = #tpu.pack_format<interleaved>} : vector<32xbf16> -> vector<16xf32>
        %get3A_406 = arith.index_cast %add3A_400 : i32 to index
        %get3A_407 = arith.constant 64 : index
        %get3A_408 = tpu.vector_load %arg10[%get3A_406, %get3A_407] {strides = array<i32>} : memref<104x128xbf16, #tpu.memory_space<vmem>>, vector<32xbf16>,
        %unpack3A_409 = tpu.unpack_subelements %get3A_408, 0 {pack_format = #tpu.pack_format<interleaved>} : vector<32xbf16> -> vector<16xf32>
        %unpack3A_410 = tpu.unpack_subelements %get3A_408, 1 {pack_format = #tpu.pack_format<interleaved>} : vector<32xbf16> -> vector<16xf32>
        %mul3A_411 = vector.broadcast %squeeze3A_396 : f32 to vector<16xf32>
        %mul3A_412 = arith.mulf %mul3A_411, %unpack3A_404 : vector<16xf32>
        %add3A_413 = arith.addf %add3A_366, %mul3A_412 : vector<16xf32>
        %mul3A_414 = vector.broadcast %squeeze3A_398 : f32 to vector<16xf32>
        %mul3A_415 = arith.mulf %mul3A_414, %unpack3A_409 : vector<16xf32>
        %add3A_416 = arith.addf %add3A_413, %mul3A_415 : vector<16xf32>
        %mul3A_417 = vector.broadcast %squeeze3A_396 : f32 to vector<16xf32>
        %mul3A_418 = arith.mulf %mul3A_417, %unpack3A_405 : vector<16xf32>
        %add3A_419 = arith.addf %add3A_372, %mul3A_418 : vector<16xf32>
        %mul3A_420 = vector.broadcast %squeeze3A_398 : f32 to vector<16xf32>
        %mul3A_421 = arith.mulf %mul3A_420, %unpack3A_410 : vector<16xf32>
        %add3A_422 = arith.addf %add3A_419, %mul3A_421 : vector<16xf32>
        %get3A_423 = arith.index_cast %add3A_400 : i32 to index
        %get3A_424 = arith.constant 32 : index
        %get3A_425 = tpu.vector_load %arg10[%get3A_423, %get3A_424] {strides = array<i32>} : memref<104x128xbf16, #tpu.memory_space<vmem>>, vector<32xbf16>,
        %unpack3A_426 = tpu.unpack_subelements %get3A_425, 0 {pack_format = #tpu.pack_format<interleaved>} : vector<32xbf16> -> vector<16xf32>
        %unpack3A_427 = tpu.unpack_subelements %get3A_425, 1 {pack_format = #tpu.pack_format<interleaved>} : vector<32xbf16> -> vector<16xf32>
        %get3A_428 = arith.index_cast %add3A_400 : i32 to index
        %get3A_429 = arith.constant 96 : index
        %get3A_430 = tpu.vector_load %arg10[%get3A_428, %get3A_429] {strides = array<i32>} : memref<104x128xbf16, #tpu.memory_space<vmem>>, vector<32xbf16>,
        %unpack3A_431 = tpu.unpack_subelements %get3A_430, 0 {pack_format = #tpu.pack_format<interleaved>} : vector<32xbf16> -> vector<16xf32>
        %unpack3A_432 = tpu.unpack_subelements %get3A_430, 1 {pack_format = #tpu.pack_format<interleaved>} : vector<32xbf16> -> vector<16xf32>
        %mul3A_433 = vector.broadcast %squeeze3A_396 : f32 to vector<16xf32>
        %mul3A_434 = arith.mulf %mul3A_433, %unpack3A_426 : vector<16xf32>
        %add3A_435 = arith.addf %add3A_388, %mul3A_434 : vector<16xf32>
        %mul3A_436 = vector.broadcast %squeeze3A_398 : f32 to vector<16xf32>
        %mul3A_437 = arith.mulf %mul3A_436, %unpack3A_431 : vector<16xf32>
        %add3A_438 = arith.addf %add3A_435, %mul3A_437 : vector<16xf32>
        %mul3A_439 = vector.broadcast %squeeze3A_396 : f32 to vector<16xf32>
        %mul3A_440 = arith.mulf %mul3A_439, %unpack3A_427 : vector<16xf32>
        %add3A_441 = arith.addf %add3A_394, %mul3A_440 : vector<16xf32>
        %mul3A_442 = vector.broadcast %squeeze3A_398 : f32 to vector<16xf32>
        %mul3A_443 = arith.mulf %mul3A_442, %unpack3A_432 : vector<16xf32>
        %add3A_444 = arith.addf %add3A_441, %mul3A_443 : vector<16xf32>
        %slice3A_445 = vector.extract_strided_slice %get3A_31 {offsets = [8], sizes = [1], strides = [1]} : vector<16xf32> to vector<1xf32>
        %squeeze3A_446 = vector.extract %slice3A_445[0] : f32 from vector<1xf32>
        %slice3A_447 = vector.extract_strided_slice %get3A_37 {offsets = [8], sizes = [1], strides = [1]} : vector<16xf32> to vector<1xf32>
        %squeeze3A_448 = vector.extract %slice3A_447[0] : f32 from vector<1xf32>
        %add3A_449 = arith.constant 8 : i32
        %add3A_450 = arith.addi %mul3A_29, %add3A_449 : i32
        %get3A_451 = arith.index_cast %add3A_450 : i32 to index
        %get3A_452 = arith.constant 0 : index
        %get3A_453 = tpu.vector_load %arg10[%get3A_451, %get3A_452] {strides = array<i32>} : memref<104x128xbf16, #tpu.memory_space<vmem>>, vector<32xbf16>,
        %unpack3A_454 = tpu.unpack_subelements %get3A_453, 0 {pack_format = #tpu.pack_format<interleaved>} : vector<32xbf16> -> vector<16xf32>
        %unpack3A_455 = tpu.unpack_subelements %get3A_453, 1 {pack_format = #tpu.pack_format<interleaved>} : vector<32xbf16> -> vector<16xf32>
        %get3A_456 = arith.index_cast %add3A_450 : i32 to index
        %get3A_457 = arith.constant 64 : index
        %get3A_458 = tpu.vector_load %arg10[%get3A_456, %get3A_457] {strides = array<i32>} : memref<104x128xbf16, #tpu.memory_space<vmem>>, vector<32xbf16>,
        %unpack3A_459 = tpu.unpack_subelements %get3A_458, 0 {pack_format = #tpu.pack_format<interleaved>} : vector<32xbf16> -> vector<16xf32>
        %unpack3A_460 = tpu.unpack_subelements %get3A_458, 1 {pack_format = #tpu.pack_format<interleaved>} : vector<32xbf16> -> vector<16xf32>
        %mul3A_461 = vector.broadcast %squeeze3A_446 : f32 to vector<16xf32>
        %mul3A_462 = arith.mulf %mul3A_461, %unpack3A_454 : vector<16xf32>
        %add3A_463 = arith.addf %add3A_416, %mul3A_462 : vector<16xf32>
        %mul3A_464 = vector.broadcast %squeeze3A_448 : f32 to vector<16xf32>
        %mul3A_465 = arith.mulf %mul3A_464, %unpack3A_459 : vector<16xf32>
        %add3A_466 = arith.addf %add3A_463, %mul3A_465 : vector<16xf32>
        %mul3A_467 = vector.broadcast %squeeze3A_446 : f32 to vector<16xf32>
        %mul3A_468 = arith.mulf %mul3A_467, %unpack3A_455 : vector<16xf32>
        %add3A_469 = arith.addf %add3A_422, %mul3A_468 : vector<16xf32>
        %mul3A_470 = vector.broadcast %squeeze3A_448 : f32 to vector<16xf32>
        %mul3A_471 = arith.mulf %mul3A_470, %unpack3A_460 : vector<16xf32>
        %add3A_472 = arith.addf %add3A_469, %mul3A_471 : vector<16xf32>
        %get3A_473 = arith.index_cast %add3A_450 : i32 to index
        %get3A_474 = arith.constant 32 : index
        %get3A_475 = tpu.vector_load %arg10[%get3A_473, %get3A_474] {strides = array<i32>} : memref<104x128xbf16, #tpu.memory_space<vmem>>, vector<32xbf16>,
        %unpack3A_476 = tpu.unpack_subelements %get3A_475, 0 {pack_format = #tpu.pack_format<interleaved>} : vector<32xbf16> -> vector<16xf32>
        %unpack3A_477 = tpu.unpack_subelements %get3A_475, 1 {pack_format = #tpu.pack_format<interleaved>} : vector<32xbf16> -> vector<16xf32>
        %get3A_478 = arith.index_cast %add3A_450 : i32 to index
        %get3A_479 = arith.constant 96 : index
        %get3A_480 = tpu.vector_load %arg10[%get3A_478, %get3A_479] {strides = array<i32>} : memref<104x128xbf16, #tpu.memory_space<vmem>>, vector<32xbf16>,
        %unpack3A_481 = tpu.unpack_subelements %get3A_480, 0 {pack_format = #tpu.pack_format<interleaved>} : vector<32xbf16> -> vector<16xf32>
        %unpack3A_482 = tpu.unpack_subelements %get3A_480, 1 {pack_format = #tpu.pack_format<interleaved>} : vector<32xbf16> -> vector<16xf32>
        %mul3A_483 = vector.broadcast %squeeze3A_446 : f32 to vector<16xf32>
        %mul3A_484 = arith.mulf %mul3A_483, %unpack3A_476 : vector<16xf32>
        %add3A_485 = arith.addf %add3A_438, %mul3A_484 : vector<16xf32>
        %mul3A_486 = vector.broadcast %squeeze3A_448 : f32 to vector<16xf32>
        %mul3A_487 = arith.mulf %mul3A_486, %unpack3A_481 : vector<16xf32>
        %add3A_488 = arith.addf %add3A_485, %mul3A_487 : vector<16xf32>
        %mul3A_489 = vector.broadcast %squeeze3A_446 : f32 to vector<16xf32>
        %mul3A_490 = arith.mulf %mul3A_489, %unpack3A_477 : vector<16xf32>
        %add3A_491 = arith.addf %add3A_444, %mul3A_490 : vector<16xf32>
        %mul3A_492 = vector.broadcast %squeeze3A_448 : f32 to vector<16xf32>
        %mul3A_493 = arith.mulf %mul3A_492, %unpack3A_482 : vector<16xf32>
        %add3A_494 = arith.addf %add3A_491, %mul3A_493 : vector<16xf32>
        %slice3A_495 = vector.extract_strided_slice %get3A_31 {offsets = [9], sizes = [1], strides = [1]} : vector<16xf32> to vector<1xf32>
        %squeeze3A_496 = vector.extract %slice3A_495[0] : f32 from vector<1xf32>
        %slice3A_497 = vector.extract_strided_slice %get3A_37 {offsets = [9], sizes = [1], strides = [1]} : vector<16xf32> to vector<1xf32>
        %squeeze3A_498 = vector.extract %slice3A_497[0] : f32 from vector<1xf32>
        %add3A_499 = arith.constant 9 : i32
        %add3A_500 = arith.addi %mul3A_29, %add3A_499 : i32
        %get3A_501 = arith.index_cast %add3A_500 : i32 to index
        %get3A_502 = arith.constant 0 : index
        %get3A_503 = tpu.vector_load %arg10[%get3A_501, %get3A_502] {strides = array<i32>} : memref<104x128xbf16, #tpu.memory_space<vmem>>, vector<32xbf16>,
        %unpack3A_504 = tpu.unpack_subelements %get3A_503, 0 {pack_format = #tpu.pack_format<interleaved>} : vector<32xbf16> -> vector<16xf32>
        %unpack3A_505 = tpu.unpack_subelements %get3A_503, 1 {pack_format = #tpu.pack_format<interleaved>} : vector<32xbf16> -> vector<16xf32>
        %get3A_506 = arith.index_cast %add3A_500 : i32 to index
        %get3A_507 = arith.constant 64 : index
        %get3A_508 = tpu.vector_load %arg10[%get3A_506, %get3A_507] {strides = array<i32>} : memref<104x128xbf16, #tpu.memory_space<vmem>>, vector<32xbf16>,
        %unpack3A_509 = tpu.unpack_subelements %get3A_508, 0 {pack_format = #tpu.pack_format<interleaved>} : vector<32xbf16> -> vector<16xf32>
        %unpack3A_510 = tpu.unpack_subelements %get3A_508, 1 {pack_format = #tpu.pack_format<interleaved>} : vector<32xbf16> -> vector<16xf32>
        %mul3A_511 = vector.broadcast %squeeze3A_496 : f32 to vector<16xf32>
        %mul3A_512 = arith.mulf %mul3A_511, %unpack3A_504 : vector<16xf32>
        %add3A_513 = arith.addf %add3A_466, %mul3A_512 : vector<16xf32>
        %mul3A_514 = vector.broadcast %squeeze3A_498 : f32 to vector<16xf32>
        %mul3A_515 = arith.mulf %mul3A_514, %unpack3A_509 : vector<16xf32>
        %add3A_516 = arith.addf %add3A_513, %mul3A_515 : vector<16xf32>
        %mul3A_517 = vector.broadcast %squeeze3A_496 : f32 to vector<16xf32>
        %mul3A_518 = arith.mulf %mul3A_517, %unpack3A_505 : vector<16xf32>
        %add3A_519 = arith.addf %add3A_472, %mul3A_518 : vector<16xf32>
        %mul3A_520 = vector.broadcast %squeeze3A_498 : f32 to vector<16xf32>
        %mul3A_521 = arith.mulf %mul3A_520, %unpack3A_510 : vector<16xf32>
        %add3A_522 = arith.addf %add3A_519, %mul3A_521 : vector<16xf32>
        %get3A_523 = arith.index_cast %add3A_500 : i32 to index
        %get3A_524 = arith.constant 32 : index
        %get3A_525 = tpu.vector_load %arg10[%get3A_523, %get3A_524] {strides = array<i32>} : memref<104x128xbf16, #tpu.memory_space<vmem>>, vector<32xbf16>,
        %unpack3A_526 = tpu.unpack_subelements %get3A_525, 0 {pack_format = #tpu.pack_format<interleaved>} : vector<32xbf16> -> vector<16xf32>
        %unpack3A_527 = tpu.unpack_subelements %get3A_525, 1 {pack_format = #tpu.pack_format<interleaved>} : vector<32xbf16> -> vector<16xf32>
        %get3A_528 = arith.index_cast %add3A_500 : i32 to index
        %get3A_529 = arith.constant 96 : index
        %get3A_530 = tpu.vector_load %arg10[%get3A_528, %get3A_529] {strides = array<i32>} : memref<104x128xbf16, #tpu.memory_space<vmem>>, vector<32xbf16>,
        %unpack3A_531 = tpu.unpack_subelements %get3A_530, 0 {pack_format = #tpu.pack_format<interleaved>} : vector<32xbf16> -> vector<16xf32>
        %unpack3A_532 = tpu.unpack_subelements %get3A_530, 1 {pack_format = #tpu.pack_format<interleaved>} : vector<32xbf16> -> vector<16xf32>
        %mul3A_533 = vector.broadcast %squeeze3A_496 : f32 to vector<16xf32>
        %mul3A_534 = arith.mulf %mul3A_533, %unpack3A_526 : vector<16xf32>
        %add3A_535 = arith.addf %add3A_488, %mul3A_534 : vector<16xf32>
        %mul3A_536 = vector.broadcast %squeeze3A_498 : f32 to vector<16xf32>
        %mul3A_537 = arith.mulf %mul3A_536, %unpack3A_531 : vector<16xf32>
        %add3A_538 = arith.addf %add3A_535, %mul3A_537 : vector<16xf32>
        %mul3A_539 = vector.broadcast %squeeze3A_496 : f32 to vector<16xf32>
        %mul3A_540 = arith.mulf %mul3A_539, %unpack3A_527 : vector<16xf32>
        %add3A_541 = arith.addf %add3A_494, %mul3A_540 : vector<16xf32>
        %mul3A_542 = vector.broadcast %squeeze3A_498 : f32 to vector<16xf32>
        %mul3A_543 = arith.mulf %mul3A_542, %unpack3A_532 : vector<16xf32>
        %add3A_544 = arith.addf %add3A_541, %mul3A_543 : vector<16xf32>
        %slice3A_545 = vector.extract_strided_slice %get3A_31 {offsets = [10], sizes = [1], strides = [1]} : vector<16xf32> to vector<1xf32>
        %squeeze3A_546 = vector.extract %slice3A_545[0] : f32 from vector<1xf32>
        %slice3A_547 = vector.extract_strided_slice %get3A_37 {offsets = [10], sizes = [1], strides = [1]} : vector<16xf32> to vector<1xf32>
        %squeeze3A_548 = vector.extract %slice3A_547[0] : f32 from vector<1xf32>
        %add3A_549 = arith.constant 10 : i32
        %add3A_550 = arith.addi %mul3A_29, %add3A_549 : i32
        %get3A_551 = arith.index_cast %add3A_550 : i32 to index
        %get3A_552 = arith.constant 0 : index
        %get3A_553 = tpu.vector_load %arg10[%get3A_551, %get3A_552] {strides = array<i32>} : memref<104x128xbf16, #tpu.memory_space<vmem>>, vector<32xbf16>,
        %unpack3A_554 = tpu.unpack_subelements %get3A_553, 0 {pack_format = #tpu.pack_format<interleaved>} : vector<32xbf16> -> vector<16xf32>
        %unpack3A_555 = tpu.unpack_subelements %get3A_553, 1 {pack_format = #tpu.pack_format<interleaved>} : vector<32xbf16> -> vector<16xf32>
        %get3A_556 = arith.index_cast %add3A_550 : i32 to index
        %get3A_557 = arith.constant 64 : index
        %get3A_558 = tpu.vector_load %arg10[%get3A_556, %get3A_557] {strides = array<i32>} : memref<104x128xbf16, #tpu.memory_space<vmem>>, vector<32xbf16>,
        %unpack3A_559 = tpu.unpack_subelements %get3A_558, 0 {pack_format = #tpu.pack_format<interleaved>} : vector<32xbf16> -> vector<16xf32>
        %unpack3A_560 = tpu.unpack_subelements %get3A_558, 1 {pack_format = #tpu.pack_format<interleaved>} : vector<32xbf16> -> vector<16xf32>
        %mul3A_561 = vector.broadcast %squeeze3A_546 : f32 to vector<16xf32>
        %mul3A_562 = arith.mulf %mul3A_561, %unpack3A_554 : vector<16xf32>
        %add3A_563 = arith.addf %add3A_516, %mul3A_562 : vector<16xf32>
        %mul3A_564 = vector.broadcast %squeeze3A_548 : f32 to vector<16xf32>
        %mul3A_565 = arith.mulf %mul3A_564, %unpack3A_559 : vector<16xf32>
        %add3A_566 = arith.addf %add3A_563, %mul3A_565 : vector<16xf32>
        %mul3A_567 = vector.broadcast %squeeze3A_546 : f32 to vector<16xf32>
        %mul3A_568 = arith.mulf %mul3A_567, %unpack3A_555 : vector<16xf32>
        %add3A_569 = arith.addf %add3A_522, %mul3A_568 : vector<16xf32>
        %mul3A_570 = vector.broadcast %squeeze3A_548 : f32 to vector<16xf32>
        %mul3A_571 = arith.mulf %mul3A_570, %unpack3A_560 : vector<16xf32>
        %add3A_572 = arith.addf %add3A_569, %mul3A_571 : vector<16xf32>
        %get3A_573 = arith.index_cast %add3A_550 : i32 to index
        %get3A_574 = arith.constant 32 : index
        %get3A_575 = tpu.vector_load %arg10[%get3A_573, %get3A_574] {strides = array<i32>} : memref<104x128xbf16, #tpu.memory_space<vmem>>, vector<32xbf16>,
        %unpack3A_576 = tpu.unpack_subelements %get3A_575, 0 {pack_format = #tpu.pack_format<interleaved>} : vector<32xbf16> -> vector<16xf32>
        %unpack3A_577 = tpu.unpack_subelements %get3A_575, 1 {pack_format = #tpu.pack_format<interleaved>} : vector<32xbf16> -> vector<16xf32>
        %get3A_578 = arith.index_cast %add3A_550 : i32 to index
        %get3A_579 = arith.constant 96 : index
        %get3A_580 = tpu.vector_load %arg10[%get3A_578, %get3A_579] {strides = array<i32>} : memref<104x128xbf16, #tpu.memory_space<vmem>>, vector<32xbf16>,
        %unpack3A_581 = tpu.unpack_subelements %get3A_580, 0 {pack_format = #tpu.pack_format<interleaved>} : vector<32xbf16> -> vector<16xf32>
        %unpack3A_582 = tpu.unpack_subelements %get3A_580, 1 {pack_format = #tpu.pack_format<interleaved>} : vector<32xbf16> -> vector<16xf32>
        %mul3A_583 = vector.broadcast %squeeze3A_546 : f32 to vector<16xf32>
        %mul3A_584 = arith.mulf %mul3A_583, %unpack3A_576 : vector<16xf32>
        %add3A_585 = arith.addf %add3A_538, %mul3A_584 : vector<16xf32>
        %mul3A_586 = vector.broadcast %squeeze3A_548 : f32 to vector<16xf32>
        %mul3A_587 = arith.mulf %mul3A_586, %unpack3A_581 : vector<16xf32>
        %add3A_588 = arith.addf %add3A_585, %mul3A_587 : vector<16xf32>
        %mul3A_589 = vector.broadcast %squeeze3A_546 : f32 to vector<16xf32>
        %mul3A_590 = arith.mulf %mul3A_589, %unpack3A_577 : vector<16xf32>
        %add3A_591 = arith.addf %add3A_544, %mul3A_590 : vector<16xf32>
        %mul3A_592 = vector.broadcast %squeeze3A_548 : f32 to vector<16xf32>
        %mul3A_593 = arith.mulf %mul3A_592, %unpack3A_582 : vector<16xf32>
        %add3A_594 = arith.addf %add3A_591, %mul3A_593 : vector<16xf32>
        %slice3A_595 = vector.extract_strided_slice %get3A_31 {offsets = [11], sizes = [1], strides = [1]} : vector<16xf32> to vector<1xf32>
        %squeeze3A_596 = vector.extract %slice3A_595[0] : f32 from vector<1xf32>
        %slice3A_597 = vector.extract_strided_slice %get3A_37 {offsets = [11], sizes = [1], strides = [1]} : vector<16xf32> to vector<1xf32>
        %squeeze3A_598 = vector.extract %slice3A_597[0] : f32 from vector<1xf32>
        %add3A_599 = arith.constant 11 : i32
        %add3A_600 = arith.addi %mul3A_29, %add3A_599 : i32
        %get3A_601 = arith.index_cast %add3A_600 : i32 to index
        %get3A_602 = arith.constant 0 : index
        %get3A_603 = tpu.vector_load %arg10[%get3A_601, %get3A_602] {strides = array<i32>} : memref<104x128xbf16, #tpu.memory_space<vmem>>, vector<32xbf16>,
        %unpack3A_604 = tpu.unpack_subelements %get3A_603, 0 {pack_format = #tpu.pack_format<interleaved>} : vector<32xbf16> -> vector<16xf32>
        %unpack3A_605 = tpu.unpack_subelements %get3A_603, 1 {pack_format = #tpu.pack_format<interleaved>} : vector<32xbf16> -> vector<16xf32>
        %get3A_606 = arith.index_cast %add3A_600 : i32 to index
        %get3A_607 = arith.constant 64 : index
        %get3A_608 = tpu.vector_load %arg10[%get3A_606, %get3A_607] {strides = array<i32>} : memref<104x128xbf16, #tpu.memory_space<vmem>>, vector<32xbf16>,
        %unpack3A_609 = tpu.unpack_subelements %get3A_608, 0 {pack_format = #tpu.pack_format<interleaved>} : vector<32xbf16> -> vector<16xf32>
        %unpack3A_610 = tpu.unpack_subelements %get3A_608, 1 {pack_format = #tpu.pack_format<interleaved>} : vector<32xbf16> -> vector<16xf32>
        %mul3A_611 = vector.broadcast %squeeze3A_596 : f32 to vector<16xf32>
        %mul3A_612 = arith.mulf %mul3A_611, %unpack3A_604 : vector<16xf32>
        %add3A_613 = arith.addf %add3A_566, %mul3A_612 : vector<16xf32>
        %mul3A_614 = vector.broadcast %squeeze3A_598 : f32 to vector<16xf32>
        %mul3A_615 = arith.mulf %mul3A_614, %unpack3A_609 : vector<16xf32>
        %add3A_616 = arith.addf %add3A_613, %mul3A_615 : vector<16xf32>
        %mul3A_617 = vector.broadcast %squeeze3A_596 : f32 to vector<16xf32>
        %mul3A_618 = arith.mulf %mul3A_617, %unpack3A_605 : vector<16xf32>
        %add3A_619 = arith.addf %add3A_572, %mul3A_618 : vector<16xf32>
        %mul3A_620 = vector.broadcast %squeeze3A_598 : f32 to vector<16xf32>
        %mul3A_621 = arith.mulf %mul3A_620, %unpack3A_610 : vector<16xf32>
        %add3A_622 = arith.addf %add3A_619, %mul3A_621 : vector<16xf32>
        %get3A_623 = arith.index_cast %add3A_600 : i32 to index
        %get3A_624 = arith.constant 32 : index
        %get3A_625 = tpu.vector_load %arg10[%get3A_623, %get3A_624] {strides = array<i32>} : memref<104x128xbf16, #tpu.memory_space<vmem>>, vector<32xbf16>,
        %unpack3A_626 = tpu.unpack_subelements %get3A_625, 0 {pack_format = #tpu.pack_format<interleaved>} : vector<32xbf16> -> vector<16xf32>
        %unpack3A_627 = tpu.unpack_subelements %get3A_625, 1 {pack_format = #tpu.pack_format<interleaved>} : vector<32xbf16> -> vector<16xf32>
        %get3A_628 = arith.index_cast %add3A_600 : i32 to index
        %get3A_629 = arith.constant 96 : index
        %get3A_630 = tpu.vector_load %arg10[%get3A_628, %get3A_629] {strides = array<i32>} : memref<104x128xbf16, #tpu.memory_space<vmem>>, vector<32xbf16>,
        %unpack3A_631 = tpu.unpack_subelements %get3A_630, 0 {pack_format = #tpu.pack_format<interleaved>} : vector<32xbf16> -> vector<16xf32>
        %unpack3A_632 = tpu.unpack_subelements %get3A_630, 1 {pack_format = #tpu.pack_format<interleaved>} : vector<32xbf16> -> vector<16xf32>
        %mul3A_633 = vector.broadcast %squeeze3A_596 : f32 to vector<16xf32>
        %mul3A_634 = arith.mulf %mul3A_633, %unpack3A_626 : vector<16xf32>
        %add3A_635 = arith.addf %add3A_588, %mul3A_634 : vector<16xf32>
        %mul3A_636 = vector.broadcast %squeeze3A_598 : f32 to vector<16xf32>
        %mul3A_637 = arith.mulf %mul3A_636, %unpack3A_631 : vector<16xf32>
        %add3A_638 = arith.addf %add3A_635, %mul3A_637 : vector<16xf32>
        %mul3A_639 = vector.broadcast %squeeze3A_596 : f32 to vector<16xf32>
        %mul3A_640 = arith.mulf %mul3A_639, %unpack3A_627 : vector<16xf32>
        %add3A_641 = arith.addf %add3A_594, %mul3A_640 : vector<16xf32>
        %mul3A_642 = vector.broadcast %squeeze3A_598 : f32 to vector<16xf32>
        %mul3A_643 = arith.mulf %mul3A_642, %unpack3A_632 : vector<16xf32>
        %add3A_644 = arith.addf %add3A_641, %mul3A_643 : vector<16xf32>
        %slice3A_645 = vector.extract_strided_slice %get3A_31 {offsets = [12], sizes = [1], strides = [1]} : vector<16xf32> to vector<1xf32>
        %squeeze3A_646 = vector.extract %slice3A_645[0] : f32 from vector<1xf32>
        %slice3A_647 = vector.extract_strided_slice %get3A_37 {offsets = [12], sizes = [1], strides = [1]} : vector<16xf32> to vector<1xf32>
        %squeeze3A_648 = vector.extract %slice3A_647[0] : f32 from vector<1xf32>
        %add3A_649 = arith.constant 12 : i32
        %add3A_650 = arith.addi %mul3A_29, %add3A_649 : i32
        %get3A_651 = arith.index_cast %add3A_650 : i32 to index
        %get3A_652 = arith.constant 0 : index
        %get3A_653 = tpu.vector_load %arg10[%get3A_651, %get3A_652] {strides = array<i32>} : memref<104x128xbf16, #tpu.memory_space<vmem>>, vector<32xbf16>,
        %unpack3A_654 = tpu.unpack_subelements %get3A_653, 0 {pack_format = #tpu.pack_format<interleaved>} : vector<32xbf16> -> vector<16xf32>
        %unpack3A_655 = tpu.unpack_subelements %get3A_653, 1 {pack_format = #tpu.pack_format<interleaved>} : vector<32xbf16> -> vector<16xf32>
        %get3A_656 = arith.index_cast %add3A_650 : i32 to index
        %get3A_657 = arith.constant 64 : index
        %get3A_658 = tpu.vector_load %arg10[%get3A_656, %get3A_657] {strides = array<i32>} : memref<104x128xbf16, #tpu.memory_space<vmem>>, vector<32xbf16>,
        %unpack3A_659 = tpu.unpack_subelements %get3A_658, 0 {pack_format = #tpu.pack_format<interleaved>} : vector<32xbf16> -> vector<16xf32>
        %unpack3A_660 = tpu.unpack_subelements %get3A_658, 1 {pack_format = #tpu.pack_format<interleaved>} : vector<32xbf16> -> vector<16xf32>
        %mul3A_661 = vector.broadcast %squeeze3A_646 : f32 to vector<16xf32>
        %mul3A_662 = arith.mulf %mul3A_661, %unpack3A_654 : vector<16xf32>
        %add3A_663 = arith.addf %add3A_616, %mul3A_662 : vector<16xf32>
        %mul3A_664 = vector.broadcast %squeeze3A_648 : f32 to vector<16xf32>
        %mul3A_665 = arith.mulf %mul3A_664, %unpack3A_659 : vector<16xf32>
        %add3A_666 = arith.addf %add3A_663, %mul3A_665 : vector<16xf32>
        %mul3A_667 = vector.broadcast %squeeze3A_646 : f32 to vector<16xf32>
        %mul3A_668 = arith.mulf %mul3A_667, %unpack3A_655 : vector<16xf32>
        %add3A_669 = arith.addf %add3A_622, %mul3A_668 : vector<16xf32>
        %mul3A_670 = vector.broadcast %squeeze3A_648 : f32 to vector<16xf32>
        %mul3A_671 = arith.mulf %mul3A_670, %unpack3A_660 : vector<16xf32>
        %add3A_672 = arith.addf %add3A_669, %mul3A_671 : vector<16xf32>
        %get3A_673 = arith.index_cast %add3A_650 : i32 to index
        %get3A_674 = arith.constant 32 : index
        %get3A_675 = tpu.vector_load %arg10[%get3A_673, %get3A_674] {strides = array<i32>} : memref<104x128xbf16, #tpu.memory_space<vmem>>, vector<32xbf16>,
        %unpack3A_676 = tpu.unpack_subelements %get3A_675, 0 {pack_format = #tpu.pack_format<interleaved>} : vector<32xbf16> -> vector<16xf32>
        %unpack3A_677 = tpu.unpack_subelements %get3A_675, 1 {pack_format = #tpu.pack_format<interleaved>} : vector<32xbf16> -> vector<16xf32>
        %get3A_678 = arith.index_cast %add3A_650 : i32 to index
        %get3A_679 = arith.constant 96 : index
        %get3A_680 = tpu.vector_load %arg10[%get3A_678, %get3A_679] {strides = array<i32>} : memref<104x128xbf16, #tpu.memory_space<vmem>>, vector<32xbf16>,
        %unpack3A_681 = tpu.unpack_subelements %get3A_680, 0 {pack_format = #tpu.pack_format<interleaved>} : vector<32xbf16> -> vector<16xf32>
        %unpack3A_682 = tpu.unpack_subelements %get3A_680, 1 {pack_format = #tpu.pack_format<interleaved>} : vector<32xbf16> -> vector<16xf32>
        %mul3A_683 = vector.broadcast %squeeze3A_646 : f32 to vector<16xf32>
        %mul3A_684 = arith.mulf %mul3A_683, %unpack3A_676 : vector<16xf32>
        %add3A_685 = arith.addf %add3A_638, %mul3A_684 : vector<16xf32>
        %mul3A_686 = vector.broadcast %squeeze3A_648 : f32 to vector<16xf32>
        %mul3A_687 = arith.mulf %mul3A_686, %unpack3A_681 : vector<16xf32>
        %add3A_688 = arith.addf %add3A_685, %mul3A_687 : vector<16xf32>
        %mul3A_689 = vector.broadcast %squeeze3A_646 : f32 to vector<16xf32>
        %mul3A_690 = arith.mulf %mul3A_689, %unpack3A_677 : vector<16xf32>
        %add3A_691 = arith.addf %add3A_644, %mul3A_690 : vector<16xf32>
        %mul3A_692 = vector.broadcast %squeeze3A_648 : f32 to vector<16xf32>
        %mul3A_693 = arith.mulf %mul3A_692, %unpack3A_682 : vector<16xf32>
        %add3A_694 = arith.addf %add3A_691, %mul3A_693 : vector<16xf32>
        %slice3A_695 = vector.extract_strided_slice %get3A_31 {offsets = [13], sizes = [1], strides = [1]} : vector<16xf32> to vector<1xf32>
        %squeeze3A_696 = vector.extract %slice3A_695[0] : f32 from vector<1xf32>
        %slice3A_697 = vector.extract_strided_slice %get3A_37 {offsets = [13], sizes = [1], strides = [1]} : vector<16xf32> to vector<1xf32>
        %squeeze3A_698 = vector.extract %slice3A_697[0] : f32 from vector<1xf32>
        %add3A_699 = arith.constant 13 : i32
        %add3A_700 = arith.addi %mul3A_29, %add3A_699 : i32
        %get3A_701 = arith.index_cast %add3A_700 : i32 to index
        %get3A_702 = arith.constant 0 : index
        %get3A_703 = tpu.vector_load %arg10[%get3A_701, %get3A_702] {strides = array<i32>} : memref<104x128xbf16, #tpu.memory_space<vmem>>, vector<32xbf16>,
        %unpack3A_704 = tpu.unpack_subelements %get3A_703, 0 {pack_format = #tpu.pack_format<interleaved>} : vector<32xbf16> -> vector<16xf32>
        %unpack3A_705 = tpu.unpack_subelements %get3A_703, 1 {pack_format = #tpu.pack_format<interleaved>} : vector<32xbf16> -> vector<16xf32>
        %get3A_706 = arith.index_cast %add3A_700 : i32 to index
        %get3A_707 = arith.constant 64 : index
        %get3A_708 = tpu.vector_load %arg10[%get3A_706, %get3A_707] {strides = array<i32>} : memref<104x128xbf16, #tpu.memory_space<vmem>>, vector<32xbf16>,
        %unpack3A_709 = tpu.unpack_subelements %get3A_708, 0 {pack_format = #tpu.pack_format<interleaved>} : vector<32xbf16> -> vector<16xf32>
        %unpack3A_710 = tpu.unpack_subelements %get3A_708, 1 {pack_format = #tpu.pack_format<interleaved>} : vector<32xbf16> -> vector<16xf32>
        %mul3A_711 = vector.broadcast %squeeze3A_696 : f32 to vector<16xf32>
        %mul3A_712 = arith.mulf %mul3A_711, %unpack3A_704 : vector<16xf32>
        %add3A_713 = arith.addf %add3A_666, %mul3A_712 : vector<16xf32>
        %mul3A_714 = vector.broadcast %squeeze3A_698 : f32 to vector<16xf32>
        %mul3A_715 = arith.mulf %mul3A_714, %unpack3A_709 : vector<16xf32>
        %add3A_716 = arith.addf %add3A_713, %mul3A_715 : vector<16xf32>
        %mul3A_717 = vector.broadcast %squeeze3A_696 : f32 to vector<16xf32>
        %mul3A_718 = arith.mulf %mul3A_717, %unpack3A_705 : vector<16xf32>
        %add3A_719 = arith.addf %add3A_672, %mul3A_718 : vector<16xf32>
        %mul3A_720 = vector.broadcast %squeeze3A_698 : f32 to vector<16xf32>
        %mul3A_721 = arith.mulf %mul3A_720, %unpack3A_710 : vector<16xf32>
        %add3A_722 = arith.addf %add3A_719, %mul3A_721 : vector<16xf32>
        %get3A_723 = arith.index_cast %add3A_700 : i32 to index
        %get3A_724 = arith.constant 32 : index
        %get3A_725 = tpu.vector_load %arg10[%get3A_723, %get3A_724] {strides = array<i32>} : memref<104x128xbf16, #tpu.memory_space<vmem>>, vector<32xbf16>,
        %unpack3A_726 = tpu.unpack_subelements %get3A_725, 0 {pack_format = #tpu.pack_format<interleaved>} : vector<32xbf16> -> vector<16xf32>
        %unpack3A_727 = tpu.unpack_subelements %get3A_725, 1 {pack_format = #tpu.pack_format<interleaved>} : vector<32xbf16> -> vector<16xf32>
        %get3A_728 = arith.index_cast %add3A_700 : i32 to index
        %get3A_729 = arith.constant 96 : index
        %get3A_730 = tpu.vector_load %arg10[%get3A_728, %get3A_729] {strides = array<i32>} : memref<104x128xbf16, #tpu.memory_space<vmem>>, vector<32xbf16>,
        %unpack3A_731 = tpu.unpack_subelements %get3A_730, 0 {pack_format = #tpu.pack_format<interleaved>} : vector<32xbf16> -> vector<16xf32>
        %unpack3A_732 = tpu.unpack_subelements %get3A_730, 1 {pack_format = #tpu.pack_format<interleaved>} : vector<32xbf16> -> vector<16xf32>
        %mul3A_733 = vector.broadcast %squeeze3A_696 : f32 to vector<16xf32>
        %mul3A_734 = arith.mulf %mul3A_733, %unpack3A_726 : vector<16xf32>
        %add3A_735 = arith.addf %add3A_688, %mul3A_734 : vector<16xf32>
        %mul3A_736 = vector.broadcast %squeeze3A_698 : f32 to vector<16xf32>
        %mul3A_737 = arith.mulf %mul3A_736, %unpack3A_731 : vector<16xf32>
        %add3A_738 = arith.addf %add3A_735, %mul3A_737 : vector<16xf32>
        %mul3A_739 = vector.broadcast %squeeze3A_696 : f32 to vector<16xf32>
        %mul3A_740 = arith.mulf %mul3A_739, %unpack3A_727 : vector<16xf32>
        %add3A_741 = arith.addf %add3A_694, %mul3A_740 : vector<16xf32>
        %mul3A_742 = vector.broadcast %squeeze3A_698 : f32 to vector<16xf32>
        %mul3A_743 = arith.mulf %mul3A_742, %unpack3A_732 : vector<16xf32>
        %add3A_744 = arith.addf %add3A_741, %mul3A_743 : vector<16xf32>
        %slice3A_745 = vector.extract_strided_slice %get3A_31 {offsets = [14], sizes = [1], strides = [1]} : vector<16xf32> to vector<1xf32>
        %squeeze3A_746 = vector.extract %slice3A_745[0] : f32 from vector<1xf32>
        %slice3A_747 = vector.extract_strided_slice %get3A_37 {offsets = [14], sizes = [1], strides = [1]} : vector<16xf32> to vector<1xf32>
        %squeeze3A_748 = vector.extract %slice3A_747[0] : f32 from vector<1xf32>
        %add3A_749 = arith.constant 14 : i32
        %add3A_750 = arith.addi %mul3A_29, %add3A_749 : i32
        %get3A_751 = arith.index_cast %add3A_750 : i32 to index
        %get3A_752 = arith.constant 0 : index
        %get3A_753 = tpu.vector_load %arg10[%get3A_751, %get3A_752] {strides = array<i32>} : memref<104x128xbf16, #tpu.memory_space<vmem>>, vector<32xbf16>,
        %unpack3A_754 = tpu.unpack_subelements %get3A_753, 0 {pack_format = #tpu.pack_format<interleaved>} : vector<32xbf16> -> vector<16xf32>
        %unpack3A_755 = tpu.unpack_subelements %get3A_753, 1 {pack_format = #tpu.pack_format<interleaved>} : vector<32xbf16> -> vector<16xf32>
        %get3A_756 = arith.index_cast %add3A_750 : i32 to index
        %get3A_757 = arith.constant 64 : index
        %get3A_758 = tpu.vector_load %arg10[%get3A_756, %get3A_757] {strides = array<i32>} : memref<104x128xbf16, #tpu.memory_space<vmem>>, vector<32xbf16>,
        %unpack3A_759 = tpu.unpack_subelements %get3A_758, 0 {pack_format = #tpu.pack_format<interleaved>} : vector<32xbf16> -> vector<16xf32>
        %unpack3A_760 = tpu.unpack_subelements %get3A_758, 1 {pack_format = #tpu.pack_format<interleaved>} : vector<32xbf16> -> vector<16xf32>
        %mul3A_761 = vector.broadcast %squeeze3A_746 : f32 to vector<16xf32>
        %mul3A_762 = arith.mulf %mul3A_761, %unpack3A_754 : vector<16xf32>
        %add3A_763 = arith.addf %add3A_716, %mul3A_762 : vector<16xf32>
        %mul3A_764 = vector.broadcast %squeeze3A_748 : f32 to vector<16xf32>
        %mul3A_765 = arith.mulf %mul3A_764, %unpack3A_759 : vector<16xf32>
        %add3A_766 = arith.addf %add3A_763, %mul3A_765 : vector<16xf32>
        %mul3A_767 = vector.broadcast %squeeze3A_746 : f32 to vector<16xf32>
        %mul3A_768 = arith.mulf %mul3A_767, %unpack3A_755 : vector<16xf32>
        %add3A_769 = arith.addf %add3A_722, %mul3A_768 : vector<16xf32>
        %mul3A_770 = vector.broadcast %squeeze3A_748 : f32 to vector<16xf32>
        %mul3A_771 = arith.mulf %mul3A_770, %unpack3A_760 : vector<16xf32>
        %add3A_772 = arith.addf %add3A_769, %mul3A_771 : vector<16xf32>
        %get3A_773 = arith.index_cast %add3A_750 : i32 to index
        %get3A_774 = arith.constant 32 : index
        %get3A_775 = tpu.vector_load %arg10[%get3A_773, %get3A_774] {strides = array<i32>} : memref<104x128xbf16, #tpu.memory_space<vmem>>, vector<32xbf16>,
        %unpack3A_776 = tpu.unpack_subelements %get3A_775, 0 {pack_format = #tpu.pack_format<interleaved>} : vector<32xbf16> -> vector<16xf32>
        %unpack3A_777 = tpu.unpack_subelements %get3A_775, 1 {pack_format = #tpu.pack_format<interleaved>} : vector<32xbf16> -> vector<16xf32>
        %get3A_778 = arith.index_cast %add3A_750 : i32 to index
        %get3A_779 = arith.constant 96 : index
        %get3A_780 = tpu.vector_load %arg10[%get3A_778, %get3A_779] {strides = array<i32>} : memref<104x128xbf16, #tpu.memory_space<vmem>>, vector<32xbf16>,
        %unpack3A_781 = tpu.unpack_subelements %get3A_780, 0 {pack_format = #tpu.pack_format<interleaved>} : vector<32xbf16> -> vector<16xf32>
        %unpack3A_782 = tpu.unpack_subelements %get3A_780, 1 {pack_format = #tpu.pack_format<interleaved>} : vector<32xbf16> -> vector<16xf32>
        %mul3A_783 = vector.broadcast %squeeze3A_746 : f32 to vector<16xf32>
        %mul3A_784 = arith.mulf %mul3A_783, %unpack3A_776 : vector<16xf32>
        %add3A_785 = arith.addf %add3A_738, %mul3A_784 : vector<16xf32>
        %mul3A_786 = vector.broadcast %squeeze3A_748 : f32 to vector<16xf32>
        %mul3A_787 = arith.mulf %mul3A_786, %unpack3A_781 : vector<16xf32>
        %add3A_788 = arith.addf %add3A_785, %mul3A_787 : vector<16xf32>
        %mul3A_789 = vector.broadcast %squeeze3A_746 : f32 to vector<16xf32>
        %mul3A_790 = arith.mulf %mul3A_789, %unpack3A_777 : vector<16xf32>
        %add3A_791 = arith.addf %add3A_744, %mul3A_790 : vector<16xf32>
        %mul3A_792 = vector.broadcast %squeeze3A_748 : f32 to vector<16xf32>
        %mul3A_793 = arith.mulf %mul3A_792, %unpack3A_782 : vector<16xf32>
        %add3A_794 = arith.addf %add3A_791, %mul3A_793 : vector<16xf32>
        %slice3A_795 = vector.extract_strided_slice %get3A_31 {offsets = [15], sizes = [1], strides = [1]} : vector<16xf32> to vector<1xf32>
        %squeeze3A_796 = vector.extract %slice3A_795[0] : f32 from vector<1xf32>
        %slice3A_797 = vector.extract_strided_slice %get3A_37 {offsets = [15], sizes = [1], strides = [1]} : vector<16xf32> to vector<1xf32>
        %squeeze3A_798 = vector.extract %slice3A_797[0] : f32 from vector<1xf32>
        %add3A_799 = arith.constant 15 : i32
        %add3A_800 = arith.addi %mul3A_29, %add3A_799 : i32
        %get3A_801 = arith.index_cast %add3A_800 : i32 to index
        %get3A_802 = arith.constant 0 : index
        %get3A_803 = tpu.vector_load %arg10[%get3A_801, %get3A_802] {strides = array<i32>} : memref<104x128xbf16, #tpu.memory_space<vmem>>, vector<32xbf16>,
        %unpack3A_804 = tpu.unpack_subelements %get3A_803, 0 {pack_format = #tpu.pack_format<interleaved>} : vector<32xbf16> -> vector<16xf32>
        %unpack3A_805 = tpu.unpack_subelements %get3A_803, 1 {pack_format = #tpu.pack_format<interleaved>} : vector<32xbf16> -> vector<16xf32>
        %get3A_806 = arith.index_cast %add3A_800 : i32 to index
        %get3A_807 = arith.constant 64 : index
        %get3A_808 = tpu.vector_load %arg10[%get3A_806, %get3A_807] {strides = array<i32>} : memref<104x128xbf16, #tpu.memory_space<vmem>>, vector<32xbf16>,
        %unpack3A_809 = tpu.unpack_subelements %get3A_808, 0 {pack_format = #tpu.pack_format<interleaved>} : vector<32xbf16> -> vector<16xf32>
        %unpack3A_810 = tpu.unpack_subelements %get3A_808, 1 {pack_format = #tpu.pack_format<interleaved>} : vector<32xbf16> -> vector<16xf32>
        %mul3A_811 = vector.broadcast %squeeze3A_796 : f32 to vector<16xf32>
        %mul3A_812 = arith.mulf %mul3A_811, %unpack3A_804 : vector<16xf32>
        %add3A_813 = arith.addf %add3A_766, %mul3A_812 : vector<16xf32>
        %mul3A_814 = vector.broadcast %squeeze3A_798 : f32 to vector<16xf32>
        %mul3A_815 = arith.mulf %mul3A_814, %unpack3A_809 : vector<16xf32>
        %add3A_816 = arith.addf %add3A_813, %mul3A_815 : vector<16xf32>
        %mul3A_817 = vector.broadcast %squeeze3A_796 : f32 to vector<16xf32>
        %mul3A_818 = arith.mulf %mul3A_817, %unpack3A_805 : vector<16xf32>
        %add3A_819 = arith.addf %add3A_772, %mul3A_818 : vector<16xf32>
        %mul3A_820 = vector.broadcast %squeeze3A_798 : f32 to vector<16xf32>
        %mul3A_821 = arith.mulf %mul3A_820, %unpack3A_810 : vector<16xf32>
        %add3A_822 = arith.addf %add3A_819, %mul3A_821 : vector<16xf32>
        %get3A_823 = arith.index_cast %add3A_800 : i32 to index
        %get3A_824 = arith.constant 32 : index
        %get3A_825 = tpu.vector_load %arg10[%get3A_823, %get3A_824] {strides = array<i32>} : memref<104x128xbf16, #tpu.memory_space<vmem>>, vector<32xbf16>,
        %unpack3A_826 = tpu.unpack_subelements %get3A_825, 0 {pack_format = #tpu.pack_format<interleaved>} : vector<32xbf16> -> vector<16xf32>
        %unpack3A_827 = tpu.unpack_subelements %get3A_825, 1 {pack_format = #tpu.pack_format<interleaved>} : vector<32xbf16> -> vector<16xf32>
        %get3A_828 = arith.index_cast %add3A_800 : i32 to index
        %get3A_829 = arith.constant 96 : index
        %get3A_830 = tpu.vector_load %arg10[%get3A_828, %get3A_829] {strides = array<i32>} : memref<104x128xbf16, #tpu.memory_space<vmem>>, vector<32xbf16>,
        %unpack3A_831 = tpu.unpack_subelements %get3A_830, 0 {pack_format = #tpu.pack_format<interleaved>} : vector<32xbf16> -> vector<16xf32>
        %unpack3A_832 = tpu.unpack_subelements %get3A_830, 1 {pack_format = #tpu.pack_format<interleaved>} : vector<32xbf16> -> vector<16xf32>
        %mul3A_833 = vector.broadcast %squeeze3A_796 : f32 to vector<16xf32>
        %mul3A_834 = arith.mulf %mul3A_833, %unpack3A_826 : vector<16xf32>
        %add3A_835 = arith.addf %add3A_788, %mul3A_834 : vector<16xf32>
        %mul3A_836 = vector.broadcast %squeeze3A_798 : f32 to vector<16xf32>
        %mul3A_837 = arith.mulf %mul3A_836, %unpack3A_831 : vector<16xf32>
        %add3A_838 = arith.addf %add3A_835, %mul3A_837 : vector<16xf32>
        %mul3A_839 = vector.broadcast %squeeze3A_796 : f32 to vector<16xf32>
        %mul3A_840 = arith.mulf %mul3A_839, %unpack3A_827 : vector<16xf32>
        %add3A_841 = arith.addf %add3A_794, %mul3A_840 : vector<16xf32>
        %mul3A_842 = vector.broadcast %squeeze3A_798 : f32 to vector<16xf32>
        %mul3A_843 = arith.mulf %mul3A_842, %unpack3A_832 : vector<16xf32>
        %add3A_844 = arith.addf %add3A_841, %mul3A_843 : vector<16xf32>
        %slice3A_845 = vector.extract_strided_slice %get3A_34 {offsets = [0], sizes = [1], strides = [1]} : vector<16xf32> to vector<1xf32>
        %squeeze3A_846 = vector.extract %slice3A_845[0] : f32 from vector<1xf32>
        %slice3A_847 = vector.extract_strided_slice %get3A_40 {offsets = [0], sizes = [1], strides = [1]} : vector<16xf32> to vector<1xf32>
        %squeeze3A_848 = vector.extract %slice3A_847[0] : f32 from vector<1xf32>
        %add3A_849 = arith.constant 16 : i32
        %add3A_850 = arith.addi %mul3A_29, %add3A_849 : i32
        %get3A_851 = arith.index_cast %add3A_850 : i32 to index
        %get3A_852 = arith.constant 0 : index
        %get3A_853 = tpu.vector_load %arg10[%get3A_851, %get3A_852] {strides = array<i32>} : memref<104x128xbf16, #tpu.memory_space<vmem>>, vector<32xbf16>,
        %unpack3A_854 = tpu.unpack_subelements %get3A_853, 0 {pack_format = #tpu.pack_format<interleaved>} : vector<32xbf16> -> vector<16xf32>
        %unpack3A_855 = tpu.unpack_subelements %get3A_853, 1 {pack_format = #tpu.pack_format<interleaved>} : vector<32xbf16> -> vector<16xf32>
        %get3A_856 = arith.index_cast %add3A_850 : i32 to index
        %get3A_857 = arith.constant 64 : index
        %get3A_858 = tpu.vector_load %arg10[%get3A_856, %get3A_857] {strides = array<i32>} : memref<104x128xbf16, #tpu.memory_space<vmem>>, vector<32xbf16>,
        %unpack3A_859 = tpu.unpack_subelements %get3A_858, 0 {pack_format = #tpu.pack_format<interleaved>} : vector<32xbf16> -> vector<16xf32>
        %unpack3A_860 = tpu.unpack_subelements %get3A_858, 1 {pack_format = #tpu.pack_format<interleaved>} : vector<32xbf16> -> vector<16xf32>
        %mul3A_861 = vector.broadcast %squeeze3A_846 : f32 to vector<16xf32>
        %mul3A_862 = arith.mulf %mul3A_861, %unpack3A_854 : vector<16xf32>
        %add3A_863 = arith.addf %add3A_816, %mul3A_862 : vector<16xf32>
        %mul3A_864 = vector.broadcast %squeeze3A_848 : f32 to vector<16xf32>
        %mul3A_865 = arith.mulf %mul3A_864, %unpack3A_859 : vector<16xf32>
        %add3A_866 = arith.addf %add3A_863, %mul3A_865 : vector<16xf32>
        %mul3A_867 = vector.broadcast %squeeze3A_846 : f32 to vector<16xf32>
        %mul3A_868 = arith.mulf %mul3A_867, %unpack3A_855 : vector<16xf32>
        %add3A_869 = arith.addf %add3A_822, %mul3A_868 : vector<16xf32>
        %mul3A_870 = vector.broadcast %squeeze3A_848 : f32 to vector<16xf32>
        %mul3A_871 = arith.mulf %mul3A_870, %unpack3A_860 : vector<16xf32>
        %add3A_872 = arith.addf %add3A_869, %mul3A_871 : vector<16xf32>
        %get3A_873 = arith.index_cast %add3A_850 : i32 to index
        %get3A_874 = arith.constant 32 : index
        %get3A_875 = tpu.vector_load %arg10[%get3A_873, %get3A_874] {strides = array<i32>} : memref<104x128xbf16, #tpu.memory_space<vmem>>, vector<32xbf16>,
        %unpack3A_876 = tpu.unpack_subelements %get3A_875, 0 {pack_format = #tpu.pack_format<interleaved>} : vector<32xbf16> -> vector<16xf32>
        %unpack3A_877 = tpu.unpack_subelements %get3A_875, 1 {pack_format = #tpu.pack_format<interleaved>} : vector<32xbf16> -> vector<16xf32>
        %get3A_878 = arith.index_cast %add3A_850 : i32 to index
        %get3A_879 = arith.constant 96 : index
        %get3A_880 = tpu.vector_load %arg10[%get3A_878, %get3A_879] {strides = array<i32>} : memref<104x128xbf16, #tpu.memory_space<vmem>>, vector<32xbf16>,
        %unpack3A_881 = tpu.unpack_subelements %get3A_880, 0 {pack_format = #tpu.pack_format<interleaved>} : vector<32xbf16> -> vector<16xf32>
        %unpack3A_882 = tpu.unpack_subelements %get3A_880, 1 {pack_format = #tpu.pack_format<interleaved>} : vector<32xbf16> -> vector<16xf32>
        %mul3A_883 = vector.broadcast %squeeze3A_846 : f32 to vector<16xf32>
        %mul3A_884 = arith.mulf %mul3A_883, %unpack3A_876 : vector<16xf32>
        %add3A_885 = arith.addf %add3A_838, %mul3A_884 : vector<16xf32>
        %mul3A_886 = vector.broadcast %squeeze3A_848 : f32 to vector<16xf32>
        %mul3A_887 = arith.mulf %mul3A_886, %unpack3A_881 : vector<16xf32>
        %add3A_888 = arith.addf %add3A_885, %mul3A_887 : vector<16xf32>
        %mul3A_889 = vector.broadcast %squeeze3A_846 : f32 to vector<16xf32>
        %mul3A_890 = arith.mulf %mul3A_889, %unpack3A_877 : vector<16xf32>
        %add3A_891 = arith.addf %add3A_844, %mul3A_890 : vector<16xf32>
        %mul3A_892 = vector.broadcast %squeeze3A_848 : f32 to vector<16xf32>
        %mul3A_893 = arith.mulf %mul3A_892, %unpack3A_882 : vector<16xf32>
        %add3A_894 = arith.addf %add3A_891, %mul3A_893 : vector<16xf32>
        %slice3A_895 = vector.extract_strided_slice %get3A_34 {offsets = [1], sizes = [1], strides = [1]} : vector<16xf32> to vector<1xf32>
        %squeeze3A_896 = vector.extract %slice3A_895[0] : f32 from vector<1xf32>
        %slice3A_897 = vector.extract_strided_slice %get3A_40 {offsets = [1], sizes = [1], strides = [1]} : vector<16xf32> to vector<1xf32>
        %squeeze3A_898 = vector.extract %slice3A_897[0] : f32 from vector<1xf32>
        %add3A_899 = arith.constant 17 : i32
        %add3A_900 = arith.addi %mul3A_29, %add3A_899 : i32
        %get3A_901 = arith.index_cast %add3A_900 : i32 to index
        %get3A_902 = arith.constant 0 : index
        %get3A_903 = tpu.vector_load %arg10[%get3A_901, %get3A_902] {strides = array<i32>} : memref<104x128xbf16, #tpu.memory_space<vmem>>, vector<32xbf16>,
        %unpack3A_904 = tpu.unpack_subelements %get3A_903, 0 {pack_format = #tpu.pack_format<interleaved>} : vector<32xbf16> -> vector<16xf32>
        %unpack3A_905 = tpu.unpack_subelements %get3A_903, 1 {pack_format = #tpu.pack_format<interleaved>} : vector<32xbf16> -> vector<16xf32>
        %get3A_906 = arith.index_cast %add3A_900 : i32 to index
        %get3A_907 = arith.constant 64 : index
        %get3A_908 = tpu.vector_load %arg10[%get3A_906, %get3A_907] {strides = array<i32>} : memref<104x128xbf16, #tpu.memory_space<vmem>>, vector<32xbf16>,
        %unpack3A_909 = tpu.unpack_subelements %get3A_908, 0 {pack_format = #tpu.pack_format<interleaved>} : vector<32xbf16> -> vector<16xf32>
        %unpack3A_910 = tpu.unpack_subelements %get3A_908, 1 {pack_format = #tpu.pack_format<interleaved>} : vector<32xbf16> -> vector<16xf32>
        %mul3A_911 = vector.broadcast %squeeze3A_896 : f32 to vector<16xf32>
        %mul3A_912 = arith.mulf %mul3A_911, %unpack3A_904 : vector<16xf32>
        %add3A_913 = arith.addf %add3A_866, %mul3A_912 : vector<16xf32>
        %mul3A_914 = vector.broadcast %squeeze3A_898 : f32 to vector<16xf32>
        %mul3A_915 = arith.mulf %mul3A_914, %unpack3A_909 : vector<16xf32>
        %add3A_916 = arith.addf %add3A_913, %mul3A_915 : vector<16xf32>
        %mul3A_917 = vector.broadcast %squeeze3A_896 : f32 to vector<16xf32>
        %mul3A_918 = arith.mulf %mul3A_917, %unpack3A_905 : vector<16xf32>
        %add3A_919 = arith.addf %add3A_872, %mul3A_918 : vector<16xf32>
        %mul3A_920 = vector.broadcast %squeeze3A_898 : f32 to vector<16xf32>
        %mul3A_921 = arith.mulf %mul3A_920, %unpack3A_910 : vector<16xf32>
        %add3A_922 = arith.addf %add3A_919, %mul3A_921 : vector<16xf32>
        %get3A_923 = arith.index_cast %add3A_900 : i32 to index
        %get3A_924 = arith.constant 32 : index
        %get3A_925 = tpu.vector_load %arg10[%get3A_923, %get3A_924] {strides = array<i32>} : memref<104x128xbf16, #tpu.memory_space<vmem>>, vector<32xbf16>,
        %unpack3A_926 = tpu.unpack_subelements %get3A_925, 0 {pack_format = #tpu.pack_format<interleaved>} : vector<32xbf16> -> vector<16xf32>
        %unpack3A_927 = tpu.unpack_subelements %get3A_925, 1 {pack_format = #tpu.pack_format<interleaved>} : vector<32xbf16> -> vector<16xf32>
        %get3A_928 = arith.index_cast %add3A_900 : i32 to index
        %get3A_929 = arith.constant 96 : index
        %get3A_930 = tpu.vector_load %arg10[%get3A_928, %get3A_929] {strides = array<i32>} : memref<104x128xbf16, #tpu.memory_space<vmem>>, vector<32xbf16>,
        %unpack3A_931 = tpu.unpack_subelements %get3A_930, 0 {pack_format = #tpu.pack_format<interleaved>} : vector<32xbf16> -> vector<16xf32>
        %unpack3A_932 = tpu.unpack_subelements %get3A_930, 1 {pack_format = #tpu.pack_format<interleaved>} : vector<32xbf16> -> vector<16xf32>
        %mul3A_933 = vector.broadcast %squeeze3A_896 : f32 to vector<16xf32>
        %mul3A_934 = arith.mulf %mul3A_933, %unpack3A_926 : vector<16xf32>
        %add3A_935 = arith.addf %add3A_888, %mul3A_934 : vector<16xf32>
        %mul3A_936 = vector.broadcast %squeeze3A_898 : f32 to vector<16xf32>
        %mul3A_937 = arith.mulf %mul3A_936, %unpack3A_931 : vector<16xf32>
        %add3A_938 = arith.addf %add3A_935, %mul3A_937 : vector<16xf32>
        %mul3A_939 = vector.broadcast %squeeze3A_896 : f32 to vector<16xf32>
        %mul3A_940 = arith.mulf %mul3A_939, %unpack3A_927 : vector<16xf32>
        %add3A_941 = arith.addf %add3A_894, %mul3A_940 : vector<16xf32>
        %mul3A_942 = vector.broadcast %squeeze3A_898 : f32 to vector<16xf32>
        %mul3A_943 = arith.mulf %mul3A_942, %unpack3A_932 : vector<16xf32>
        %add3A_944 = arith.addf %add3A_941, %mul3A_943 : vector<16xf32>
        %slice3A_945 = vector.extract_strided_slice %get3A_34 {offsets = [2], sizes = [1], strides = [1]} : vector<16xf32> to vector<1xf32>
        %squeeze3A_946 = vector.extract %slice3A_945[0] : f32 from vector<1xf32>
        %slice3A_947 = vector.extract_strided_slice %get3A_40 {offsets = [2], sizes = [1], strides = [1]} : vector<16xf32> to vector<1xf32>
        %squeeze3A_948 = vector.extract %slice3A_947[0] : f32 from vector<1xf32>
        %add3A_949 = arith.constant 18 : i32
        %add3A_950 = arith.addi %mul3A_29, %add3A_949 : i32
        %get3A_951 = arith.index_cast %add3A_950 : i32 to index
        %get3A_952 = arith.constant 0 : index
        %get3A_953 = tpu.vector_load %arg10[%get3A_951, %get3A_952] {strides = array<i32>} : memref<104x128xbf16, #tpu.memory_space<vmem>>, vector<32xbf16>,
        %unpack3A_954 = tpu.unpack_subelements %get3A_953, 0 {pack_format = #tpu.pack_format<interleaved>} : vector<32xbf16> -> vector<16xf32>
        %unpack3A_955 = tpu.unpack_subelements %get3A_953, 1 {pack_format = #tpu.pack_format<interleaved>} : vector<32xbf16> -> vector<16xf32>
        %get3A_956 = arith.index_cast %add3A_950 : i32 to index
        %get3A_957 = arith.constant 64 : index
        %get3A_958 = tpu.vector_load %arg10[%get3A_956, %get3A_957] {strides = array<i32>} : memref<104x128xbf16, #tpu.memory_space<vmem>>, vector<32xbf16>,
        %unpack3A_959 = tpu.unpack_subelements %get3A_958, 0 {pack_format = #tpu.pack_format<interleaved>} : vector<32xbf16> -> vector<16xf32>
        %unpack3A_960 = tpu.unpack_subelements %get3A_958, 1 {pack_format = #tpu.pack_format<interleaved>} : vector<32xbf16> -> vector<16xf32>
        %mul3A_961 = vector.broadcast %squeeze3A_946 : f32 to vector<16xf32>
        %mul3A_962 = arith.mulf %mul3A_961, %unpack3A_954 : vector<16xf32>
        %add3A_963 = arith.addf %add3A_916, %mul3A_962 : vector<16xf32>
        %mul3A_964 = vector.broadcast %squeeze3A_948 : f32 to vector<16xf32>
        %mul3A_965 = arith.mulf %mul3A_964, %unpack3A_959 : vector<16xf32>
        %add3A_966 = arith.addf %add3A_963, %mul3A_965 : vector<16xf32>
        %mul3A_967 = vector.broadcast %squeeze3A_946 : f32 to vector<16xf32>
        %mul3A_968 = arith.mulf %mul3A_967, %unpack3A_955 : vector<16xf32>
        %add3A_969 = arith.addf %add3A_922, %mul3A_968 : vector<16xf32>
        %mul3A_970 = vector.broadcast %squeeze3A_948 : f32 to vector<16xf32>
        %mul3A_971 = arith.mulf %mul3A_970, %unpack3A_960 : vector<16xf32>
        %add3A_972 = arith.addf %add3A_969, %mul3A_971 : vector<16xf32>
        %get3A_973 = arith.index_cast %add3A_950 : i32 to index
        %get3A_974 = arith.constant 32 : index
        %get3A_975 = tpu.vector_load %arg10[%get3A_973, %get3A_974] {strides = array<i32>} : memref<104x128xbf16, #tpu.memory_space<vmem>>, vector<32xbf16>,
        %unpack3A_976 = tpu.unpack_subelements %get3A_975, 0 {pack_format = #tpu.pack_format<interleaved>} : vector<32xbf16> -> vector<16xf32>
        %unpack3A_977 = tpu.unpack_subelements %get3A_975, 1 {pack_format = #tpu.pack_format<interleaved>} : vector<32xbf16> -> vector<16xf32>
        %get3A_978 = arith.index_cast %add3A_950 : i32 to index
        %get3A_979 = arith.constant 96 : index
        %get3A_980 = tpu.vector_load %arg10[%get3A_978, %get3A_979] {strides = array<i32>} : memref<104x128xbf16, #tpu.memory_space<vmem>>, vector<32xbf16>,
        %unpack3A_981 = tpu.unpack_subelements %get3A_980, 0 {pack_format = #tpu.pack_format<interleaved>} : vector<32xbf16> -> vector<16xf32>
        %unpack3A_982 = tpu.unpack_subelements %get3A_980, 1 {pack_format = #tpu.pack_format<interleaved>} : vector<32xbf16> -> vector<16xf32>
        %mul3A_983 = vector.broadcast %squeeze3A_946 : f32 to vector<16xf32>
        %mul3A_984 = arith.mulf %mul3A_983, %unpack3A_976 : vector<16xf32>
        %add3A_985 = arith.addf %add3A_938, %mul3A_984 : vector<16xf32>
        %mul3A_986 = vector.broadcast %squeeze3A_948 : f32 to vector<16xf32>
        %mul3A_987 = arith.mulf %mul3A_986, %unpack3A_981 : vector<16xf32>
        %add3A_988 = arith.addf %add3A_985, %mul3A_987 : vector<16xf32>
        %mul3A_989 = vector.broadcast %squeeze3A_946 : f32 to vector<16xf32>
        %mul3A_990 = arith.mulf %mul3A_989, %unpack3A_977 : vector<16xf32>
        %add3A_991 = arith.addf %add3A_944, %mul3A_990 : vector<16xf32>
        %mul3A_992 = vector.broadcast %squeeze3A_948 : f32 to vector<16xf32>
        %mul3A_993 = arith.mulf %mul3A_992, %unpack3A_982 : vector<16xf32>
        %add3A_994 = arith.addf %add3A_991, %mul3A_993 : vector<16xf32>
        %slice3A_995 = vector.extract_strided_slice %get3A_34 {offsets = [3], sizes = [1], strides = [1]} : vector<16xf32> to vector<1xf32>
        %squeeze3A_996 = vector.extract %slice3A_995[0] : f32 from vector<1xf32>
        %slice3A_997 = vector.extract_strided_slice %get3A_40 {offsets = [3], sizes = [1], strides = [1]} : vector<16xf32> to vector<1xf32>
        %squeeze3A_998 = vector.extract %slice3A_997[0] : f32 from vector<1xf32>
        %add3A_999 = arith.constant 19 : i32
        %add3A_1000 = arith.addi %mul3A_29, %add3A_999 : i32
        %get3A_1001 = arith.index_cast %add3A_1000 : i32 to index
        %get3A_1002 = arith.constant 0 : index
        %get3A_1003 = tpu.vector_load %arg10[%get3A_1001, %get3A_1002] {strides = array<i32>} : memref<104x128xbf16, #tpu.memory_space<vmem>>, vector<32xbf16>,
        %unpack3A_1004 = tpu.unpack_subelements %get3A_1003, 0 {pack_format = #tpu.pack_format<interleaved>} : vector<32xbf16> -> vector<16xf32>
        %unpack3A_1005 = tpu.unpack_subelements %get3A_1003, 1 {pack_format = #tpu.pack_format<interleaved>} : vector<32xbf16> -> vector<16xf32>
        %get3A_1006 = arith.index_cast %add3A_1000 : i32 to index
        %get3A_1007 = arith.constant 64 : index
        %get3A_1008 = tpu.vector_load %arg10[%get3A_1006, %get3A_1007] {strides = array<i32>} : memref<104x128xbf16, #tpu.memory_space<vmem>>, vector<32xbf16>,
        %unpack3A_1009 = tpu.unpack_subelements %get3A_1008, 0 {pack_format = #tpu.pack_format<interleaved>} : vector<32xbf16> -> vector<16xf32>
        %unpack3A_1010 = tpu.unpack_subelements %get3A_1008, 1 {pack_format = #tpu.pack_format<interleaved>} : vector<32xbf16> -> vector<16xf32>
        %mul3A_1011 = vector.broadcast %squeeze3A_996 : f32 to vector<16xf32>
        %mul3A_1012 = arith.mulf %mul3A_1011, %unpack3A_1004 : vector<16xf32>
        %add3A_1013 = arith.addf %add3A_966, %mul3A_1012 : vector<16xf32>
        %mul3A_1014 = vector.broadcast %squeeze3A_998 : f32 to vector<16xf32>
        %mul3A_1015 = arith.mulf %mul3A_1014, %unpack3A_1009 : vector<16xf32>
        %add3A_1016 = arith.addf %add3A_1013, %mul3A_1015 : vector<16xf32>
        %mul3A_1017 = vector.broadcast %squeeze3A_996 : f32 to vector<16xf32>
        %mul3A_1018 = arith.mulf %mul3A_1017, %unpack3A_1005 : vector<16xf32>
        %add3A_1019 = arith.addf %add3A_972, %mul3A_1018 : vector<16xf32>
        %mul3A_1020 = vector.broadcast %squeeze3A_998 : f32 to vector<16xf32>
        %mul3A_1021 = arith.mulf %mul3A_1020, %unpack3A_1010 : vector<16xf32>
        %add3A_1022 = arith.addf %add3A_1019, %mul3A_1021 : vector<16xf32>
        %get3A_1023 = arith.index_cast %add3A_1000 : i32 to index
        %get3A_1024 = arith.constant 32 : index
        %get3A_1025 = tpu.vector_load %arg10[%get3A_1023, %get3A_1024] {strides = array<i32>} : memref<104x128xbf16, #tpu.memory_space<vmem>>, vector<32xbf16>,
        %unpack3A_1026 = tpu.unpack_subelements %get3A_1025, 0 {pack_format = #tpu.pack_format<interleaved>} : vector<32xbf16> -> vector<16xf32>
        %unpack3A_1027 = tpu.unpack_subelements %get3A_1025, 1 {pack_format = #tpu.pack_format<interleaved>} : vector<32xbf16> -> vector<16xf32>
        %get3A_1028 = arith.index_cast %add3A_1000 : i32 to index
        %get3A_1029 = arith.constant 96 : index
        %get3A_1030 = tpu.vector_load %arg10[%get3A_1028, %get3A_1029] {strides = array<i32>} : memref<104x128xbf16, #tpu.memory_space<vmem>>, vector<32xbf16>,
        %unpack3A_1031 = tpu.unpack_subelements %get3A_1030, 0 {pack_format = #tpu.pack_format<interleaved>} : vector<32xbf16> -> vector<16xf32>
        %unpack3A_1032 = tpu.unpack_subelements %get3A_1030, 1 {pack_format = #tpu.pack_format<interleaved>} : vector<32xbf16> -> vector<16xf32>
        %mul3A_1033 = vector.broadcast %squeeze3A_996 : f32 to vector<16xf32>
        %mul3A_1034 = arith.mulf %mul3A_1033, %unpack3A_1026 : vector<16xf32>
        %add3A_1035 = arith.addf %add3A_988, %mul3A_1034 : vector<16xf32>
        %mul3A_1036 = vector.broadcast %squeeze3A_998 : f32 to vector<16xf32>
        %mul3A_1037 = arith.mulf %mul3A_1036, %unpack3A_1031 : vector<16xf32>
        %add3A_1038 = arith.addf %add3A_1035, %mul3A_1037 : vector<16xf32>
        %mul3A_1039 = vector.broadcast %squeeze3A_996 : f32 to vector<16xf32>
        %mul3A_1040 = arith.mulf %mul3A_1039, %unpack3A_1027 : vector<16xf32>
        %add3A_1041 = arith.addf %add3A_994, %mul3A_1040 : vector<16xf32>
        %mul3A_1042 = vector.broadcast %squeeze3A_998 : f32 to vector<16xf32>
        %mul3A_1043 = arith.mulf %mul3A_1042, %unpack3A_1032 : vector<16xf32>
        %add3A_1044 = arith.addf %add3A_1041, %mul3A_1043 : vector<16xf32>
        %slice3A_1045 = vector.extract_strided_slice %get3A_34 {offsets = [4], sizes = [1], strides = [1]} : vector<16xf32> to vector<1xf32>
        %squeeze3A_1046 = vector.extract %slice3A_1045[0] : f32 from vector<1xf32>
        %slice3A_1047 = vector.extract_strided_slice %get3A_40 {offsets = [4], sizes = [1], strides = [1]} : vector<16xf32> to vector<1xf32>
        %squeeze3A_1048 = vector.extract %slice3A_1047[0] : f32 from vector<1xf32>
        %add3A_1049 = arith.constant 20 : i32
        %add3A_1050 = arith.addi %mul3A_29, %add3A_1049 : i32
        %get3A_1051 = arith.index_cast %add3A_1050 : i32 to index
        %get3A_1052 = arith.constant 0 : index
        %get3A_1053 = tpu.vector_load %arg10[%get3A_1051, %get3A_1052] {strides = array<i32>} : memref<104x128xbf16, #tpu.memory_space<vmem>>, vector<32xbf16>,
        %unpack3A_1054 = tpu.unpack_subelements %get3A_1053, 0 {pack_format = #tpu.pack_format<interleaved>} : vector<32xbf16> -> vector<16xf32>
        %unpack3A_1055 = tpu.unpack_subelements %get3A_1053, 1 {pack_format = #tpu.pack_format<interleaved>} : vector<32xbf16> -> vector<16xf32>
        %get3A_1056 = arith.index_cast %add3A_1050 : i32 to index
        %get3A_1057 = arith.constant 64 : index
        %get3A_1058 = tpu.vector_load %arg10[%get3A_1056, %get3A_1057] {strides = array<i32>} : memref<104x128xbf16, #tpu.memory_space<vmem>>, vector<32xbf16>,
        %unpack3A_1059 = tpu.unpack_subelements %get3A_1058, 0 {pack_format = #tpu.pack_format<interleaved>} : vector<32xbf16> -> vector<16xf32>
        %unpack3A_1060 = tpu.unpack_subelements %get3A_1058, 1 {pack_format = #tpu.pack_format<interleaved>} : vector<32xbf16> -> vector<16xf32>
        %mul3A_1061 = vector.broadcast %squeeze3A_1046 : f32 to vector<16xf32>
        %mul3A_1062 = arith.mulf %mul3A_1061, %unpack3A_1054 : vector<16xf32>
        %add3A_1063 = arith.addf %add3A_1016, %mul3A_1062 : vector<16xf32>
        %mul3A_1064 = vector.broadcast %squeeze3A_1048 : f32 to vector<16xf32>
        %mul3A_1065 = arith.mulf %mul3A_1064, %unpack3A_1059 : vector<16xf32>
        %add3A_1066 = arith.addf %add3A_1063, %mul3A_1065 : vector<16xf32>
        %mul3A_1067 = vector.broadcast %squeeze3A_1046 : f32 to vector<16xf32>
        %mul3A_1068 = arith.mulf %mul3A_1067, %unpack3A_1055 : vector<16xf32>
        %add3A_1069 = arith.addf %add3A_1022, %mul3A_1068 : vector<16xf32>
        %mul3A_1070 = vector.broadcast %squeeze3A_1048 : f32 to vector<16xf32>
        %mul3A_1071 = arith.mulf %mul3A_1070, %unpack3A_1060 : vector<16xf32>
        %add3A_1072 = arith.addf %add3A_1069, %mul3A_1071 : vector<16xf32>
        %get3A_1073 = arith.index_cast %add3A_1050 : i32 to index
        %get3A_1074 = arith.constant 32 : index
        %get3A_1075 = tpu.vector_load %arg10[%get3A_1073, %get3A_1074] {strides = array<i32>} : memref<104x128xbf16, #tpu.memory_space<vmem>>, vector<32xbf16>,
        %unpack3A_1076 = tpu.unpack_subelements %get3A_1075, 0 {pack_format = #tpu.pack_format<interleaved>} : vector<32xbf16> -> vector<16xf32>
        %unpack3A_1077 = tpu.unpack_subelements %get3A_1075, 1 {pack_format = #tpu.pack_format<interleaved>} : vector<32xbf16> -> vector<16xf32>
        %get3A_1078 = arith.index_cast %add3A_1050 : i32 to index
        %get3A_1079 = arith.constant 96 : index
        %get3A_1080 = tpu.vector_load %arg10[%get3A_1078, %get3A_1079] {strides = array<i32>} : memref<104x128xbf16, #tpu.memory_space<vmem>>, vector<32xbf16>,
        %unpack3A_1081 = tpu.unpack_subelements %get3A_1080, 0 {pack_format = #tpu.pack_format<interleaved>} : vector<32xbf16> -> vector<16xf32>
        %unpack3A_1082 = tpu.unpack_subelements %get3A_1080, 1 {pack_format = #tpu.pack_format<interleaved>} : vector<32xbf16> -> vector<16xf32>
        %mul3A_1083 = vector.broadcast %squeeze3A_1046 : f32 to vector<16xf32>
        %mul3A_1084 = arith.mulf %mul3A_1083, %unpack3A_1076 : vector<16xf32>
        %add3A_1085 = arith.addf %add3A_1038, %mul3A_1084 : vector<16xf32>
        %mul3A_1086 = vector.broadcast %squeeze3A_1048 : f32 to vector<16xf32>
        %mul3A_1087 = arith.mulf %mul3A_1086, %unpack3A_1081 : vector<16xf32>
        %add3A_1088 = arith.addf %add3A_1085, %mul3A_1087 : vector<16xf32>
        %mul3A_1089 = vector.broadcast %squeeze3A_1046 : f32 to vector<16xf32>
        %mul3A_1090 = arith.mulf %mul3A_1089, %unpack3A_1077 : vector<16xf32>
        %add3A_1091 = arith.addf %add3A_1044, %mul3A_1090 : vector<16xf32>
        %mul3A_1092 = vector.broadcast %squeeze3A_1048 : f32 to vector<16xf32>
        %mul3A_1093 = arith.mulf %mul3A_1092, %unpack3A_1082 : vector<16xf32>
        %add3A_1094 = arith.addf %add3A_1091, %mul3A_1093 : vector<16xf32>
        %slice3A_1095 = vector.extract_strided_slice %get3A_34 {offsets = [5], sizes = [1], strides = [1]} : vector<16xf32> to vector<1xf32>
        %squeeze3A_1096 = vector.extract %slice3A_1095[0] : f32 from vector<1xf32>
        %slice3A_1097 = vector.extract_strided_slice %get3A_40 {offsets = [5], sizes = [1], strides = [1]} : vector<16xf32> to vector<1xf32>
        %squeeze3A_1098 = vector.extract %slice3A_1097[0] : f32 from vector<1xf32>
        %add3A_1099 = arith.constant 21 : i32
        %add3A_1100 = arith.addi %mul3A_29, %add3A_1099 : i32
        %get3A_1101 = arith.index_cast %add3A_1100 : i32 to index
        %get3A_1102 = arith.constant 0 : index
        %get3A_1103 = tpu.vector_load %arg10[%get3A_1101, %get3A_1102] {strides = array<i32>} : memref<104x128xbf16, #tpu.memory_space<vmem>>, vector<32xbf16>,
        %unpack3A_1104 = tpu.unpack_subelements %get3A_1103, 0 {pack_format = #tpu.pack_format<interleaved>} : vector<32xbf16> -> vector<16xf32>
        %unpack3A_1105 = tpu.unpack_subelements %get3A_1103, 1 {pack_format = #tpu.pack_format<interleaved>} : vector<32xbf16> -> vector<16xf32>
        %get3A_1106 = arith.index_cast %add3A_1100 : i32 to index
        %get3A_1107 = arith.constant 64 : index
        %get3A_1108 = tpu.vector_load %arg10[%get3A_1106, %get3A_1107] {strides = array<i32>} : memref<104x128xbf16, #tpu.memory_space<vmem>>, vector<32xbf16>,
        %unpack3A_1109 = tpu.unpack_subelements %get3A_1108, 0 {pack_format = #tpu.pack_format<interleaved>} : vector<32xbf16> -> vector<16xf32>
        %unpack3A_1110 = tpu.unpack_subelements %get3A_1108, 1 {pack_format = #tpu.pack_format<interleaved>} : vector<32xbf16> -> vector<16xf32>
        %mul3A_1111 = vector.broadcast %squeeze3A_1096 : f32 to vector<16xf32>
        %mul3A_1112 = arith.mulf %mul3A_1111, %unpack3A_1104 : vector<16xf32>
        %add3A_1113 = arith.addf %add3A_1066, %mul3A_1112 : vector<16xf32>
        %mul3A_1114 = vector.broadcast %squeeze3A_1098 : f32 to vector<16xf32>
        %mul3A_1115 = arith.mulf %mul3A_1114, %unpack3A_1109 : vector<16xf32>
        %add3A_1116 = arith.addf %add3A_1113, %mul3A_1115 : vector<16xf32>
        %mul3A_1117 = vector.broadcast %squeeze3A_1096 : f32 to vector<16xf32>
        %mul3A_1118 = arith.mulf %mul3A_1117, %unpack3A_1105 : vector<16xf32>
        %add3A_1119 = arith.addf %add3A_1072, %mul3A_1118 : vector<16xf32>
        %mul3A_1120 = vector.broadcast %squeeze3A_1098 : f32 to vector<16xf32>
        %mul3A_1121 = arith.mulf %mul3A_1120, %unpack3A_1110 : vector<16xf32>
        %add3A_1122 = arith.addf %add3A_1119, %mul3A_1121 : vector<16xf32>
        %get3A_1123 = arith.index_cast %add3A_1100 : i32 to index
        %get3A_1124 = arith.constant 32 : index
        %get3A_1125 = tpu.vector_load %arg10[%get3A_1123, %get3A_1124] {strides = array<i32>} : memref<104x128xbf16, #tpu.memory_space<vmem>>, vector<32xbf16>,
        %unpack3A_1126 = tpu.unpack_subelements %get3A_1125, 0 {pack_format = #tpu.pack_format<interleaved>} : vector<32xbf16> -> vector<16xf32>
        %unpack3A_1127 = tpu.unpack_subelements %get3A_1125, 1 {pack_format = #tpu.pack_format<interleaved>} : vector<32xbf16> -> vector<16xf32>
        %get3A_1128 = arith.index_cast %add3A_1100 : i32 to index
        %get3A_1129 = arith.constant 96 : index
        %get3A_1130 = tpu.vector_load %arg10[%get3A_1128, %get3A_1129] {strides = array<i32>} : memref<104x128xbf16, #tpu.memory_space<vmem>>, vector<32xbf16>,
        %unpack3A_1131 = tpu.unpack_subelements %get3A_1130, 0 {pack_format = #tpu.pack_format<interleaved>} : vector<32xbf16> -> vector<16xf32>
        %unpack3A_1132 = tpu.unpack_subelements %get3A_1130, 1 {pack_format = #tpu.pack_format<interleaved>} : vector<32xbf16> -> vector<16xf32>
        %mul3A_1133 = vector.broadcast %squeeze3A_1096 : f32 to vector<16xf32>
        %mul3A_1134 = arith.mulf %mul3A_1133, %unpack3A_1126 : vector<16xf32>
        %add3A_1135 = arith.addf %add3A_1088, %mul3A_1134 : vector<16xf32>
        %mul3A_1136 = vector.broadcast %squeeze3A_1098 : f32 to vector<16xf32>
        %mul3A_1137 = arith.mulf %mul3A_1136, %unpack3A_1131 : vector<16xf32>
        %add3A_1138 = arith.addf %add3A_1135, %mul3A_1137 : vector<16xf32>
        %mul3A_1139 = vector.broadcast %squeeze3A_1096 : f32 to vector<16xf32>
        %mul3A_1140 = arith.mulf %mul3A_1139, %unpack3A_1127 : vector<16xf32>
        %add3A_1141 = arith.addf %add3A_1094, %mul3A_1140 : vector<16xf32>
        %mul3A_1142 = vector.broadcast %squeeze3A_1098 : f32 to vector<16xf32>
        %mul3A_1143 = arith.mulf %mul3A_1142, %unpack3A_1132 : vector<16xf32>
        %add3A_1144 = arith.addf %add3A_1141, %mul3A_1143 : vector<16xf32>
        %slice3A_1145 = vector.extract_strided_slice %get3A_34 {offsets = [6], sizes = [1], strides = [1]} : vector<16xf32> to vector<1xf32>
        %squeeze3A_1146 = vector.extract %slice3A_1145[0] : f32 from vector<1xf32>
        %slice3A_1147 = vector.extract_strided_slice %get3A_40 {offsets = [6], sizes = [1], strides = [1]} : vector<16xf32> to vector<1xf32>
        %squeeze3A_1148 = vector.extract %slice3A_1147[0] : f32 from vector<1xf32>
        %add3A_1149 = arith.constant 22 : i32
        %add3A_1150 = arith.addi %mul3A_29, %add3A_1149 : i32
        %get3A_1151 = arith.index_cast %add3A_1150 : i32 to index
        %get3A_1152 = arith.constant 0 : index
        %get3A_1153 = tpu.vector_load %arg10[%get3A_1151, %get3A_1152] {strides = array<i32>} : memref<104x128xbf16, #tpu.memory_space<vmem>>, vector<32xbf16>,
        %unpack3A_1154 = tpu.unpack_subelements %get3A_1153, 0 {pack_format = #tpu.pack_format<interleaved>} : vector<32xbf16> -> vector<16xf32>
        %unpack3A_1155 = tpu.unpack_subelements %get3A_1153, 1 {pack_format = #tpu.pack_format<interleaved>} : vector<32xbf16> -> vector<16xf32>
        %get3A_1156 = arith.index_cast %add3A_1150 : i32 to index
        %get3A_1157 = arith.constant 64 : index
        %get3A_1158 = tpu.vector_load %arg10[%get3A_1156, %get3A_1157] {strides = array<i32>} : memref<104x128xbf16, #tpu.memory_space<vmem>>, vector<32xbf16>,
        %unpack3A_1159 = tpu.unpack_subelements %get3A_1158, 0 {pack_format = #tpu.pack_format<interleaved>} : vector<32xbf16> -> vector<16xf32>
        %unpack3A_1160 = tpu.unpack_subelements %get3A_1158, 1 {pack_format = #tpu.pack_format<interleaved>} : vector<32xbf16> -> vector<16xf32>
        %mul3A_1161 = vector.broadcast %squeeze3A_1146 : f32 to vector<16xf32>
        %mul3A_1162 = arith.mulf %mul3A_1161, %unpack3A_1154 : vector<16xf32>
        %add3A_1163 = arith.addf %add3A_1116, %mul3A_1162 : vector<16xf32>
        %mul3A_1164 = vector.broadcast %squeeze3A_1148 : f32 to vector<16xf32>
        %mul3A_1165 = arith.mulf %mul3A_1164, %unpack3A_1159 : vector<16xf32>
        %add3A_1166 = arith.addf %add3A_1163, %mul3A_1165 : vector<16xf32>
        %mul3A_1167 = vector.broadcast %squeeze3A_1146 : f32 to vector<16xf32>
        %mul3A_1168 = arith.mulf %mul3A_1167, %unpack3A_1155 : vector<16xf32>
        %add3A_1169 = arith.addf %add3A_1122, %mul3A_1168 : vector<16xf32>
        %mul3A_1170 = vector.broadcast %squeeze3A_1148 : f32 to vector<16xf32>
        %mul3A_1171 = arith.mulf %mul3A_1170, %unpack3A_1160 : vector<16xf32>
        %add3A_1172 = arith.addf %add3A_1169, %mul3A_1171 : vector<16xf32>
        %get3A_1173 = arith.index_cast %add3A_1150 : i32 to index
        %get3A_1174 = arith.constant 32 : index
        %get3A_1175 = tpu.vector_load %arg10[%get3A_1173, %get3A_1174] {strides = array<i32>} : memref<104x128xbf16, #tpu.memory_space<vmem>>, vector<32xbf16>,
        %unpack3A_1176 = tpu.unpack_subelements %get3A_1175, 0 {pack_format = #tpu.pack_format<interleaved>} : vector<32xbf16> -> vector<16xf32>
        %unpack3A_1177 = tpu.unpack_subelements %get3A_1175, 1 {pack_format = #tpu.pack_format<interleaved>} : vector<32xbf16> -> vector<16xf32>
        %get3A_1178 = arith.index_cast %add3A_1150 : i32 to index
        %get3A_1179 = arith.constant 96 : index
        %get3A_1180 = tpu.vector_load %arg10[%get3A_1178, %get3A_1179] {strides = array<i32>} : memref<104x128xbf16, #tpu.memory_space<vmem>>, vector<32xbf16>,
        %unpack3A_1181 = tpu.unpack_subelements %get3A_1180, 0 {pack_format = #tpu.pack_format<interleaved>} : vector<32xbf16> -> vector<16xf32>
        %unpack3A_1182 = tpu.unpack_subelements %get3A_1180, 1 {pack_format = #tpu.pack_format<interleaved>} : vector<32xbf16> -> vector<16xf32>
        %mul3A_1183 = vector.broadcast %squeeze3A_1146 : f32 to vector<16xf32>
        %mul3A_1184 = arith.mulf %mul3A_1183, %unpack3A_1176 : vector<16xf32>
        %add3A_1185 = arith.addf %add3A_1138, %mul3A_1184 : vector<16xf32>
        %mul3A_1186 = vector.broadcast %squeeze3A_1148 : f32 to vector<16xf32>
        %mul3A_1187 = arith.mulf %mul3A_1186, %unpack3A_1181 : vector<16xf32>
        %add3A_1188 = arith.addf %add3A_1185, %mul3A_1187 : vector<16xf32>
        %mul3A_1189 = vector.broadcast %squeeze3A_1146 : f32 to vector<16xf32>
        %mul3A_1190 = arith.mulf %mul3A_1189, %unpack3A_1177 : vector<16xf32>
        %add3A_1191 = arith.addf %add3A_1144, %mul3A_1190 : vector<16xf32>
        %mul3A_1192 = vector.broadcast %squeeze3A_1148 : f32 to vector<16xf32>
        %mul3A_1193 = arith.mulf %mul3A_1192, %unpack3A_1182 : vector<16xf32>
        %add3A_1194 = arith.addf %add3A_1191, %mul3A_1193 : vector<16xf32>
        %slice3A_1195 = vector.extract_strided_slice %get3A_34 {offsets = [7], sizes = [1], strides = [1]} : vector<16xf32> to vector<1xf32>
        %squeeze3A_1196 = vector.extract %slice3A_1195[0] : f32 from vector<1xf32>
        %slice3A_1197 = vector.extract_strided_slice %get3A_40 {offsets = [7], sizes = [1], strides = [1]} : vector<16xf32> to vector<1xf32>
        %squeeze3A_1198 = vector.extract %slice3A_1197[0] : f32 from vector<1xf32>
        %add3A_1199 = arith.constant 23 : i32
        %add3A_1200 = arith.addi %mul3A_29, %add3A_1199 : i32
        %get3A_1201 = arith.index_cast %add3A_1200 : i32 to index
        %get3A_1202 = arith.constant 0 : index
        %get3A_1203 = tpu.vector_load %arg10[%get3A_1201, %get3A_1202] {strides = array<i32>} : memref<104x128xbf16, #tpu.memory_space<vmem>>, vector<32xbf16>,
        %unpack3A_1204 = tpu.unpack_subelements %get3A_1203, 0 {pack_format = #tpu.pack_format<interleaved>} : vector<32xbf16> -> vector<16xf32>
        %unpack3A_1205 = tpu.unpack_subelements %get3A_1203, 1 {pack_format = #tpu.pack_format<interleaved>} : vector<32xbf16> -> vector<16xf32>
        %get3A_1206 = arith.index_cast %add3A_1200 : i32 to index
        %get3A_1207 = arith.constant 64 : index
        %get3A_1208 = tpu.vector_load %arg10[%get3A_1206, %get3A_1207] {strides = array<i32>} : memref<104x128xbf16, #tpu.memory_space<vmem>>, vector<32xbf16>,
        %unpack3A_1209 = tpu.unpack_subelements %get3A_1208, 0 {pack_format = #tpu.pack_format<interleaved>} : vector<32xbf16> -> vector<16xf32>
        %unpack3A_1210 = tpu.unpack_subelements %get3A_1208, 1 {pack_format = #tpu.pack_format<interleaved>} : vector<32xbf16> -> vector<16xf32>
        %mul3A_1211 = vector.broadcast %squeeze3A_1196 : f32 to vector<16xf32>
        %mul3A_1212 = arith.mulf %mul3A_1211, %unpack3A_1204 : vector<16xf32>
        %add3A_1213 = arith.addf %add3A_1166, %mul3A_1212 : vector<16xf32>
        %mul3A_1214 = vector.broadcast %squeeze3A_1198 : f32 to vector<16xf32>
        %mul3A_1215 = arith.mulf %mul3A_1214, %unpack3A_1209 : vector<16xf32>
        %add3A_1216 = arith.addf %add3A_1213, %mul3A_1215 : vector<16xf32>
        %mul3A_1217 = vector.broadcast %squeeze3A_1196 : f32 to vector<16xf32>
        %mul3A_1218 = arith.mulf %mul3A_1217, %unpack3A_1205 : vector<16xf32>
        %add3A_1219 = arith.addf %add3A_1172, %mul3A_1218 : vector<16xf32>
        %mul3A_1220 = vector.broadcast %squeeze3A_1198 : f32 to vector<16xf32>
        %mul3A_1221 = arith.mulf %mul3A_1220, %unpack3A_1210 : vector<16xf32>
        %add3A_1222 = arith.addf %add3A_1219, %mul3A_1221 : vector<16xf32>
        %get3A_1223 = arith.index_cast %add3A_1200 : i32 to index
        %get3A_1224 = arith.constant 32 : index
        %get3A_1225 = tpu.vector_load %arg10[%get3A_1223, %get3A_1224] {strides = array<i32>} : memref<104x128xbf16, #tpu.memory_space<vmem>>, vector<32xbf16>,
        %unpack3A_1226 = tpu.unpack_subelements %get3A_1225, 0 {pack_format = #tpu.pack_format<interleaved>} : vector<32xbf16> -> vector<16xf32>
        %unpack3A_1227 = tpu.unpack_subelements %get3A_1225, 1 {pack_format = #tpu.pack_format<interleaved>} : vector<32xbf16> -> vector<16xf32>
        %get3A_1228 = arith.index_cast %add3A_1200 : i32 to index
        %get3A_1229 = arith.constant 96 : index
        %get3A_1230 = tpu.vector_load %arg10[%get3A_1228, %get3A_1229] {strides = array<i32>} : memref<104x128xbf16, #tpu.memory_space<vmem>>, vector<32xbf16>,
        %unpack3A_1231 = tpu.unpack_subelements %get3A_1230, 0 {pack_format = #tpu.pack_format<interleaved>} : vector<32xbf16> -> vector<16xf32>
        %unpack3A_1232 = tpu.unpack_subelements %get3A_1230, 1 {pack_format = #tpu.pack_format<interleaved>} : vector<32xbf16> -> vector<16xf32>
        %mul3A_1233 = vector.broadcast %squeeze3A_1196 : f32 to vector<16xf32>
        %mul3A_1234 = arith.mulf %mul3A_1233, %unpack3A_1226 : vector<16xf32>
        %add3A_1235 = arith.addf %add3A_1188, %mul3A_1234 : vector<16xf32>
        %mul3A_1236 = vector.broadcast %squeeze3A_1198 : f32 to vector<16xf32>
        %mul3A_1237 = arith.mulf %mul3A_1236, %unpack3A_1231 : vector<16xf32>
        %add3A_1238 = arith.addf %add3A_1235, %mul3A_1237 : vector<16xf32>
        %mul3A_1239 = vector.broadcast %squeeze3A_1196 : f32 to vector<16xf32>
        %mul3A_1240 = arith.mulf %mul3A_1239, %unpack3A_1227 : vector<16xf32>
        %add3A_1241 = arith.addf %add3A_1194, %mul3A_1240 : vector<16xf32>
        %mul3A_1242 = vector.broadcast %squeeze3A_1198 : f32 to vector<16xf32>
        %mul3A_1243 = arith.mulf %mul3A_1242, %unpack3A_1232 : vector<16xf32>
        %add3A_1244 = arith.addf %add3A_1241, %mul3A_1243 : vector<16xf32>
        %slice3A_1245 = vector.extract_strided_slice %get3A_34 {offsets = [8], sizes = [1], strides = [1]} : vector<16xf32> to vector<1xf32>
        %squeeze3A_1246 = vector.extract %slice3A_1245[0] : f32 from vector<1xf32>
        %slice3A_1247 = vector.extract_strided_slice %get3A_40 {offsets = [8], sizes = [1], strides = [1]} : vector<16xf32> to vector<1xf32>
        %squeeze3A_1248 = vector.extract %slice3A_1247[0] : f32 from vector<1xf32>
        %add3A_1249 = arith.constant 24 : i32
        %add3A_1250 = arith.addi %mul3A_29, %add3A_1249 : i32
        %get3A_1251 = arith.index_cast %add3A_1250 : i32 to index
        %get3A_1252 = arith.constant 0 : index
        %get3A_1253 = tpu.vector_load %arg10[%get3A_1251, %get3A_1252] {strides = array<i32>} : memref<104x128xbf16, #tpu.memory_space<vmem>>, vector<32xbf16>,
        %unpack3A_1254 = tpu.unpack_subelements %get3A_1253, 0 {pack_format = #tpu.pack_format<interleaved>} : vector<32xbf16> -> vector<16xf32>
        %unpack3A_1255 = tpu.unpack_subelements %get3A_1253, 1 {pack_format = #tpu.pack_format<interleaved>} : vector<32xbf16> -> vector<16xf32>
        %get3A_1256 = arith.index_cast %add3A_1250 : i32 to index
        %get3A_1257 = arith.constant 64 : index
        %get3A_1258 = tpu.vector_load %arg10[%get3A_1256, %get3A_1257] {strides = array<i32>} : memref<104x128xbf16, #tpu.memory_space<vmem>>, vector<32xbf16>,
        %unpack3A_1259 = tpu.unpack_subelements %get3A_1258, 0 {pack_format = #tpu.pack_format<interleaved>} : vector<32xbf16> -> vector<16xf32>
        %unpack3A_1260 = tpu.unpack_subelements %get3A_1258, 1 {pack_format = #tpu.pack_format<interleaved>} : vector<32xbf16> -> vector<16xf32>
        %mul3A_1261 = vector.broadcast %squeeze3A_1246 : f32 to vector<16xf32>
        %mul3A_1262 = arith.mulf %mul3A_1261, %unpack3A_1254 : vector<16xf32>
        %add3A_1263 = arith.addf %add3A_1216, %mul3A_1262 : vector<16xf32>
        %mul3A_1264 = vector.broadcast %squeeze3A_1248 : f32 to vector<16xf32>
        %mul3A_1265 = arith.mulf %mul3A_1264, %unpack3A_1259 : vector<16xf32>
        %add3A_1266 = arith.addf %add3A_1263, %mul3A_1265 : vector<16xf32>
        %mul3A_1267 = vector.broadcast %squeeze3A_1246 : f32 to vector<16xf32>
        %mul3A_1268 = arith.mulf %mul3A_1267, %unpack3A_1255 : vector<16xf32>
        %add3A_1269 = arith.addf %add3A_1222, %mul3A_1268 : vector<16xf32>
        %mul3A_1270 = vector.broadcast %squeeze3A_1248 : f32 to vector<16xf32>
        %mul3A_1271 = arith.mulf %mul3A_1270, %unpack3A_1260 : vector<16xf32>
        %add3A_1272 = arith.addf %add3A_1269, %mul3A_1271 : vector<16xf32>
        %get3A_1273 = arith.index_cast %add3A_1250 : i32 to index
        %get3A_1274 = arith.constant 32 : index
        %get3A_1275 = tpu.vector_load %arg10[%get3A_1273, %get3A_1274] {strides = array<i32>} : memref<104x128xbf16, #tpu.memory_space<vmem>>, vector<32xbf16>,
        %unpack3A_1276 = tpu.unpack_subelements %get3A_1275, 0 {pack_format = #tpu.pack_format<interleaved>} : vector<32xbf16> -> vector<16xf32>
        %unpack3A_1277 = tpu.unpack_subelements %get3A_1275, 1 {pack_format = #tpu.pack_format<interleaved>} : vector<32xbf16> -> vector<16xf32>
        %get3A_1278 = arith.index_cast %add3A_1250 : i32 to index
        %get3A_1279 = arith.constant 96 : index
        %get3A_1280 = tpu.vector_load %arg10[%get3A_1278, %get3A_1279] {strides = array<i32>} : memref<104x128xbf16, #tpu.memory_space<vmem>>, vector<32xbf16>,
        %unpack3A_1281 = tpu.unpack_subelements %get3A_1280, 0 {pack_format = #tpu.pack_format<interleaved>} : vector<32xbf16> -> vector<16xf32>
        %unpack3A_1282 = tpu.unpack_subelements %get3A_1280, 1 {pack_format = #tpu.pack_format<interleaved>} : vector<32xbf16> -> vector<16xf32>
        %mul3A_1283 = vector.broadcast %squeeze3A_1246 : f32 to vector<16xf32>
        %mul3A_1284 = arith.mulf %mul3A_1283, %unpack3A_1276 : vector<16xf32>
        %add3A_1285 = arith.addf %add3A_1238, %mul3A_1284 : vector<16xf32>
        %mul3A_1286 = vector.broadcast %squeeze3A_1248 : f32 to vector<16xf32>
        %mul3A_1287 = arith.mulf %mul3A_1286, %unpack3A_1281 : vector<16xf32>
        %add3A_1288 = arith.addf %add3A_1285, %mul3A_1287 : vector<16xf32>
        %mul3A_1289 = vector.broadcast %squeeze3A_1246 : f32 to vector<16xf32>
        %mul3A_1290 = arith.mulf %mul3A_1289, %unpack3A_1277 : vector<16xf32>
        %add3A_1291 = arith.addf %add3A_1244, %mul3A_1290 : vector<16xf32>
        %mul3A_1292 = vector.broadcast %squeeze3A_1248 : f32 to vector<16xf32>
        %mul3A_1293 = arith.mulf %mul3A_1292, %unpack3A_1282 : vector<16xf32>
        %add3A_1294 = arith.addf %add3A_1291, %mul3A_1293 : vector<16xf32>
        %slice3A_1295 = vector.extract_strided_slice %get3A_34 {offsets = [9], sizes = [1], strides = [1]} : vector<16xf32> to vector<1xf32>
        %squeeze3A_1296 = vector.extract %slice3A_1295[0] : f32 from vector<1xf32>
        %slice3A_1297 = vector.extract_strided_slice %get3A_40 {offsets = [9], sizes = [1], strides = [1]} : vector<16xf32> to vector<1xf32>
        %squeeze3A_1298 = vector.extract %slice3A_1297[0] : f32 from vector<1xf32>
        %add3A_1299 = arith.constant 25 : i32
        %add3A_1300 = arith.addi %mul3A_29, %add3A_1299 : i32
        %get3A_1301 = arith.index_cast %add3A_1300 : i32 to index
        %get3A_1302 = arith.constant 0 : index
        %get3A_1303 = tpu.vector_load %arg10[%get3A_1301, %get3A_1302] {strides = array<i32>} : memref<104x128xbf16, #tpu.memory_space<vmem>>, vector<32xbf16>,
        %unpack3A_1304 = tpu.unpack_subelements %get3A_1303, 0 {pack_format = #tpu.pack_format<interleaved>} : vector<32xbf16> -> vector<16xf32>
        %unpack3A_1305 = tpu.unpack_subelements %get3A_1303, 1 {pack_format = #tpu.pack_format<interleaved>} : vector<32xbf16> -> vector<16xf32>
        %get3A_1306 = arith.index_cast %add3A_1300 : i32 to index
        %get3A_1307 = arith.constant 64 : index
        %get3A_1308 = tpu.vector_load %arg10[%get3A_1306, %get3A_1307] {strides = array<i32>} : memref<104x128xbf16, #tpu.memory_space<vmem>>, vector<32xbf16>,
        %unpack3A_1309 = tpu.unpack_subelements %get3A_1308, 0 {pack_format = #tpu.pack_format<interleaved>} : vector<32xbf16> -> vector<16xf32>
        %unpack3A_1310 = tpu.unpack_subelements %get3A_1308, 1 {pack_format = #tpu.pack_format<interleaved>} : vector<32xbf16> -> vector<16xf32>
        %mul3A_1311 = vector.broadcast %squeeze3A_1296 : f32 to vector<16xf32>
        %mul3A_1312 = arith.mulf %mul3A_1311, %unpack3A_1304 : vector<16xf32>
        %add3A_1313 = arith.addf %add3A_1266, %mul3A_1312 : vector<16xf32>
        %mul3A_1314 = vector.broadcast %squeeze3A_1298 : f32 to vector<16xf32>
        %mul3A_1315 = arith.mulf %mul3A_1314, %unpack3A_1309 : vector<16xf32>
        %add3A_1316 = arith.addf %add3A_1313, %mul3A_1315 : vector<16xf32>
        %mul3A_1317 = vector.broadcast %squeeze3A_1296 : f32 to vector<16xf32>
        %mul3A_1318 = arith.mulf %mul3A_1317, %unpack3A_1305 : vector<16xf32>
        %add3A_1319 = arith.addf %add3A_1272, %mul3A_1318 : vector<16xf32>
        %mul3A_1320 = vector.broadcast %squeeze3A_1298 : f32 to vector<16xf32>
        %mul3A_1321 = arith.mulf %mul3A_1320, %unpack3A_1310 : vector<16xf32>
        %add3A_1322 = arith.addf %add3A_1319, %mul3A_1321 : vector<16xf32>
        %get3A_1323 = arith.index_cast %add3A_1300 : i32 to index
        %get3A_1324 = arith.constant 32 : index
        %get3A_1325 = tpu.vector_load %arg10[%get3A_1323, %get3A_1324] {strides = array<i32>} : memref<104x128xbf16, #tpu.memory_space<vmem>>, vector<32xbf16>,
        %unpack3A_1326 = tpu.unpack_subelements %get3A_1325, 0 {pack_format = #tpu.pack_format<interleaved>} : vector<32xbf16> -> vector<16xf32>
        %unpack3A_1327 = tpu.unpack_subelements %get3A_1325, 1 {pack_format = #tpu.pack_format<interleaved>} : vector<32xbf16> -> vector<16xf32>
        %get3A_1328 = arith.index_cast %add3A_1300 : i32 to index
        %get3A_1329 = arith.constant 96 : index
        %get3A_1330 = tpu.vector_load %arg10[%get3A_1328, %get3A_1329] {strides = array<i32>} : memref<104x128xbf16, #tpu.memory_space<vmem>>, vector<32xbf16>,
        %unpack3A_1331 = tpu.unpack_subelements %get3A_1330, 0 {pack_format = #tpu.pack_format<interleaved>} : vector<32xbf16> -> vector<16xf32>
        %unpack3A_1332 = tpu.unpack_subelements %get3A_1330, 1 {pack_format = #tpu.pack_format<interleaved>} : vector<32xbf16> -> vector<16xf32>
        %mul3A_1333 = vector.broadcast %squeeze3A_1296 : f32 to vector<16xf32>
        %mul3A_1334 = arith.mulf %mul3A_1333, %unpack3A_1326 : vector<16xf32>
        %add3A_1335 = arith.addf %add3A_1288, %mul3A_1334 : vector<16xf32>
        %mul3A_1336 = vector.broadcast %squeeze3A_1298 : f32 to vector<16xf32>
        %mul3A_1337 = arith.mulf %mul3A_1336, %unpack3A_1331 : vector<16xf32>
        %add3A_1338 = arith.addf %add3A_1335, %mul3A_1337 : vector<16xf32>
        %mul3A_1339 = vector.broadcast %squeeze3A_1296 : f32 to vector<16xf32>
        %mul3A_1340 = arith.mulf %mul3A_1339, %unpack3A_1327 : vector<16xf32>
        %add3A_1341 = arith.addf %add3A_1294, %mul3A_1340 : vector<16xf32>
        %mul3A_1342 = vector.broadcast %squeeze3A_1298 : f32 to vector<16xf32>
        %mul3A_1343 = arith.mulf %mul3A_1342, %unpack3A_1332 : vector<16xf32>
        %add3A_1344 = arith.addf %add3A_1341, %mul3A_1343 : vector<16xf32>
        %swap3A = arith.index_cast %add3A_27 : i32 to index
        %swap3A_1345 = arith.constant 0 : index
        %swap3A_1346 = tpu.vector_load %arg11[%swap3A, %swap3A_1345] {strides = array<i32>} : memref<128x64xf32, #tpu.memory_space<vmem>>, vector<16xf32>,
        tpu.vector_store %arg11[%swap3A, %swap3A_1345], %add3A_1316 {strides = array<i32>} : memref<128x64xf32, #tpu.memory_space<vmem>>, vector<16xf32>,
        %swap3A_1347 = arith.index_cast %add3A_27 : i32 to index
        %swap3A_1348 = arith.constant 16 : index
        %swap3A_1349 = tpu.vector_load %arg11[%swap3A_1347, %swap3A_1348] {strides = array<i32>} : memref<128x64xf32, #tpu.memory_space<vmem>>, vector<16xf32>,
        tpu.vector_store %arg11[%swap3A_1347, %swap3A_1348], %add3A_1322 {strides = array<i32>} : memref<128x64xf32, #tpu.memory_space<vmem>>, vector<16xf32>,
        %swap3A_1350 = arith.index_cast %add3A_27 : i32 to index
        %swap3A_1351 = arith.constant 32 : index
        %swap3A_1352 = tpu.vector_load %arg11[%swap3A_1350, %swap3A_1351] {strides = array<i32>} : memref<128x64xf32, #tpu.memory_space<vmem>>, vector<16xf32>,
        tpu.vector_store %arg11[%swap3A_1350, %swap3A_1351], %add3A_1338 {strides = array<i32>} : memref<128x64xf32, #tpu.memory_space<vmem>>, vector<16xf32>,
        %swap3A_1353 = arith.index_cast %add3A_27 : i32 to index
        %swap3A_1354 = arith.constant 48 : index
        %swap3A_1355 = tpu.vector_load %arg11[%swap3A_1353, %swap3A_1354] {strides = array<i32>} : memref<128x64xf32, #tpu.memory_space<vmem>>, vector<16xf32>,
        tpu.vector_store %arg11[%swap3A_1353, %swap3A_1354], %add3A_1344 {strides = array<i32>} : memref<128x64xf32, #tpu.memory_space<vmem>>, vector<16xf32>,
      }
      %scan3A_23 = arith.constant 4 : i32
    }
    %scan3A_7 = arith.constant 32 : i32
    "tpu.region"() ({
      %run_scoped3A = tpu.sem_alloc : memref<!tpu.dma_semaphore, #tpu.memory_space<semaphore_mem>>
      %dma_start3A = arith.constant 0 : i32
      %dma_start3A_8 = tpu.memref_slice %arg6[%mul3A_2, %dma_start3A] : memref<4096x64xf32, #tpu.memory_space<hbm>> -> memref<128x64xf32, #tpu.memory_space<hbm>>
      %dma_start3A_9 = arith.constant 0 : i32
      %dma_start3A_10 = tpu.memref_slice %arg6[%mul3A_2, %dma_start3A_9] : memref<4096x64xf32, #tpu.memory_space<hbm>> -> memref<128x64xf32, #tpu.memory_space<hbm>>
      tpu.enqueue_dma source(%arg11 : memref<128x64xf32, #tpu.memory_space<vmem>>) target(%dma_start3A_10 : memref<128x64xf32, #tpu.memory_space<hbm>>) target_semaphore(%run_scoped3A : memref<!tpu.dma_semaphore, #tpu.memory_space<semaphore_mem>>)
      %dma_wait3A = arith.constant 0 : i32
      %dma_wait3A_11 = tpu.memref_slice %arg6[%mul3A_2, %dma_wait3A] : memref<4096x64xf32, #tpu.memory_space<hbm>> -> memref<128x64xf32, #tpu.memory_space<hbm>>
      %dma_wait3A_12 = arith.constant 0 : i32
      %dma_wait3A_13 = tpu.memref_slice %arg6[%mul3A_2, %dma_wait3A_12] : memref<4096x64xf32, #tpu.memory_space<hbm>> -> memref<128x64xf32, #tpu.memory_space<hbm>>
      tpu.wait_dma2 semaphore(%run_scoped3A : memref<!tpu.dma_semaphore, #tpu.memory_space<semaphore_mem>>) src(%arg11 : memref<128x64xf32, #tpu.memory_space<vmem>>) dst(%dma_wait3A_13 : memref<128x64xf32, #tpu.memory_space<hbm>>)
      tpu.yield
    }) : () -> ()
    return
  }
}

module attributes {stable_mosaic.version = 14 : i64} {
  func.func @body(%arg0: i32, %arg1: memref<512x64xf32, #tpu.memory_space<vmem>>, %arg2: memref<1x64xf32, #tpu.memory_space<vmem>>, %arg3: memref<64x32xf32, #tpu.memory_space<vmem>>, %arg4: memref<1x32xf32, #tpu.memory_space<vmem>>, %arg5: memref<512x32xf32, #tpu.memory_space<vmem>>) attributes {dimension_semantics = [#tpu.dimension_semantics<arbitrary>], iteration_bounds = array<i64: 8>, scalar_prefetch = 0 : i64, scratch_operands = 0 : i64, tpu.core_type = #tpu.core_type<tc>, window_params = [{transform_indices = @transform_0, window_bounds = array<i64: 512, 64>}, {pipeline_mode = #tpu.pipeline_mode<synchronous>, transform_indices = @transform_1, window_bounds = array<i64: 1, 64>}, {pipeline_mode = #tpu.pipeline_mode<synchronous>, transform_indices = @transform_2, window_bounds = array<i64: 64, 32>}, {pipeline_mode = #tpu.pipeline_mode<synchronous>, transform_indices = @transform_3, window_bounds = array<i64: 1, 32>}, {transform_indices = @transform_4, window_bounds = array<i64: 512, 32>}]} {
    %get3A = arith.constant 0 : index
    %get3A_0 = arith.constant 0 : index
    %get3A_1 = vector.load %arg1[%get3A, %get3A_0] : memref<512x64xf32, #tpu.memory_space<vmem>>, vector<512x64xf32>
    %get3A_2 = arith.constant 0 : index
    %get3A_3 = arith.constant 0 : index
    %get3A_4 = vector.load %arg2[%get3A_2, %get3A_3] : memref<1x64xf32, #tpu.memory_space<vmem>>, vector<1x64xf32>
    %add3A = vector.broadcast %get3A_4 : vector<1x64xf32> to vector<512x64xf32>
    %add3A_5 = arith.addf %get3A_1, %add3A : vector<512x64xf32>
    %max3A = arith.constant 0.000000e+00 : f32
    %max3A_6 = vector.broadcast %max3A : f32 to vector<512x64xf32>
    %max3A_7 = arith.maximumf %add3A_5, %max3A_6 : vector<512x64xf32>
    %get3A_8 = arith.constant 0 : index
    %get3A_9 = arith.constant 0 : index
    %get3A_10 = vector.load %arg3[%get3A_8, %get3A_9] : memref<64x32xf32, #tpu.memory_space<vmem>>, vector<64x32xf32>
    %dot_general3A = arith.constant dense<0.000000e+00> : vector<512x32xf32>
    %dot_general3A_11 = tpu.matmul %max3A_7, %get3A_10, %dot_general3A {dimension_numbers = #tpu.dot_dimension_numbers<[1], [0], [0], [1], [0, 0, 1, 1], [], []>, transpose_lhs_hint = false} : vector<512x64xf32>, vector<64x32xf32>, vector<512x32xf32> -> vector<512x32xf32>
    %get3A_12 = arith.constant 0 : index
    %get3A_13 = arith.constant 0 : index
    %get3A_14 = vector.load %arg4[%get3A_12, %get3A_13] : memref<1x32xf32, #tpu.memory_space<vmem>>, vector<1x32xf32>
    %add3A_15 = vector.broadcast %get3A_14 : vector<1x32xf32> to vector<512x32xf32>
    %add3A_16 = arith.addf %dot_general3A_11, %add3A_15 : vector<512x32xf32>
    %logistic3A = arith.negf %add3A_16 : vector<512x32xf32>
    %logistic3A_17 = math.exp %logistic3A : vector<512x32xf32>
    %logistic3A_18 = arith.constant 1.000000e+00 : f32
    %logistic3A_19 = vector.broadcast %logistic3A_18 : f32 to vector<512x32xf32>
    %logistic3A_20 = arith.addf %logistic3A_19, %logistic3A_17 : vector<512x32xf32>
    %logistic3A_21 = arith.divf %logistic3A_19, %logistic3A_20 : vector<512x32xf32>
    %swap3A = arith.constant 0 : index
    %swap3A_22 = arith.constant 0 : index
    %swap3A_23 = vector.load %arg5[%swap3A, %swap3A_22] : memref<512x32xf32, #tpu.memory_space<vmem>>, vector<512x32xf32>
    tpu.vector_store %arg5[%swap3A, %swap3A_22], %logistic3A_21 {strides = array<i32>} : memref<512x32xf32, #tpu.memory_space<vmem>>, vector<512x32xf32>,
    return
  }
  func.func @transform_0(%arg0: i32) -> (i32, i32) {
    %c0_i32 = arith.constant 0 : i32
    %c0_i32_0 = arith.constant 0 : i32
    return %arg0, %c0_i32 : i32, i32
  }
  func.func @transform_1(%arg0: i32) -> (i32, i32) {
    %c0_i32 = arith.constant 0 : i32
    %c0_i32_0 = arith.constant 0 : i32
    %c0_i32_1 = arith.constant 0 : i32
    return %c0_i32, %c0_i32_0 : i32, i32
  }
  func.func @transform_2(%arg0: i32) -> (i32, i32) {
    %c0_i32 = arith.constant 0 : i32
    %c0_i32_0 = arith.constant 0 : i32
    %c0_i32_1 = arith.constant 0 : i32
    return %c0_i32, %c0_i32_0 : i32, i32
  }
  func.func @transform_3(%arg0: i32) -> (i32, i32) {
    %c0_i32 = arith.constant 0 : i32
    %c0_i32_0 = arith.constant 0 : i32
    %c0_i32_1 = arith.constant 0 : i32
    return %c0_i32, %c0_i32_0 : i32, i32
  }
  func.func @transform_4(%arg0: i32) -> (i32, i32) {
    %c0_i32 = arith.constant 0 : i32
    %c0_i32_0 = arith.constant 0 : i32
    return %arg0, %c0_i32 : i32, i32
  }
}

</mosaic_0001>

<sc_bundles>
// kernel: kernel.4.cloned.1.call-start
scs
__scs_entry_jumppad:
0x0: {  	(pc) =	sbr.rel $0x88, $3  }
0x1: {  	(tag) =	ssettag $0x0;
	lr =	simm.s32 $0x1  }
0x2: {  	[smem:$0x3F9B] =	sst lr;
	_ =	strace $0xD0000000  }
0x3: {  	_ = 	snop  }
0x4: {  	_ = 	snop  }
0x5: {  	_ = 	snop  }
0x6: {  	_ = 	snop  }
0x7: {  	_ = 	snop  }
__scs_overlays_trampoline_lowered:
0x8: {  	[smem:$0x3FAA] =	sst s0  }
0x9: {  	[smem:$0x3FAB] =	sst s1  }
0xa: {  	[smem:$0x3FAC] =	sst s2  }
0xb: {  	[smem:$0x3FAD] =	sst s3  }
0xc: {  	[smem:$0x3FAE] =	sst s4  }
0xd: {  	[smem:$0x3FAF] =	sst s5  }
0xe: {  	[smem:$0x3FB0] =	sst s6  }
0xf: {  	[smem:$0x3FB1] =	sst s7  }
0x10: {  	[smem:$0x3FB2] =	sst s8  }
0x11: {  	[smem:$0x3FB3] =	sst s9;
	s0 =	simm.s32 @!p0 $0x0  }
0x12: {  	s1 =	sld [smem:$0x3F99];
	s0 =	simm.s32 @p0 $0x1  }
0x13: {  	[smem:$0x3FB4] =	sst s0;
	s0 =	simm.s32 @!p1 $0x0  }
0x14: {  	s2 =	sld [smem:$0x3F98];
	s0 =	simm.s32 @p1 $0x1  }
0x15: {  	[smem:$0x3FB5] =	sst s0;
	s0 =	simm.s32 @!p2 $0x0  }
0x16: {  	s3 =	sld [smem:$0x3FDB];
	s0 =	simm.s32 @p2 $0x1  }
0x17: {  	s4 =	simm.s32 $0x1BF5;
	[smem:$0x3FB7] =	sst s0  }
0x18: {  	s0 =	sld [smem:$0x3F9A];
	_ =	swait.ge [sflag:s4], $0x0  }
0x19: {  	s7 =	sld [smem:$0x3F9B]  }
0x1a: {  	s8 =	sadd.s32 $0xFFFFE003, lr  }
0x1b: {  	s9 =	sadd.s32 $0xFFFFFEF7, lr;
	s5 =	simm.s32 $0xFFFFFFFF;
	p2 =	slt.u32 s8, $0xFFFFF086  }
0x1c: {  	p1 =	slt.u32 s9, $0xF7A;
	s5 =	simm.s32 @!p2 $0x0  }
0x1d: {  	s5 =	simm.s32 @p1 $0x1;
	p0 =	seq.s32 s7, s2  }
0x1e: {  	s7 =	smul.u32 @!p0 $0xF7A, s2;
	p2 =	seq.s32 @!p0 s5, $0x0  }
0x1f: {  	s9 =	smul.u32 $0xF7A, s1;
	s8 =	simm.s32 @!p0 $0x1BF5;
	p2 =	por !p2, p0  }
0x20: {  	[sflag:s8] =	ssyncset.s32 @!p0 $0xFFFFF086;
	s6 =	sadd.s32 @!p0 s3, s7;
	s7 =	simm.s32 @!p0 $0x108  }
0x21: {  	s3 =	sadd.s32 s3, s9;
	s6 =	sadd.s32 @!p0 $0x88, s6;
	s7 =	simm.s32 @p2 $0x1082  }
0x22: {  	[simem:s7], [sflag:s8] =	dma.local @!p0 [hbm:s6], $0xF7A  }
0x23: {  	s9 =	sor.u32 $0xD0000000, s2;
	s6 =	simm.s32 $0x108;
	_ =	swait.ge @!p0 [sflag:s8], $0x0  }
0x24: {  	s3 =	sadd.s32 $0x88, s3;
	s6 =	simm.s32 @!p1 $0x1082;
	[sflag:s4] =	ssyncset.s32 $0xFFFFF086  }
0x25: {  	[simem:s6], [sflag:s4] =	dma.local [hbm:s3], $0xF7A  }
0x26: {  	[smem:$0x3F9B] =	sst s1;
	(tag) =	ssettag s2;
	_ =	strace s9  }
0x27: {  	s1 =	sld [smem:$0x3FAB]  }
0x28: {  	s2 =	sld [smem:$0x3FAC]  }
0x29: {  	s4 =	sld [smem:$0x3FAE]  }
0x2a: {  	p0 =	seq.s32 s5, $0x0;
	s5 =	sld [smem:$0x3FAF]  }
0x2b: {  	s6 =	sld [smem:$0x3FB0]  }
0x2c: {  	s7 =	sld [smem:$0x3FB1]  }
0x2d: {  	s3 =	simm.s32 $0x108;
	s8 =	sld [smem:$0x3FB2]  }
0x2e: {  	s3 =	simm.s32 @!p0 $0x1082;
	s9 =	sld [smem:$0x3FB3]  }
0x2f: {  	lr =	sadd.s32 s0, s3;
	s0 =	sld [smem:$0x3FAA]  }
0x30: {  	s3 =	sld [smem:$0x3FAD]  }
0x31: {  	[smem:$0x3FB6] =	sst s10  }
0x32: {  	s10 =	sld [smem:$0x3FB4];
	_ =	sdelay $0x3  }
0x33: {  	p0 =	seq.s32 s10, $0x1;
	s10 =	sld [smem:$0x3FB6];
	_ =	sdelay $0x3  }
0x34: {  	[smem:$0x3FB6] =	sst s10  }
0x35: {  	s10 =	sld [smem:$0x3FB5];
	_ =	sdelay $0x3  }
0x36: {  	p1 =	seq.s32 s10, $0x1;
	s10 =	sld [smem:$0x3FB6];
	_ =	sdelay $0x3  }
0x37: {  	[smem:$0x3FB6] =	sst s10  }
0x38: {  	s10 =	sld [smem:$0x3FB7]  }
0x39: {  	_ = 	snop;
	(pc) =	sbr.ind lr, $3  }
0x3a: {  	_ = 	snop  }
0x3b: {  	_ = 	snop  }
0x3c: {  	p2 =	seq.s32 s10, $0x1;
	s10 =	sld [smem:$0x3FB6]  }
0x3d: {  	_ =	shalt  }
0x3e: {  	_ =	shalt  }
0x3f: {  	_ =	shalt  }
0x40: {  	_ =	shalt  }
0x41: {  	_ =	shalt  }
0x42: {  	_ =	shalt  }
0x43: {  	_ =	shalt  }
0x44: {  	_ =	shalt  }
0x45: {  	_ =	shalt  }
0x46: {  	_ =	shalt  }
0x47: {  	_ =	shalt  }
0x48: {  	_ =	shalt  }
0x49: {  	_ =	shalt  }
0x4a: {  	_ =	shalt  }
0x4b: {  	_ =	shalt  }
0x4c: {  	_ =	shalt  }
0x4d: {  	_ =	shalt  }
0x4e: {  	_ =	shalt  }
0x4f: {  	_ =	shalt  }
0x50: {  	_ =	shalt  }
0x51: {  	_ =	shalt  }
0x52: {  	_ =	shalt  }
0x53: {  	_ =	shalt  }
0x54: {  	_ =	shalt  }
0x55: {  	_ =	shalt  }
0x56: {  	_ =	shalt  }
0x57: {  	_ =	shalt  }
0x58: {  	_ =	shalt  }
0x59: {  	_ =	shalt  }
0x5a: {  	_ =	shalt  }
0x5b: {  	_ =	shalt  }
0x5c: {  	_ =	shalt  }
0x5d: {  	_ =	shalt  }
0x5e: {  	_ =	shalt  }
0x5f: {  	_ =	shalt  }
0x60: {  	_ =	shalt  }
0x61: {  	_ =	shalt  }
0x62: {  	_ =	shalt  }
0x63: {  	_ =	shalt  }
0x64: {  	_ =	shalt  }
0x65: {  	_ =	shalt  }
0x66: {  	_ =	shalt  }
0x67: {  	_ =	shalt  }
0x68: {  	_ =	shalt  }
0x69: {  	_ =	shalt  }
0x6a: {  	_ =	shalt  }
0x6b: {  	_ =	shalt  }
0x6c: {  	_ =	shalt  }
0x6d: {  	_ =	shalt  }
0x6e: {  	_ =	shalt  }
0x6f: {  	_ =	shalt  }
0x70: {  	_ =	shalt  }
0x71: {  	_ =	shalt  }
0x72: {  	_ =	shalt  }
0x73: {  	_ =	shalt  }
0x74: {  	_ =	shalt  }
0x75: {  	_ =	shalt  }
0x76: {  	_ =	shalt  }
0x77: {  	_ =	shalt  }
0x78: {  	_ =	shalt  }
0x79: {  	_ =	shalt  }
0x7a: {  	_ =	shalt  }
0x7b: {  	_ =	shalt  }
0x7c: {  	_ =	shalt  }
0x7d: {  	_ =	shalt  }
0x7e: {  	_ =	shalt  }
0x7f: {  	_ =	shalt  }
0x80: {  	_ =	shalt  }
0x81: {  	_ =	shalt  }
0x82: {  	_ =	shalt  }
0x83: {  	_ =	shalt  }
0x84: {  	_ =	shalt  }
0x85: {  	_ =	shalt  }
0x86: {  	_ =	shalt  }
0x87: {  	_ =	shalt  }
.Lfunc_end0:
.L_simem_size_0:
called_computation.2_lowered:
.L_overlay_start_0:
0x88: {  	s2 =	sld [smem:$0x3FD9]  }
0x89: {  	s3 =	sld [smem:$0x3FFE];
	_ =	sdelay $0x1  }
0x8a: {  	s1 =	srdreg.scid  }
0x8b: {  	s0 =	sand.u32 $0x1, s1  }
0x8c: {  	s17 =	sshll.u32 s0, $0xA;
	s2 =	sadd.s32 s3, s2  }
0x8d: {  	s2 =	sadd.s32 s2, s17  }
0x8e: {  	[smem:$0x3FC2] =	sst s2  }
0x8f: {  	_ = 	snop  }
0x90: {  	s2 =	sld [smem:$0x3FD0];
	(tm) =	ssettm $0x1  }
0x91: {  	s18 =	sld [smem:$0x3FFB];
	_ =	sdelay $0x3  }
0x92: {  	_ =	strace s18  }
0x93: {  	s3 =	sld [smem:$0x3FFC];
	_ =	sdelay $0x3  }
0x94: {  	_ =	strace s3  }
0x95: {  	s3 =	sld [smem:$0x3FFD];
	_ =	sdelay $0x3  }
0x96: {  	_ =	strace s3  }
0x97: {  	_ =	strace $0x8FFFFFFF  }
0x98: {  	s19 =	sld [smem:$0x3FDB];
	_ =	sdelay $0x1  }
0x99: {  	s4 =	simm.s32 $_scs_section_size  }
0x9a: {  	s5 =	simm.s32 $_size__tile_overlayer_lowered;
	s6 =	simm.s32 $_tile_overlayer_lowered  }
0x9b: {  	s22 =	simm.s32 $0x1BFF;
	s21 =	sshll.u32 s6, $0x1;
	s3 =	sadd.s32 s4, s19  }
0x9c: {  	s7 =	simm.s32 $0x0;
	s20 =	sshll.u32 s5, $0x1;
	s5 =	sadd.s32 s21, s3  }
0x9d: {  	[timem:s7], [sflag:s22] =	dma.local [hbm:s5], s20  }
0x9e: {  	_ =	swait.ge [sflag:s22], s20  }
0x9f: {  	s4 =	ssub.s32 $0x0, s20;
	[sflag:s22] =	ssyncset.done $0x0  }
0xa0: {  	[sflag:s22] =	ssyncadd.s32 s4;
	_ =	sdelay $0x1  }
0xa1: {  	s23 =	simm.s32 $0x1B8B  }
0xa2: {  	_ =	swait.ge [sflag:s23], $0x1  }
0xa3: {  	[sflag:s23] =	ssyncset.done $0x0  }
0xa4: {  	s25 =	simm.s32 $0x1B8E;
	s24 =	sld [smem:$0x3FFE];
	[sflag:s23] =	ssyncadd.s32 $0xFFFFFFFF  }
0xa5: {  	s26 =	simm.s32 $execute0_lowered;
	[smem:$0x3FD2] =	sst s25  }
0xa6: {  	s5 =	sshll.u32 s26, $0x1;
	_ =	strace $0x8000004C;
	[dreg:$0x1] =	wrdreg $0xFFFFFFFF  }
0xa7: {  	s28 =	simm.s32 $_size_execute0_lowered;
	s3 =	sadd.s32 s3, s5;
	[dreg:$0x0] =	wrdreg $0x0  }
0xa8: {  	s5 =	sshll.u32 s28, $0x1;
	[dreg:$0x2] =	wrdreg s3  }
0xa9: {  	[dreg:$0x3] =	wrdreg s5  }
0xaa: {  	[dreg:$0x4] =	wrdreg $0xC0  }
0xab: {  	_ =	task [dreg:s7], $0x5FFFF  }
0xac: {  	[dreg:$0x1] =	wrdreg $0xFFFFFFFF  }
0xad: {  	[dreg:$0x0] =	wrdreg $0x60  }
0xae: {  	[dreg:$0x2] =	wrdreg s24  }
0xaf: {  	[dreg:$0x3] =	wrdreg s2  }
0xb0: {  	[dreg:$0x4] =	wrdreg $0x9  }
0xb1: {  	_ =	task.clear_ibuf [dreg:s7], $0x5FFFF;
	_ =	strace $0x9000004C  }
0xb2: {  	s29 =	simm.s32 $0x9;
	_ =	strace $0x8000004E  }
0xb3: {  	_ =	swait.ge [sflag:s29], $0x1  }
0xb4: {  	[sflag:s29] =	ssyncadd.s32 $0xFFFFFFFF  }
0xb5: {  	_ =	strace $0x9000004E  }
0xb6: {  	_ =	sfence  }
0xb7: {  	s30 =	sld [smem:$0x0];
	_ =	sdelay $0x2  }
0xb8: {  	s31 =	sshll.u32 s1, $0xD;
	s1 =	sshrl.u32 s1, $0x2  }
0xb9: {  	s3 =	sand.u32 $0x4000, s31;
	s1 =	sadd.s32 s1, s30  }
0xba: {  	s0 =	sor.u32 s3, s0;
	s1 =	sshll.u32 s1, $0x11  }
0xbb: {  	s0 =	sor.u32 s1, s0  }
0xbc: {  	s0 =	sadd.s32 $0x8F2B, s0  }
0xbd: {  	[sflag:s0] =	ssyncadd.remote.s32 $0x1  }
0xbe: {  	_ =	sfence.sel $0xFFFF  }
0xbf: {  	[dreg:$0x0] =	wrdreg $0xFFFFFFFF;
	(pc) =	sbr.abs _section_cstart, $3  }
0xc0: {  	[dreg:$0x1] =	wrdreg $0xFFFFFFFF  }
0xc1: {  	_ =	task.clear_ibuf [dreg:s7], $0x2FFFF;
	_ =	strace $0x9FFFFFFF  }
0xc2: {  	(tm) =	ssettm $0x7FFFFFFF  }
0xc3: {  	_ =	shalt  }
tec
execute0_lowered:
.L_overlay_start_1:
0x0: {  	(tag) =	ssettag $0x1  }
0x1: {  	s4 =	rddreg [dreg:$0x0];
	s1 =	srdreg.scid  }
0x2: {  	s0 =	stileid.u32;
	s5 =	rddreg [dreg:$0x1]  }
0x3: {  	s2 =	simm.s32 $0x0;
	s13 =	simm.s32 $0x2D00;
	s14 =	simm.s32 $0x1  }
0x4: {  	s15 =	simm.s32 $0x4700;
	s3 =	sand.u32 $0x1, s1;
	s1 =	rddreg [dreg:$0x2]  }
0x5: {  	s16 =	simm.s32 $0x0;
	s6 =	sshll.u32 s0, $0x1;
	[smem:$0x7FF] =	sst s2  }
0x6: {  	s6 =	sor.u32 s3, s6;
	_ =	strace $0x8000004D;
	s10 =	ssub.s32 $0x2, s3  }
0x7: {  	s3 =	sadd.s32 $0x1A00, s4;
	s7 =	smul.u32 $0x1A0, s6;
	s8 =	sshll.u32 s6, $0x9  }
0x8: {  	s6 =	sshll.u32 s6, $0xA;
	s11 =	sshrl.u32 s10, $0x1;
	s9 =	sadd.s32 s8, s4  }
0x9: {  	s12 =	sadd.s32 s6, s4;
	s10 =	ssub.s32 s10, s11;
	s5 =	sadd.s32 s5, s8  }
0xa: {  	s11 =	simm.s32 $0x1D00;
	s7 =	sadd.s32 s7, s4;
	s6 =	sadd.s32 $0x7A2E00, s9  }
0xb: {  	s8 =	smax.u32 s10, $0x1;
	s9 =	simm.s32 $0x2;
	s4 =	sadd.s32 $0x7A6E00, s7  }
0xc: {  	s10 =	simm.s32 $0xD00;
	s7 =	sadd.s32 $0x3D2400, s12;
	s12 =	simm.s32 $0x68  }
.LBB2_1:
0xd: {  	[tilespmem:s2], [sflag:$0x2] =	stream.linear.gather [hbm4b:s4+s2], $0xD00, $0x38;
	[tilespmem:$0x6700] =	vst v63  }
0xe: {  	_ =	swait.ge [sflag:s9], $0xD00  }
0xf: {  	[sflag:s9] =	ssyncset.done $0x0  }
0x10: {  	[sflag:s9] =	ssyncadd.s32 $0xFFFFF300  }
0x11: {  	[tilespmem:s10], [sflag:$0x2] =	stream.linear.gather [hbm4b:s5+s2], $0x1000, $0x38;
	[tilespmem:$0x6700] =	vst v63  }
0x12: {  	_ =	swait.ge [sflag:s9], $0x1000  }
0x13: {  	[sflag:s9] =	ssyncset.done $0x0  }
0x14: {  	[sflag:s9] =	ssyncadd.s32 $0xFFFFF000  }
0x15: {  	[tilespmem:s11], [sflag:$0x2] =	stream.linear.gather [hbm4b:s6+s2], $0x1000, $0x38;
	[tilespmem:$0x6700] =	vst v63  }
0x16: {  	_ =	swait.ge [sflag:s9], $0x1000  }
0x17: {  	s17 =	simm.s32 $0x4720;
	s18 =	simm.s32 $0x1D10;
	[sflag:s9] =	ssyncset.done $0x0  }
0x18: {  	s19 =	simm.s32 $0xD10;
	s20 =	simm.s32 $0x0;
	[sflag:s9] =	ssyncadd.s32 $0xFFFFF000  }
.LBB2_2:
0x19: {  	s21 =	smul.u32 $0x1A0, s20;
	_ =	sdelay $0x1  }
0x1a: {  	s21 =	sshra.s32 s21, $0x2  }
0x1b: {  	[tilespmem:s13], [sflag:$0x1] =	stream.indirect.gather [hbm4b:s3+s12], $0x40, s21, s12, $0xb8;
	[tilespmem:$0x6700] =	vst v63  }
0x1c: {  	_ =	swait.ge [sflag:s14], $0x1A00  }
0x1d: {  	s22 =	simm.s32 $0x3040;
	[sflag:s14] =	ssyncset.done $0x0  }
0x1e: {  	v0 =	vmov s19;
	v1 =	vmov s18;
	s23 =	smov.u32 s17;
	s21 =	simm.s32 $0x0;
	[sflag:s14] =	ssyncadd.s32 $0xFFFFE600  }
.LBB2_3:
0x1f: {  	v4 =	vld [tilespmem:s22+$0xFFFFFCC0]  }
0x20: {  	v5 =	vld [tilespmem:s22+$0xFFFFFCE0]  }
0x21: {  	v7 =	vld [tilespmem:s22+$0xFFFFFCD0]  }
0x22: {  	v10 =	vld [tilespmem:s22+$0xFFFFFCF0]  }
0x23: {  	v13 =	vld [tilespmem:s22+$0xFFFFFD00]  }
0x24: {  	v14 =	vld [tilespmem:s22+$0xFFFFFD20]  }
0x25: {  	v33 =	vld [tilespmem:s22+$0xFFFFFD10]  }
0x26: {  	s24 =	sshra.s32 s21, $0x2;
	v16 =	vld [tilespmem:s22+$0xFFFFFD30]  }
0x27: {  	v3 =	vld.idx.msk [tilespmem:v0+s24+$0xFFFFFFF0 ss:$0x1], $0xffff  }
0x28: {  	v2 =	vld.idx.msk [tilespmem:v1+s24+$0xFFFFFFF0 ss:$0x1], $0xffff;
	v8 =	vunpack.i.l.bf16.f32 v4;
	v11 =	vunpack.i.l.bf16.f32 v5  }
0x29: {  	v40 =	vld [tilespmem:s22+$0xFFFFFD40];
	v4 =	vunpack.i.u.bf16.f32 v4;
	v12 =	vunpack.i.l.bf16.f32 v7;
	v5 =	vunpack.i.u.bf16.f32 v5  }
0x2a: {  	v30 =	vunpack.i.l.bf16.f32 v10;
	v7 =	vunpack.i.u.bf16.f32 v7;
	v10 =	vunpack.i.u.bf16.f32 v10  }
0x2b: {  	v43 =	vld [tilespmem:s22+$0xFFFFFD60];
	v34 =	vunpack.i.l.bf16.f32 v13;
	v35 =	vunpack.i.u.bf16.f32 v13;
	v36 =	vunpack.i.l.bf16.f32 v14  }
0x2c: {  	v38 =	vunpack.i.u.bf16.f32 v14;
	v39 =	vunpack.i.l.bf16.f32 v33;
	v42 =	vunpack.i.l.bf16.f32 v16  }
0x2d: {  	v47 =	vld [tilespmem:s22+$0xFFFFFD50];
	v45 =	vunpack.i.u.bf16.f32 v16;
	v6 =	vbroadcast v3, $0x0;
	v9 =	vbroadcast v2, $0x0  }
0x2e: {  	v48 =	vunpack.i.l.bf16.f32 v40;
	v32 =	vbroadcast v3, $0x1;
	v15 =	vbroadcast v2, $0x1  }
0x2f: {  	v51 =	vld [tilespmem:s22+$0xFFFFFD70];
	v49 =	vunpack.i.u.bf16.f32 v40;
	v46 =	vbroadcast v3, $0x2;
	v50 =	vbroadcast v2, $0x2  }
0x30: {  	v52 =	vunpack.i.l.bf16.f32 v43;
	v62 =	vbroadcast v3, $0x3;
	v21 =	vbroadcast v2, $0x3  }
0x31: {  	v54 =	vld [tilespmem:s22+$0xFFFFFD80];
	v13 =	vunpack.i.u.bf16.f32 v43;
	v8 =	vmul.f32 v8, v6;
	v11 =	vmul.f32 v11, v9  }
0x32: {  	v58 =	vld [tilespmem:s22+$0xFFFFFDA0];
	v56 =	vunpack.i.l.bf16.f32 v47;
	v4 =	vmul.f32 v4, v6;
	v29 =	vmul.f32 v12, v6  }
0x33: {  	v63 =	vld [tilespmem:s22+$0xFFFFFD90];
	v59 =	vunpack.i.u.bf16.f32 v47;
	v5 =	vmul.f32 v5, v9;
	v12 =	vmul.f32 v30, v9  }
0x34: {  	v60 =	vunpack.i.l.bf16.f32 v51;
	v31 =	vmul.f32 v7, v6;
	v9 =	vmul.f32 v10, v9  }
0x35: {  	v16 =	vunpack.i.u.bf16.f32 v51;
	v37 =	vmul.f32 v36, v15;
	v10 =	vmul.f32 v35, v32  }
0x36: {  	v27 =	vld [tilespmem:s22+$0xFFFFFDC0];
	v19 =	vunpack.i.l.bf16.f32 v54;
	v41 =	vmul.f32 v39, v32;
	v44 =	vmul.f32 v42, v15  }
0x37: {  	v23 =	vunpack.i.l.bf16.f32 v58;
	v53 =	vmul.f32 v52, v50;
	v55 =	vmul.f32 v13, v50  }
0x38: {  	v26 =	vunpack.i.l.bf16.f32 v63;
	v47 =	vld [tilespmem:s22+$0xFFFFFE20];
	v57 =	vmul.f32 v56, v46;
	v61 =	vmul.f32 v60, v50  }
0x39: {  	v51 =	vld [tilespmem:s22+$0xFFFFFE10];
	v7 =	vunpack.i.u.bf16.f32 v33;
	v20 =	vmul.f32 v19, v62;
	v22 =	vmul.f32 v16, v50  }
0x3a: {  	v17 =	vld [tilespmem:s22+$0xFFFFFDB0];
	v24 =	vmul.f32 v23, v21;
	v28 =	vmul.f32 v26, v62;
	v13 =	vunpack.i.u.bf16.f32 v63  }
0x3b: {  	v30 =	vld [tilespmem:s22+$0xFFFFFDE0];
	v35 =	vunpack.i.l.bf16.f32 v27;
	v39 =	vunpack.i.u.bf16.f32 v27;
	v50 =	vbroadcast v3, $0x5  }
0x3c: {  	v33 =	vld [tilespmem:s22+$0xFFFFFDD0];
	v6 =	vmul.f32 v7, v32;
	v7 =	vmul.f32 v45, v15;
	v8 =	vadd.f32 $0.0e+00, v8  }
0x3d: {  	v4 =	vadd.f32 $0.0e+00, v4;
	v56 =	vunpack.i.l.bf16.f32 v47;
	v14 =	vunpack.i.u.bf16.f32 v47  }
0x3e: {  	v60 =	vunpack.i.l.bf16.f32 v51;
	v8 =	vadd.f32 v11, v8;
	v11 =	vadd.f32 $0.0e+00, v29  }
0x3f: {  	v63 =	vunpack.i.u.bf16.f32 v51;
	v4 =	vadd.f32 v5, v4;
	v5 =	vadd.f32 $0.0e+00, v31  }
0x40: {  	v29 =	vunpack.i.l.bf16.f32 v17;
	v31 =	vmul.f32 v13, v62;
	v40 =	vunpack.i.l.bf16.f32 v30  }
0x41: {  	v42 =	vunpack.i.u.bf16.f32 v30;
	v43 =	vunpack.i.l.bf16.f32 v33;
	v11 =	vadd.f32 v12, v11  }
0x42: {  	v12 =	vmul.f32 v34, v32;
	v5 =	vadd.f32 v9, v5;
	v4 =	vadd.f32 v10, v4  }
0x43: {  	v9 =	vmul.f32 v38, v15;
	v15 =	vunpack.i.u.bf16.f32 v54;
	v32 =	vbroadcast v3, $0x4  }
0x44: {  	v54 =	vbroadcast v2, $0x5;
	v25 =	vmul.f32 v15, v62;
	v8 =	vadd.f32 v12, v8  }
0x45: {  	v26 =	vld [tilespmem:s22+$0xFFFFFE70];
	v10 =	vadd.f32 v41, v11;
	v5 =	vadd.f32 v6, v5;
	v6 =	vmul.f32 v48, v46  }
0x46: {  	v38 =	vld [tilespmem:s22+$0xFFFFFDF0];
	v4 =	vadd.f32 v9, v4;
	v11 =	vmul.f32 v49, v46;
	v9 =	vmul.f32 v59, v46  }
0x47: {  	v34 =	vunpack.i.u.bf16.f32 v17;
	v36 =	vmul.f32 v35, v32;
	v13 =	vmul.f32 v39, v32  }
0x48: {  	v45 =	vmul.f32 v43, v32;
	v12 =	vunpack.i.u.bf16.f32 v33;
	v8 =	vadd.f32 v37, v8  }
0x49: {  	v59 =	vmul.f32 v14, v54;
	v10 =	vadd.f32 v44, v10;
	v4 =	vadd.f32 v11, v4  }
0x4a: {  	v5 =	vadd.f32 v7, v5;
	v37 =	vbroadcast v2, $0x4;
	v11 =	vmul.f32 v34, v21  }
0x4b: {  	v39 =	vld [tilespmem:s22+$0xFFFFFE90];
	v34 =	vunpack.i.l.bf16.f32 v26;
	v46 =	vunpack.i.l.bf16.f32 v38;
	v49 =	vunpack.i.u.bf16.f32 v38  }
0x4c: {  	v43 =	vld [tilespmem:s22+$0xFFFFFEB0];
	v38 =	vbroadcast v3, $0x7;
	v6 =	vadd.f32 v6, v8;
	v4 =	vadd.f32 v55, v4  }
0x4d: {  	v7 =	vadd.f32 v57, v10;
	v5 =	vadd.f32 v9, v5;
	v9 =	vmul.f32 v29, v21  }
0x4e: {  	v44 =	vld [tilespmem:s22+$0xFFFFFE00];
	v8 =	vunpack.i.u.bf16.f32 v58;
	v41 =	vmul.f32 v40, v37;
	v48 =	vmul.f32 v46, v37  }
0x4f: {  	v62 =	vld [tilespmem:s22+$0xFFFFFE60];
	v10 =	vmul.f32 v12, v32;
	v57 =	vmul.f32 v56, v54;
	v40 =	vunpack.i.u.bf16.f32 v26  }
0x50: {  	v55 =	vld [tilespmem:s22+$0xFFFFFE30];
	v8 =	vmul.f32 v8, v21;
	v21 =	vbroadcast v3, $0x6;
	v47 =	vunpack.i.l.bf16.f32 v39  }
0x51: {  	v58 =	vld [tilespmem:s22+$0xFFFFFE40];
	v51 =	vunpack.i.l.bf16.f32 v43;
	v6 =	vadd.f32 v53, v6;
	v7 =	vadd.f32 v61, v7  }
0x52: {  	v32 =	vld [tilespmem:s22+$0xFFFFFE80];
	v5 =	vadd.f32 v22, v5;
	v4 =	vadd.f32 v25, v4;
	v61 =	vmul.f32 v60, v50  }
0x53: {  	v56 =	vld [tilespmem:s22+$0xFFFFFED0];
	v25 =	vbroadcast v2, $0x6;
	v52 =	vunpack.i.l.bf16.f32 v44;
	v6 =	vadd.f32 v20, v6  }
0x54: {  	v53 =	vunpack.i.u.bf16.f32 v44;
	v7 =	vadd.f32 v28, v7;
	v4 =	vadd.f32 v8, v4  }
0x55: {  	v5 =	vadd.f32 v31, v5;
	v8 =	vmul.f32 v52, v50;
	v28 =	vunpack.i.l.bf16.f32 v62  }
0x56: {  	v12 =	vmul.f32 v40, v25;
	v19 =	vunpack.i.l.bf16.f32 v55;
	v16 =	vunpack.i.u.bf16.f32 v55  }
0x57: {  	v23 =	vunpack.i.l.bf16.f32 v58;
	v29 =	vmul.f32 v28, v25;
	v44 =	vunpack.i.u.bf16.f32 v32  }
0x58: {  	v22 =	vld [tilespmem:s22+$0xFFFFFE50];
	v55 =	vbroadcast v3, $0x8;
	v18 =	vunpack.i.l.bf16.f32 v56;
	v28 =	vbroadcast v2, $0x9  }
0x59: {  	v60 =	vld [tilespmem:s22+$0xFFFFFEF0];
	v6 =	vadd.f32 v24, v6;
	v5 =	vadd.f32 v11, v5;
	v11 =	vmul.f32 v42, v37  }
0x5a: {  	v7 =	vadd.f32 v9, v7;
	v9 =	vmul.f32 v49, v37;
	v20 =	vmul.f32 v19, v54  }
0x5b: {  	v4 =	vadd.f32 v13, v4;
	v24 =	vmul.f32 v23, v21;
	v27 =	vmul.f32 v16, v54  }
0x5c: {  	v42 =	vbroadcast v2, $0x7;
	v49 =	vmul.f32 v47, v38;
	v54 =	vunpack.i.u.bf16.f32 v43  }
0x5d: {  	v35 =	vld [tilespmem:s22+$0xFFFFFEA0];
	v31 =	vunpack.i.l.bf16.f32 v22;
	v14 =	vunpack.i.u.bf16.f32 v22;
	v19 =	vmul.f32 v18, v55  }
0x5e: {  	v22 =	vunpack.i.l.bf16.f32 v60;
	v16 =	vunpack.i.u.bf16.f32 v60;
	v6 =	vadd.f32 v36, v6  }
0x5f: {  	v7 =	vadd.f32 v45, v7;
	v5 =	vadd.f32 v10, v5;
	v10 =	vmul.f32 v53, v50  }
0x60: {  	v4 =	vadd.f32 v11, v4;
	v33 =	vmul.f32 v31, v21;
	v36 =	vmul.f32 v34, v25  }
0x61: {  	v11 =	vunpack.i.u.bf16.f32 v58;
	v37 =	vmul.f32 v14, v21;
	v14 =	vmul.f32 v44, v38  }
0x62: {  	v45 =	vunpack.i.l.bf16.f32 v35;
	v53 =	vmul.f32 v51, v42;
	v30 =	vmul.f32 v11, v21  }
0x63: {  	v46 =	vmul.f32 v45, v42;
	v11 =	vunpack.i.u.bf16.f32 v35;
	v21 =	vunpack.i.u.bf16.f32 v56  }
0x64: {  	v45 =	vbroadcast v2, $0xA;
	v6 =	vadd.f32 v41, v6;
	v7 =	vadd.f32 v48, v7  }
0x65: {  	v52 =	vld [tilespmem:s22+$0xFFFFFEE0];
	v4 =	vadd.f32 v10, v4;
	v5 =	vadd.f32 v9, v5;
	v10 =	vmul.f32 v63, v50  }
0x66: {  	v51 =	vld [tilespmem:s22+$0xFFFFFF80];
	v9 =	vunpack.i.u.bf16.f32 v62;
	v41 =	vunpack.i.l.bf16.f32 v32;
	v11 =	vmul.f32 v11, v42  }
0x67: {  	v50 =	vunpack.i.u.bf16.f32 v39;
	v9 =	vmul.f32 v9, v25;
	v6 =	vadd.f32 v8, v6  }
0x68: {  	v35 =	vld [tilespmem:s22+$0xFFFFFF40];
	v4 =	vadd.f32 v59, v4;
	v7 =	vadd.f32 v61, v7;
	v8 =	vmul.f32 v41, v38  }
0x69: {  	v48 =	vld [tilespmem:s22+$0xFFFFFEC0];
	v5 =	vadd.f32 v10, v5;
	v10 =	vmul.f32 v50, v38;
	v59 =	vbroadcast v2, $0x8  }
0x6a: {  	v63 =	vld [tilespmem:s22+$0xFFFFFF00];
	v61 =	vunpack.i.l.bf16.f32 v52;
	v41 =	vbroadcast v3, $0xA;
	v6 =	vadd.f32 v57, v6  }
0x6b: {  	v60 =	vunpack.i.l.bf16.f32 v51;
	v7 =	vadd.f32 v20, v7;
	v5 =	vadd.f32 v27, v5  }
0x6c: {  	v25 =	vld [tilespmem:s22+$0xFFFFFF10];
	v4 =	vadd.f32 v30, v4;
	v62 =	vmul.f32 v61, v59;
	v23 =	vmul.f32 v22, v59  }
0x6d: {  	v38 =	vld [tilespmem:s22+$0xFFFFFF60];
	v30 =	vmul.f32 v16, v59;
	v44 =	vunpack.i.l.bf16.f32 v35;
	v47 =	vunpack.i.u.bf16.f32 v35  }
0x6e: {  	v61 =	vunpack.i.u.bf16.f32 v51;
	v57 =	vunpack.i.l.bf16.f32 v48;
	v58 =	vunpack.i.u.bf16.f32 v48  }
0x6f: {  	v20 =	vld [tilespmem:s22+$0xFFFFFF20];
	v26 =	vunpack.i.l.bf16.f32 v63;
	v6 =	vadd.f32 v24, v6;
	v7 =	vadd.f32 v33, v7  }
0x70: {  	v4 =	vadd.f32 v9, v4;
	v5 =	vadd.f32 v37, v5;
	v9 =	vmul.f32 v54, v42  }
0x71: {  	v24 =	vbroadcast v3, $0x9;
	v34 =	vunpack.i.l.bf16.f32 v25;
	v6 =	vadd.f32 v29, v6  }
0x72: {  	v48 =	vunpack.i.l.bf16.f32 v38;
	v7 =	vadd.f32 v36, v7;
	v5 =	vadd.f32 v12, v5  }
0x73: {  	v4 =	vadd.f32 v14, v4;
	v14 =	vunpack.i.u.bf16.f32 v52;
	v27 =	vmul.f32 v26, v24  }
0x74: {  	v36 =	vmul.f32 v34, v24;
	v17 =	vmul.f32 v14, v59;
	v31 =	vunpack.i.l.bf16.f32 v20  }
0x75: {  	v42 =	vld [tilespmem:s22+$0xFFFFFF50];
	v14 =	vunpack.i.u.bf16.f32 v25;
	v6 =	vadd.f32 v8, v6;
	v7 =	vadd.f32 v49, v7  }
0x76: {  	v5 =	vadd.f32 v10, v5;
	v8 =	vmul.f32 v57, v55;
	v10 =	vmul.f32 v58, v55  }
0x77: {  	v4 =	vadd.f32 v11, v4;
	v32 =	vmul.f32 v31, v28;
	v40 =	vmul.f32 v14, v24  }
0x78: {  	v29 =	vld [tilespmem:s22+$0xFFFFFF30];
	v11 =	vunpack.i.u.bf16.f32 v63;
	v49 =	vmul.f32 v48, v45;
	v14 =	vmul.f32 v47, v41  }
0x79: {  	v58 =	vbroadcast v3, $0xB;
	v33 =	vmul.f32 v11, v24;
	v11 =	vunpack.i.u.bf16.f32 v38  }
0x7a: {  	v50 =	vunpack.i.l.bf16.f32 v42;
	v6 =	vadd.f32 v46, v6;
	v7 =	vadd.f32 v53, v7  }
0x7b: {  	v4 =	vadd.f32 v10, v4;
	v5 =	vadd.f32 v9, v5;
	v10 =	vmul.f32 v21, v55  }
0x7c: {  	v59 =	vld [tilespmem:s22+$0xFFFFFF90];
	v9 =	vunpack.i.u.bf16.f32 v20;
	v52 =	vmul.f32 v50, v41;
	v11 =	vmul.f32 v11, v45  }
0x7d: {  	v63 =	vld [tilespmem:s22+$0xFFFFFFB0];
	v53 =	vunpack.i.u.bf16.f32 v42;
	v9 =	vmul.f32 v9, v28;
	v37 =	vunpack.i.l.bf16.f32 v29  }
0x7e: {  	v24 =	vld [tilespmem:s22+$0xFFFFFFE0];
	v43 =	vunpack.i.u.bf16.f32 v29;
	v6 =	vadd.f32 v8, v6;
	v4 =	vadd.f32 v17, v4  }
0x7f: {  	v46 =	vld [tilespmem:s22+$0xFFFFFF70];
	v7 =	vadd.f32 v19, v7;
	v39 =	vmul.f32 v37, v28;
	v8 =	vmul.f32 v44, v41  }
0x80: {  	v55 =	vld [tilespmem:s22+$0xFFFFFFA0];
	v5 =	vadd.f32 v10, v5;
	v12 =	vmul.f32 v43, v28;
	v10 =	vmul.f32 v53, v41  }
0x81: {  	v20 =	vld [tilespmem:s22+$0xFFFFFFC0];
	v22 =	vunpack.i.l.bf16.f32 v59;
	v25 =	vunpack.i.u.bf16.f32 v59;
	v28 =	vbroadcast v3, $0xC  }
0x82: {  	v26 =	vunpack.i.l.bf16.f32 v63;
	v6 =	vadd.f32 v62, v6;
	v7 =	vadd.f32 v23, v7  }
0x83: {  	v16 =	vunpack.i.u.bf16.f32 v63;
	v5 =	vadd.f32 v30, v5;
	v4 =	vadd.f32 v33, v4  }
0x84: {  	v29 =	vld [tilespmem:s22+$0xFFFFFFD0];
	v62 =	vbroadcast v2, $0xB;
	v23 =	vmul.f32 v22, v58;
	v35 =	vunpack.i.l.bf16.f32 v24  }
0x85: {  	v54 =	vunpack.i.l.bf16.f32 v46;
	v57 =	vunpack.i.u.bf16.f32 v46;
	v18 =	vunpack.i.l.bf16.f32 v55  }
0x86: {  	v30 =	vunpack.i.l.bf16.f32 v20;
	v6 =	vadd.f32 v27, v6;
	v7 =	vadd.f32 v36, v7  }
0x87: {  	v63 =	vld [tilespmem:s22+$0x50];
	v4 =	vadd.f32 v9, v4;
	v56 =	vmul.f32 v54, v45;
	v9 =	vmul.f32 v57, v45  }
0x88: {  	v33 =	vld [tilespmem:s22+$0xFFFFFFF0];
	v5 =	vadd.f32 v40, v5;
	v19 =	vmul.f32 v18, v62;
	v27 =	vmul.f32 v26, v62  }
0x89: {  	v31 =	vmul.f32 v30, v28;
	v34 =	vmul.f32 v16, v62;
	v38 =	vunpack.i.l.bf16.f32 v29  }
0x8a: {  	v22 =	vld [tilespmem:s22+$0x70];
	v45 =	vbroadcast v3, $0xD;
	v6 =	vadd.f32 v32, v6;
	v7 =	vadd.f32 v39, v7  }
0x8b: {  	v40 =	vmul.f32 v38, v28;
	v5 =	vadd.f32 v12, v5;
	v4 =	vadd.f32 v14, v4  }
0x8c: {  	v14 =	vunpack.i.u.bf16.f32 v55;
	v32 =	vbroadcast v2, $0xC;
	v30 =	vunpack.i.u.bf16.f32 v63  }
0x8d: {  	v42 =	vld [tilespmem:s22+$0x20];
	v21 =	vmul.f32 v14, v62;
	v41 =	vunpack.i.l.bf16.f32 v33;
	v14 =	vunpack.i.u.bf16.f32 v29  }
0x8e: {  	v46 =	vld [tilespmem:s22+$0x10];
	v47 =	vunpack.i.u.bf16.f32 v33;
	v62 =	vbroadcast v3, $0xE;
	v33 =	vbroadcast v3, $0xF  }
0x8f: {  	v50 =	vld [tilespmem:s22+$0x30];
	v3 =	vunpack.i.u.bf16.f32 v22;
	v6 =	vadd.f32 v8, v6;
	v7 =	vadd.f32 v52, v7  }
0x90: {  	v5 =	vadd.f32 v10, v5;
	v8 =	vmul.f32 v60, v58;
	v10 =	vmul.f32 v61, v58  }
0x91: {  	v4 =	vadd.f32 v11, v4;
	v36 =	vmul.f32 v35, v32;
	v43 =	vmul.f32 v41, v32  }
0x92: {  	v11 =	vunpack.i.u.bf16.f32 v20;
	v44 =	vmul.f32 v14, v28;
	v12 =	vmul.f32 v47, v32  }
0x93: {  	v39 =	vld [tilespmem:s22+$0x0];
	v52 =	vunpack.i.l.bf16.f32 v42;
	v54 =	vunpack.i.l.bf16.f32 v46;
	v57 =	vunpack.i.u.bf16.f32 v46  }
0x94: {  	v55 =	vld [tilespmem:s22+$0x40];
	v61 =	vunpack.i.u.bf16.f32 v50;
	v37 =	vmul.f32 v11, v28;
	v6 =	vadd.f32 v49, v6  }
0x95: {  	v11 =	vunpack.i.u.bf16.f32 v42;
	v7 =	vadd.f32 v56, v7;
	v4 =	vadd.f32 v10, v4  }
0x96: {  	v59 =	vld [tilespmem:s22+$0x60];
	v5 =	vadd.f32 v9, v5;
	v10 =	vmul.f32 v25, v58;
	v9 =	vunpack.i.u.bf16.f32 v24  }
0x97: {  	v38 =	vld [tilespmem:s22+$0xB0];
	v49 =	vbroadcast v2, $0xD;
	v56 =	vmul.f32 v54, v45;
	v58 =	vunpack.i.l.bf16.f32 v50  }
0x98: {  	v29 =	vld [tilespmem:s22+$0xA0];
	v9 =	vmul.f32 v9, v32;
	v48 =	vunpack.i.l.bf16.f32 v39;
	v51 =	vunpack.i.u.bf16.f32 v39  }
0x99: {  	v20 =	vunpack.i.u.bf16.f32 v55;
	v6 =	vadd.f32 v8, v6;
	v8 =	vmul.f32 v48, v45  }
0x9a: {  	v4 =	vadd.f32 v21, v4;
	v53 =	vmul.f32 v52, v49;
	v14 =	vmul.f32 v51, v45  }
0x9b: {  	v7 =	vadd.f32 v23, v7;
	v11 =	vmul.f32 v11, v49;
	v60 =	vmul.f32 v58, v49  }
0x9c: {  	v25 =	vld [tilespmem:s22+$0x80];
	v5 =	vadd.f32 v10, v5;
	v10 =	vmul.f32 v57, v45;
	v21 =	vbroadcast v2, $0xE  }
0x9d: {  	v50 =	vld [tilespmem:s22+$0xD0];
	v23 =	vunpack.i.l.bf16.f32 v59;
	v39 =	vunpack.i.l.bf16.f32 v29;
	v45 =	vunpack.i.l.bf16.f32 v38  }
0x9e: {  	v51 =	vunpack.i.u.bf16.f32 v38;
	v6 =	vadd.f32 v19, v6;
	v7 =	vadd.f32 v27, v7  }
0x9f: {  	v5 =	vadd.f32 v34, v5;
	v4 =	vadd.f32 v37, v4;
	v19 =	vunpack.i.l.bf16.f32 v55  }
0xa0: {  	v24 =	vmul.f32 v23, v21;
	v27 =	vunpack.i.l.bf16.f32 v63;
	v37 =	vbroadcast v2, $0xF  }
0xa1: {  	v3 =	vmul.f32 v3, v21;
	v28 =	vmul.f32 v27, v62;
	v35 =	vunpack.i.l.bf16.f32 v25  }
0xa2: {  	v54 =	vld [tilespmem:s22+$0xF0];
	v58 =	vunpack.i.l.bf16.f32 v50;
	v6 =	vadd.f32 v31, v6;
	v7 =	vadd.f32 v40, v7  }
0xa3: {  	v34 =	vld [tilespmem:s22+$0x90];
	v4 =	vadd.f32 v9, v4;
	v5 =	vadd.f32 v44, v5;
	v9 =	vmul.f32 v61, v49  }
0xa4: {  	v2 =	vld.idx.msk [tilespmem:v0+s24+$0x0 ss:$0x1], $0xffff;
	v31 =	vunpack.i.l.bf16.f32 v22;
	v40 =	vmul.f32 v39, v37;
	v47 =	vmul.f32 v45, v37  }
0xa5: {  	v23 =	vld [tilespmem:s22+$0x110];
	v61 =	vunpack.i.u.bf16.f32 v50;
	v6 =	vadd.f32 v36, v6;
	v7 =	vadd.f32 v43, v7  }
0xa6: {  	v32 =	vmul.f32 v31, v21;
	v5 =	vadd.f32 v12, v5;
	v4 =	vadd.f32 v14, v4  }
0xa7: {  	v14 =	vunpack.i.u.bf16.f32 v59;
	v36 =	vmul.f32 v35, v33;
	v12 =	vmul.f32 v51, v37  }
0xa8: {  	v46 =	vld [tilespmem:s22+$0xE0];
	v26 =	vmul.f32 v14, v21;
	v42 =	vunpack.i.l.bf16.f32 v34;
	v14 =	vunpack.i.u.bf16.f32 v34  }
0xa9: {  	v27 =	vld [tilespmem:s22+$0x130];
	v49 =	vbroadcast v2, $0x0;
	v21 =	vunpack.i.u.bf16.f32 v54;
	v22 =	vbroadcast v2, $0x1  }
0xaa: {  	v34 =	vunpack.i.u.bf16.f32 v23;
	v6 =	vadd.f32 v8, v6;
	v7 =	vadd.f32 v56, v7  }
0xab: {  	v38 =	vbroadcast v2, $0x2;
	v4 =	vadd.f32 v11, v4;
	v5 =	vadd.f32 v10, v5  }
0xac: {  	v43 =	vld [tilespmem:s22+$0xC0];
	v8 =	vmul.f32 v19, v62;
	v10 =	vmul.f32 v20, v62;
	v11 =	vunpack.i.u.bf16.f32 v25  }
0xad: {  	v59 =	vld [tilespmem:s22+$0x100];
	v44 =	vmul.f32 v42, v33;
	v48 =	vmul.f32 v14, v33;
	v56 =	vunpack.i.l.bf16.f32 v46  }
0xae: {  	v18 =	vld [tilespmem:s22+$0x1E0];
	v35 =	vunpack.i.u.bf16.f32 v27;
	v41 =	vmul.f32 v11, v33;
	v6 =	vadd.f32 v53, v6  }
0xaf: {  	v11 =	vunpack.i.u.bf16.f32 v46;
	v7 =	vadd.f32 v60, v7;
	v4 =	vadd.f32 v10, v4  }
0xb0: {  	v63 =	vld [tilespmem:s22+$0x120];
	v5 =	vadd.f32 v9, v5;
	v10 =	vmul.f32 v30, v62;
	v9 =	vunpack.i.u.bf16.f32 v29  }
0xb1: {  	v42 =	vld [tilespmem:s22+$0x170];
	v60 =	vmul.f32 v58, v49;
	v62 =	vunpack.i.l.bf16.f32 v54;
	v9 =	vmul.f32 v9, v37  }
0xb2: {  	v52 =	vunpack.i.l.bf16.f32 v43;
	v55 =	vunpack.i.u.bf16.f32 v43;
	v25 =	vunpack.i.u.bf16.f32 v59  }
0xb3: {  	v37 =	vunpack.i.l.bf16.f32 v27;
	v27 =	vunpack.i.l.bf16.f32 v18;
	v6 =	vadd.f32 v8, v6  }
0xb4: {  	v4 =	vadd.f32 v26, v4;
	v7 =	vadd.f32 v28, v7;
	v8 =	vmul.f32 v52, v49  }
0xb5: {  	v5 =	vadd.f32 v10, v5;
	v14 =	vmul.f32 v55, v49;
	v10 =	vmul.f32 v61, v49  }
0xb6: {  	v30 =	vld [tilespmem:s22+$0x140];
	v28 =	vunpack.i.l.bf16.f32 v63;
	v52 =	vbroadcast v2, $0x3;
	v50 =	vunpack.i.u.bf16.f32 v42  }
0xb7: {  	v61 =	vld [tilespmem:s22+$0x1C0];
	v51 =	vunpack.i.l.bf16.f32 v42;
	v6 =	vadd.f32 v24, v6;
	v7 =	vadd.f32 v32, v7  }
0xb8: {  	v5 =	vadd.f32 v3, v5;
	v3 =	vld.idx.msk [tilespmem:v1+s24+$0x0 ss:$0x1], $0xffff;
	v4 =	vadd.f32 v41, v4;
	v24 =	vunpack.i.l.bf16.f32 v59  }
0xb9: {  	v58 =	vld [tilespmem:s22+$0x1B0];
	v32 =	vunpack.i.l.bf16.f32 v23;
	v6 =	vadd.f32 v36, v6;
	v7 =	vadd.f32 v44, v7  }
0xba: {  	v33 =	vmul.f32 v32, v22;
	v4 =	vadd.f32 v9, v4;
	v5 =	vadd.f32 v48, v5  }
0xbb: {  	v39 =	vunpack.i.l.bf16.f32 v30;
	v6 =	vadd.f32 v40, v6;
	v7 =	vadd.f32 v47, v7  }
0xbc: {  	v23 =	vunpack.i.l.bf16.f32 v61;
	v5 =	vadd.f32 v12, v5;
	v4 =	vadd.f32 v14, v4  }
0xbd: {  	v54 =	vld [tilespmem:s22+$0x190];
	v14 =	vunpack.i.u.bf16.f32 v63;
	v12 =	vmul.f32 v39, v38;
	v53 =	vbroadcast v3, $0x0  }
0xbe: {  	v63 =	vunpack.i.l.bf16.f32 v58;
	v26 =	vbroadcast v3, $0x1;
	v41 =	vbroadcast v3, $0x2  }
0xbf: {  	v36 =	vld [tilespmem:s22+$0x160];
	v55 =	vbroadcast v3, $0x3;
	v6 =	vadd.f32 v8, v6;
	v8 =	vmul.f32 v24, v22  }
0xc0: {  	v5 =	vadd.f32 v10, v5;
	v10 =	vmul.f32 v25, v22;
	v57 =	vmul.f32 v56, v53  }
0xc1: {  	v46 =	vld [tilespmem:s22+$0x180];
	v7 =	vadd.f32 v60, v7;
	v11 =	vmul.f32 v11, v53;
	v20 =	vmul.f32 v62, v53  }
0xc2: {  	v60 =	vunpack.i.l.bf16.f32 v54;
	v9 =	vmul.f32 v21, v53;
	v29 =	vmul.f32 v28, v26  }
0xc3: {  	v24 =	vunpack.i.u.bf16.f32 v61;
	v31 =	vmul.f32 v14, v26;
	v14 =	vmul.f32 v37, v26  }
0xc4: {  	v43 =	vunpack.i.u.bf16.f32 v36;
	v15 =	vmul.f32 v51, v41;
	v56 =	vmul.f32 v50, v41  }
0xc5: {  	v40 =	vld [tilespmem:s22+$0x150];
	v13 =	vunpack.i.l.bf16.f32 v36;
	v19 =	vmul.f32 v63, v55;
	v28 =	vbroadcast v3, $0x4  }
0xc6: {  	v47 =	vld [tilespmem:s22+$0x1A0];
	v53 =	vunpack.i.l.bf16.f32 v46;
	v37 =	vbroadcast v2, $0x5;
	v50 =	vbroadcast v2, $0x6  }
0xc7: {  	v62 =	vunpack.i.u.bf16.f32 v54;
	v44 =	vmul.f32 v13, v41;
	v45 =	vmul.f32 v43, v41  }
0xc8: {  	v13 =	vunpack.i.u.bf16.f32 v46;
	v6 =	vadd.f32 v57, v6;
	v4 =	vadd.f32 v11, v4  }
0xc9: {  	v25 =	vld [tilespmem:s22+$0x1F0];
	v41 =	vbroadcast v3, $0x5;
	v7 =	vadd.f32 v20, v7;
	v5 =	vadd.f32 v9, v5  }
0xca: {  	v36 =	vld [tilespmem:s22+$0x210];
	v9 =	vmul.f32 v34, v22;
	v11 =	vunpack.i.u.bf16.f32 v30;
	v48 =	vunpack.i.u.bf16.f32 v40  }
0xcb: {  	v51 =	vld [tilespmem:s22+$0x270];
	v49 =	vunpack.i.l.bf16.f32 v40;
	v57 =	vunpack.i.l.bf16.f32 v47;
	v59 =	vmul.f32 v13, v52  }
0xcc: {  	v22 =	vbroadcast v2, $0x4;
	v11 =	vmul.f32 v11, v38;
	v6 =	vadd.f32 v8, v6  }
0xcd: {  	v63 =	vld [tilespmem:s22+$0x2A0];
	v4 =	vadd.f32 v10, v4;
	v7 =	vadd.f32 v33, v7;
	v10 =	vmul.f32 v35, v26  }
0xce: {  	v46 =	vld [tilespmem:s22+$0x260];
	v5 =	vadd.f32 v9, v5;
	v8 =	vmul.f32 v48, v38;
	v33 =	vunpack.i.u.bf16.f32 v25  }
0xcf: {  	v20 =	vld [tilespmem:s22+$0x1D0];
	v9 =	vmul.f32 v57, v55;
	v26 =	vunpack.i.u.bf16.f32 v18;
	v35 =	vmul.f32 v33, v28  }
0xd0: {  	v30 =	vld [tilespmem:s22+$0x200];
	v43 =	vunpack.i.l.bf16.f32 v36;
	v61 =	vunpack.i.l.bf16.f32 v51;
	v6 =	vadd.f32 v29, v6  }
0xd1: {  	v34 =	vld [tilespmem:s22+$0x220];
	v18 =	vunpack.i.u.bf16.f32 v51;
	v4 =	vadd.f32 v31, v4;
	v7 =	vadd.f32 v14, v7  }
0xd2: {  	v5 =	vadd.f32 v10, v5;
	v10 =	vunpack.i.u.bf16.f32 v47;
	v14 =	vunpack.i.u.bf16.f32 v58  }
0xd3: {  	v31 =	vmul.f32 v26, v28;
	v54 =	vunpack.i.u.bf16.f32 v46;
	v26 =	vunpack.i.l.bf16.f32 v63  }
0xd4: {  	v48 =	vld [tilespmem:s22+$0x250];
	v10 =	vmul.f32 v10, v55;
	v21 =	vmul.f32 v14, v55;
	v29 =	vunpack.i.l.bf16.f32 v20  }
0xd5: {  	v14 =	vmul.f32 v27, v28;
	v13 =	vunpack.i.u.bf16.f32 v20;
	v40 =	vunpack.i.u.bf16.f32 v30  }
0xd6: {  	v42 =	vunpack.i.u.bf16.f32 v34;
	v55 =	vbroadcast v3, $0x6;
	v6 =	vadd.f32 v12, v6  }
0xd7: {  	v39 =	vld [tilespmem:s22+$0x230];
	v4 =	vadd.f32 v11, v4;
	v12 =	vmul.f32 v49, v38;
	v11 =	vmul.f32 v53, v52  }
0xd8: {  	v5 =	vadd.f32 v8, v5;
	v8 =	vmul.f32 v62, v52;
	v32 =	vmul.f32 v13, v22  }
0xd9: {  	v38 =	vunpack.i.l.bf16.f32 v30;
	v13 =	vmul.f32 v40, v37;
	v16 =	vunpack.i.u.bf16.f32 v48  }
0xda: {  	v62 =	vmul.f32 v61, v55;
	v6 =	vadd.f32 v44, v6;
	v4 =	vadd.f32 v45, v4  }
0xdb: {  	v20 =	vld [tilespmem:s22+$0x290];
	v7 =	vadd.f32 v12, v7;
	v5 =	vadd.f32 v56, v5;
	v12 =	vunpack.i.u.bf16.f32 v36  }
0xdc: {  	v40 =	vld [tilespmem:s22+$0x2F0];
	v45 =	vunpack.i.l.bf16.f32 v39;
	v56 =	vunpack.i.l.bf16.f32 v48;
	v17 =	vmul.f32 v16, v50  }
0xdd: {  	v47 =	vmul.f32 v45, v41;
	v6 =	vadd.f32 v11, v6;
	v7 =	vadd.f32 v15, v7  }
0xde: {  	v58 =	vmul.f32 v56, v50;
	v4 =	vadd.f32 v59, v4;
	v5 =	vadd.f32 v8, v5  }
0xdf: {  	v44 =	vld [tilespmem:s22+$0x240];
	v8 =	vmul.f32 v24, v22;
	v15 =	vmul.f32 v42, v41;
	v11 =	vunpack.i.u.bf16.f32 v39  }
0xe0: {  	v36 =	vld [tilespmem:s22+$0x2D0];
	v24 =	vbroadcast v3, $0x7;
	v30 =	vunpack.i.u.bf16.f32 v20;
	v49 =	vmul.f32 v11, v41  }
0xe1: {  	v48 =	vunpack.i.l.bf16.f32 v40;
	v51 =	vunpack.i.u.bf16.f32 v40;
	v6 =	vadd.f32 v9, v6  }
0xe2: {  	v9 =	vmul.f32 v60, v52;
	v4 =	vadd.f32 v10, v4;
	v5 =	vadd.f32 v21, v5  }
0xe3: {  	v59 =	vld [tilespmem:s22+$0x280];
	v10 =	vunpack.i.l.bf16.f32 v25;
	v60 =	vmul.f32 v54, v55;
	v21 =	vmul.f32 v18, v55  }
0xe4: {  	v10 =	vmul.f32 v10, v28;
	v52 =	vunpack.i.u.bf16.f32 v44;
	v53 =	vunpack.i.l.bf16.f32 v44  }
0xe5: {  	v44 =	vunpack.i.l.bf16.f32 v36;
	v7 =	vadd.f32 v9, v7;
	v9 =	vmul.f32 v23, v22  }
0xe6: {  	v25 =	vld [tilespmem:s22+$0x2B0];
	v4 =	vadd.f32 v8, v4;
	v8 =	vmul.f32 v12, v37;
	v12 =	vunpack.i.l.bf16.f32 v46  }
0xe7: {  	v54 =	vld [tilespmem:s22+$0x330];
	v5 =	vadd.f32 v32, v5;
	v11 =	vmul.f32 v53, v50;
	v57 =	vmul.f32 v12, v55  }
0xe8: {  	v23 =	vunpack.i.u.bf16.f32 v59;
	v7 =	vadd.f32 v19, v7;
	v6 =	vadd.f32 v9, v6  }
0xe9: {  	v9 =	vmul.f32 v29, v22;
	v4 =	vadd.f32 v31, v4;
	v5 =	vadd.f32 v35, v5  }
0xea: {  	v19 =	vbroadcast v2, $0x7;
	v22 =	vunpack.i.l.bf16.f32 v59;
	v29 =	vunpack.i.l.bf16.f32 v20  }
0xeb: {  	v42 =	vld [tilespmem:s22+$0x300];
	v35 =	vbroadcast v2, $0x8;
	v2 =	vbroadcast v2, $0x9;
	v33 =	vunpack.i.u.bf16.f32 v25  }
0xec: {  	v32 =	vld [tilespmem:s22+$0x2E0];
	v61 =	vunpack.i.u.bf16.f32 v54;
	v7 =	vadd.f32 v9, v7;
	v6 =	vadd.f32 v14, v6  }
0xed: {  	v46 =	vld [tilespmem:s22+$0x320];
	v9 =	vunpack.i.l.bf16.f32 v34;
	v4 =	vadd.f32 v13, v4;
	v5 =	vadd.f32 v8, v5  }
0xee: {  	v8 =	vmul.f32 v52, v50;
	v12 =	vmul.f32 v23, v19;
	v13 =	vunpack.i.u.bf16.f32 v63  }
0xef: {  	v31 =	vmul.f32 v29, v19;
	v34 =	vunpack.i.l.bf16.f32 v25;
	v45 =	vmul.f32 v44, v35  }
0xf0: {  	v14 =	vunpack.i.u.bf16.f32 v42;
	v9 =	vmul.f32 v9, v41;
	v28 =	vmul.f32 v13, v24  }
0xf1: {  	v39 =	vunpack.i.l.bf16.f32 v32;
	v7 =	vadd.f32 v10, v7;
	v10 =	vmul.f32 v38, v37  }
0xf2: {  	v27 =	vld [tilespmem:s22+$0x2C0];
	v13 =	vunpack.i.u.bf16.f32 v32;
	v53 =	vunpack.i.l.bf16.f32 v46;
	v4 =	vadd.f32 v15, v4  }
0xf3: {  	v56 =	vmul.f32 v14, v2;
	v5 =	vadd.f32 v49, v5;
	v6 =	vadd.f32 v10, v6  }
0xf4: {  	v38 =	vbroadcast v3, $0x8;
	v49 =	vunpack.i.l.bf16.f32 v42;
	v10 =	vmul.f32 v43, v37  }
0xf5: {  	v3 =	vbroadcast v3, $0x9;
	v4 =	vadd.f32 v8, v4;
	v6 =	vadd.f32 v9, v6  }
0xf6: {  	v50 =	vld [tilespmem:s22+$0x310];
	v5 =	vadd.f32 v17, v5;
	v8 =	vmul.f32 v26, v24;
	v7 =	vadd.f32 v10, v7  }
0xf7: {  	v37 =	vunpack.i.l.bf16.f32 v27;
	v41 =	vmul.f32 v39, v38;
	v6 =	vadd.f32 v11, v6  }
0xf8: {  	v43 =	vmul.f32 v13, v38;
	v4 =	vadd.f32 v60, v4;
	v7 =	vadd.f32 v47, v7  }
0xf9: {  	v52 =	vmul.f32 v51, v38;
	v9 =	vmul.f32 v22, v19;
	v6 =	vadd.f32 v57, v6  }
0xfa: {  	v55 =	vmul.f32 v53, v3;
	v4 =	vadd.f32 v12, v4;
	v7 =	vadd.f32 v58, v7  }
0xfb: {  	v59 =	vunpack.i.u.bf16.f32 v50;
	v5 =	vadd.f32 v21, v5;
	v6 =	vadd.f32 v9, v6  }
0xfc: {  	v4 =	vadd.f32 v28, v4;
	v7 =	vadd.f32 v62, v7;
	v9 =	vunpack.i.u.bf16.f32 v27  }
0xfd: {  	v9 =	vmul.f32 v9, v35;
	v6 =	vadd.f32 v8, v6;
	v8 =	vmul.f32 v30, v19  }
0xfe: {  	v10 =	vmul.f32 v34, v24;
	v12 =	vmul.f32 v33, v24;
	v7 =	vadd.f32 v31, v7  }
0xff: {  	v4 =	vadd.f32 v9, v4;
	v5 =	vadd.f32 v8, v5;
	v8 =	vmul.f32 v37, v35  }
0x100: {  	v47 =	vunpack.i.u.bf16.f32 v36;
	v57 =	vunpack.i.u.bf16.f32 v46;
	v7 =	vadd.f32 v10, v7  }
0x101: {  	v9 =	vmul.f32 v48, v38;
	v4 =	vadd.f32 v43, v4;
	v6 =	vadd.f32 v8, v6  }
0x102: {  	v5 =	vadd.f32 v12, v5;
	v7 =	vadd.f32 v45, v7;
	v8 =	vmul.f32 v47, v35  }
0x103: {  	v10 =	vmul.f32 v49, v2;
	v4 =	vadd.f32 v56, v4;
	v6 =	vadd.f32 v41, v6  }
0x104: {  	v58 =	vunpack.i.l.bf16.f32 v50;
	v5 =	vadd.f32 v8, v5;
	v7 =	vadd.f32 v9, v7  }
0x105: {  	v9 =	vmul.f32 v57, v3;
	v6 =	vadd.f32 v10, v6;
	v10 =	vmul.f32 v58, v2  }
0x106: {  	v60 =	vunpack.i.l.bf16.f32 v54;
	v5 =	vadd.f32 v52, v5;
	v2 =	vmul.f32 v59, v2  }
0x107: {  	p0 =	sne.s32 s21, $0x180;
	v62 =	vmul.f32 v60, v3;
	v4 =	vadd.f32 v9, v4;
	v7 =	vadd.f32 v10, v7  }
.Ltmp0:
0x108: {  	v3 =	vmul.f32 v61, v3;
	v6 =	vadd.f32 v55, v6;
	v2 =	vadd.f32 v2, v5;
	(pc) =	sbr.rel @p0 .LBB2_3-.Ltmp0, $4  }
0x109: {  	[tilespmem:s23+$0xFFFFFFF0] =	vst v4;
	v63 =	vadd.f32 v62, v7  }
0x10a: {  	[tilespmem:s23+$0xFFFFFFE0] =	vst v6;
	v2 =	vadd.f32 v3, v2  }
0x10b: {  	[tilespmem:s23+$0x0] =	vst v63  }
0x10c: {  	s21 =	sadd.s32 $0x80, s21;
	s22 =	sadd.s32 $0x680, s22;
	[tilespmem:s23+$0x10] =	vst v2;
	s23 =	sadd.s32 $0x40, s23  }
0x10d: {  	s20 =	sadd.s32 $0x1, s20  }
0x10e: {  	p0 =	sne.s32 s20, $0x20  }
.Ltmp1:
0x10f: {  	_ = 	snop;
	(pc) =	sbr.rel @p0 .LBB2_2-.Ltmp1, $2  }
0x110: {  	_ =	sdelay $0x2  }
0x111: {  	s17 =	sadd.s32 $0x100, s17;
	s18 =	sadd.s32 $0x80, s18;
	s19 =	sadd.s32 $0x80, s19  }
0x112: {  	s16 =	sadd.s32 $0x1, s16  }
0x113: {  	p0 =	sne.s32 s16, s8  }
.Ltmp2:
0x114: {  	_ = 	snop;
	(pc) =	sbr.rel @p0 .LBB2_1-.Ltmp2, $4  }
0x115: {  	[hbm4b:s7+s2] =	stream.linear.scatter [tilespmem:s15], [sflag:$0x2], $0x2000, $0x38;
	[tilespmem:$0x6700] =	vst v63  }
0x116: {  	_ =	swait.ge [sflag:s9], $0x2000  }
0x117: {  	[sflag:s9] =	ssyncset.done $0x0  }
0x118: {  	[sflag:s9] =	ssyncadd.s32 $0xFFFFE000  }
0x119: {  	_ =	sfence.sel $0x180000  }
0x11a: {  	[bflag:$0x0] =	sbarrier.arrive $0xFFFF  }
0x11b: {  	p0 =	sne.s32 s0, $0x0;
	_ =	strace $0x9000004D  }
0x11c: {  	s0 =	sadd.s32 @!p0 $0x100000, s1;
	[bflag:$0x2] =	sbarrier.arrive $0xFFFF  }
0x11d: {  	[sflag:s0] =	ssyncadd.tile.s32 @!p0 $0x1;
	_ =	shalt  }
.Lfunc_end2:
_tile_overlayer_lowered:
.L_overlay_start_2:
0x11e: {  	(tag) =	ssettag $0x2  }
0x11f: {  	s0 =	rddreg [dreg:$0x0];
	s2 =	stileid.u32  }
0x120: {  	s1 =	rddreg [dreg:$0x1];
	p0 =	sne.s32 s2, $0x0  }
0x121: {  	s3 =	rddreg [dreg:$0x2];
	[bflag:$0x3] =	sbarrier.arrive $0xFFFF;
	s2 =	simm.s32 @!p0 $0x1C02  }
0x122: {  	[timem:s3], [sflag:s2] =	dma.local @!p0 [hbm:s0], s1  }
0x123: {  	s0 =	simm.s32 @!p0 $0x2  }
0x124: {  	_ =	swait.ge @!p0 [sflag:s0], s1  }
0x125: {  	s1 =	ssub.s32 @!p0 $0x0, s1;
	[sflag:s0] =	ssyncset.done @!p0 $0x0  }
0x126: {  	[sflag:s0] =	ssyncadd.s32 @!p0 s1  }
0x127: {  	[bflag:$0x3] =	sbarrier.arrive $0xFFFF  }
0x128: {  	_ =	shalt  }

// kernel: sparse-core-data-format-call.1.cloned.1.call-start
scs
called_computation.1_lowered:
.L_overlay_start_0:
0x0: {  	s1 =	sld [smem:$0x3FD9]  }
0x1: {  	s2 =	sld [smem:$0x3FFE];
	_ =	sdelay $0x1  }
0x2: {  	s3 =	srdreg.scid  }
0x3: {  	s0 =	sand.u32 $0x1, s3  }
0x4: {  	s17 =	sshll.u32 s0, $0xA;
	s1 =	sadd.s32 s2, s1  }
0x5: {  	s1 =	sadd.s32 s1, s17  }
0x6: {  	[smem:$0x3FC2] =	sst s1  }
0x7: {  	_ = 	snop  }
0x8: {  	(tm) =	ssettm $0x1  }
0x9: {  	s18 =	sld [smem:$0x3FFB];
	_ =	sdelay $0x3  }
0xa: {  	_ =	strace s18  }
0xb: {  	s1 =	sld [smem:$0x3FFC];
	_ =	sdelay $0x3  }
0xc: {  	_ =	strace s1  }
0xd: {  	s1 =	sld [smem:$0x3FFD];
	_ =	sdelay $0x3  }
0xe: {  	_ =	strace s1  }
0xf: {  	_ =	strace $0x8FFFFFFF  }
0x10: {  	s19 =	sld [smem:$0x3FDB];
	_ =	sdelay $0x1  }
0x11: {  	s20 =	simm.s32 $_scs_section_size  }
0x12: {  	s4 =	simm.s32 $_size__tile_overlayer_lowered;
	s5 =	simm.s32 $_tile_overlayer_lowered  }
0x13: {  	s23 =	simm.s32 $0x1BFF;
	s22 =	sshll.u32 s5, $0x1;
	s1 =	sadd.s32 s20, s19  }
0x14: {  	s6 =	simm.s32 $0x0;
	s21 =	sshll.u32 s4, $0x1;
	s4 =	sadd.s32 s22, s1  }
0x15: {  	[timem:s6], [sflag:s23] =	dma.local [hbm:s4], s21  }
0x16: {  	_ =	swait.ge [sflag:s23], s21  }
0x17: {  	s2 =	ssub.s32 $0x0, s21;
	[sflag:s23] =	ssyncset.done $0x0  }
0x18: {  	[sflag:s23] =	ssyncadd.s32 s2;
	_ =	sdelay $0x1  }
0x19: {  	s24 =	simm.s32 $0x1B8B  }
0x1a: {  	_ =	swait.ge [sflag:s24], $0x1  }
0x1b: {  	[sflag:s24] =	ssyncset.done $0x0  }
0x1c: {  	s26 =	simm.s32 $0x1B8E;
	s25 =	sld [smem:$0x3FFE];
	[sflag:s24] =	ssyncadd.s32 $0xFFFFFFFF  }
0x1d: {  	s27 =	simm.s32 $execute0_lowered;
	[smem:$0x3FD2] =	sst s26  }
0x1e: {  	s4 =	sshll.u32 s27, $0x1;
	_ =	strace $0x80000046;
	[dreg:$0x1] =	wrdreg $0xFFFFFFFF  }
0x1f: {  	s28 =	simm.s32 $_size_execute0_lowered;
	s1 =	sadd.s32 s1, s4;
	[dreg:$0x0] =	wrdreg $0x0  }
0x20: {  	s4 =	sshll.u32 s28, $0x1;
	[dreg:$0x2] =	wrdreg s1  }
0x21: {  	[dreg:$0x3] =	wrdreg s4  }
0x22: {  	[dreg:$0x4] =	wrdreg $0xC0  }
0x23: {  	_ =	task [dreg:s6], $0x5FFFF  }
0x24: {  	[dreg:$0x1] =	wrdreg $0xFFFFFFFF  }
0x25: {  	[dreg:$0x0] =	wrdreg $0x60  }
0x26: {  	[dreg:$0x2] =	wrdreg s25  }
0x27: {  	[dreg:$0x3] =	wrdreg $0x9  }
0x28: {  	_ =	task.clear_ibuf [dreg:s6], $0x4FFFF;
	_ =	strace $0x90000046  }
0x29: {  	s29 =	simm.s32 $0x9;
	_ =	strace $0x80000048  }
0x2a: {  	_ =	swait.ge [sflag:s29], $0x1  }
0x2b: {  	[sflag:s29] =	ssyncadd.s32 $0xFFFFFFFF  }
0x2c: {  	_ =	strace $0x90000048  }
0x2d: {  	_ =	sfence  }
0x2e: {  	s30 =	sld [smem:$0x0];
	_ =	sdelay $0x2  }
0x2f: {  	s31 =	sshll.u32 s3, $0xD;
	s3 =	sshrl.u32 s3, $0x2  }
0x30: {  	s2 =	sand.u32 $0x4000, s31;
	s1 =	sadd.s32 s3, s30  }
0x31: {  	s0 =	sor.u32 s2, s0;
	s1 =	sshll.u32 s1, $0x11  }
0x32: {  	s0 =	sor.u32 s1, s0  }
0x33: {  	s0 =	sadd.s32 $0x8F2B, s0  }
0x34: {  	[sflag:s0] =	ssyncadd.remote.s32 $0x1  }
0x35: {  	_ =	sfence.sel $0xFFFF  }
0x36: {  	[dreg:$0x0] =	wrdreg $0xFFFFFFFF;
	(pc) =	sbr.abs _section_cstart, $3  }
0x37: {  	[dreg:$0x1] =	wrdreg $0xFFFFFFFF  }
0x38: {  	_ =	task.clear_ibuf [dreg:s6], $0x2FFFF;
	_ =	strace $0x9FFFFFFF  }
0x39: {  	(tm) =	ssettm $0x7FFFFFFF  }
tec
execute0_lowered:
.L_overlay_start_1:
0x0: {  	(tag) =	ssettag $0x1  }
0x1: {  	s0 =	srdreg.scid  }
0x2: {  	s5 =	rddreg [dreg:$0x0];
	s1 =	stileid.u32;
	s4 =	simm.s32 $0x1  }
0x3: {  	s6 =	simm.s32 $0x2;
	s15 =	simm.s32 $0x0;
	p0 =	por $0x0, $0x0  }
0x4: {  	s8 =	simm.s32 $0x80;
	s14 =	simm.s32 $0x0;
	s2 =	sshll.u32 s0, $0x4  }
0x5: {  	s9 =	simm.s32 $0x0;
	s10 =	simm.s32 $0x0;
	s2 =	sand.u32 $0x10, s2  }
.Ltmp0:
0x6: {  	s12 =	simm.s32 $0x0;
	s3 =	sor.u32 s1, s2;
	(pc) =	sbr.rel .LBB1_1-.Ltmp0, $4  }
0x7: {  	s0 =	rddreg [dreg:$0x1];
	_ =	strace $0x80000047;
	s3 =	sshll.u32 s3, $0x7  }
0x8: {  	s13 =	simm.s32 $0x0;
	[sflag:s4] =	ssyncpa.u1 $0x0;
	s7 =	ssub.s32 $0xF4200, s3  }
0x9: {  	s2 =	sadd.s32 $0x1A00, s5;
	[sflag:s6] =	ssyncpa.u1 $0x0;
	s6 =	sshrl.u32 s7, $0xC  }
0xa: {  	s5 =	sadd.s32 $0x3D2400, s5;
	s11 =	smov.u32 s3;
	s7 =	sadd.s32 $0x2, s6  }
.LBB1_5:
0xb: {  	p1 =	slt.u32 s13, $0x2  }
0xc: {  	s17 =	smov.u32 s15;
	p2 =	sgt.s32 @!p1 s15, $0xF41C0;
	s16 =	sshra.s32 @!p1 s15, $0x1F  }
0xd: {  	p3 =	sgt.s32 @!p1 s14, $0x40;
	s18 =	sshra.s32 @!p1 s14, $0x1F;
	p2 =	por !p2, p1  }
0xe: {  	s15 =	sand.u32 @!p1 s16, s15;
	p3 =	por !p3, p1;
	s16 =	smov.u32 s14  }
0xf: {  	s14 =	sand.u32 @!p1 s18, s14;
	s17 =	simm.s32 @p2 $0xF41C0;
	s16 =	simm.s32 @p3 $0x40  }
0x10: {  	s15 =	ssub.s32 @!p1 s17, s15;
	s14 =	ssub.s32 @!p1 s16, s14  }
0x11: {  	s18 =	smov.u32 s12;
	s16 =	sadd.s32 @!p1 $0xFFF0BE40, s15;
	s17 =	sadd.s32 @!p1 $0xFFFFFFC0, s14  }
0x12: {  	s15 =	ssub.s32 @!p1 $0xF4240, s15;
	p2 =	sgt.s32 @!p1 s16, $0x7F;
	p3 =	sgt.s32 @!p1 s17, $0x3F  }
0x13: {  	s14 =	ssub.s32 @!p1 $0x80, s14;
	p2 =	por !p2, p1;
	p3 =	por !p3, p1  }
0x14: {  	s16 =	sadd.s32 $0x1000, s11;
	s15 =	simm.s32 @!p2 $0x0;
	s14 =	simm.s32 @!p3 $0x0  }
0x15: {  	p2 =	sgt.s32 s16, $0xF423F;
	s14 =	smul.u32 @!p1 s14, s15;
	s15 =	sadd.s32 $0x40, s12  }
0x16: {  	s18 =	smov.u32 @p2 s15  }
0x17: {  	s16 =	smov.u32 @p2 s3;
	p2 =	sgt.s32 s18, $0x3F  }
0x18: {  	p0 =	por !p0, !p0;
	s18 =	simm.s32 @p2 $0x0;
	p2 =	sne.s32 s13, s7  }
.Ltmp1:
0x19: {  	s17 =	simm.s32 @!p1 $0x2;
	s14 =	sshrl.u32 @!p1 s14, $0x1;
	(pc) =	sbr.rel @!p2 .LBB1_6-.Ltmp1, $4  }
0x1a: {  	s15 =	smov.u32 s9;
	s9 =	smov.u32 s11;
	s14 =	sand.u32 @!p1 $0x3FFFFFFF, s14  }
0x1b: {  	s11 =	smov.u32 s16;
	s13 =	sadd.s32 $0x1, s13;
	_ =	swait.ge @!p1 [sflag:s17], s14  }
0x1c: {  	s19 =	ssub.s32 @!p1 $0x0, s14;
	s14 =	smov.u32 s10;
	[sflag:s17] =	ssyncset.done @!p1 $0x0  }
0x1d: {  	s10 =	smov.u32 s12;
	s12 =	smov.u32 s18;
	[sflag:s17] =	ssyncadd.s32 @!p1 s19  }
.LBB1_1:
0x1e: {  	p1 =	sgt.u32 s13, s6  }
0x1f: {  	s16 =	sshrl.u32 @!p1 s12, $0x4  }
0x20: {  	s17 =	sshll.u32 @!p1 s11, $0x4;
	s16 =	smul.u32 @!p1 $0xF42800, s16  }
0x21: {  	s18 =	sshll.u32 @!p1 s12, $0x7;
	s17 =	sand.u32 @!p1 $0xFFFFF800, s17  }
0x22: {  	s16 =	sadd.s32 @!p1 s16, s17;
	s17 =	sand.u32 @!p1 $0x700, s18;
	s18 =	sshll.u32 @!p1 s11, $0x1  }
0x23: {  	s16 =	sor.u32 @!p1 s17, s16;
	s17 =	sand.u32 @!p1 $0xFE, s18  }
0x24: {  	s18 =	sand.u32 @!p1 $0x1, s12;
	s16 =	sor.u32 @!p1 s17, s16  }
0x25: {  	s17 =	sor.u32 @!p1 s18, s16  }
0x26: {  	s18 =	smulhi.u32 @!p1 $0x218D6287, s17;
	_ =	sdelay $0x1  }
0x27: {  	s16 =	smulhi.u32 @!p1 $0x218D6287, s16;
	s18 =	sshrl.u32 @!p1 s18, $0x11  }
0x28: {  	s18 =	smul.u32 @!p1 $0xF4280, s18  }
0x29: {  	s16 =	sshrl.u32 @!p1 s16, $0x11  }
0x2a: {  	s16 =	sand.u32 @!p1 $0x3F, s16;
	s17 =	ssub.s32 @!p1 s17, s18  }
0x2b: {  	s16 =	smul.u32 @!p1 $0xF428, s16;
	s18 =	sshrl.u32 @!p1 s17, $0x4  }
0x2c: {  	s19 =	sxor.u32 @!p1 $0xFFFFFFFF, s13;
	s17 =	sshll.u32 @!p1 s17, $0x11;
	s18 =	sadd.s32 @!p1 s2, s18  }
0x2d: {  	s17 =	sand.u32 @!p1 $0x1C0000, s17;
	s16 =	sadd.s32 @!p1 s16, s18;
	s18 =	sshll.u32 @!p1 s19, $0xC  }
0x2e: {  	s17 =	sor.u32 @!p1 $0x400, s17;
	s19 =	simm.s32 @!p1 $0x7A1400;
	s18 =	sand.u32 @!p1 $0x1000, s18  }
0x2f: {  	[tilespmem:s18], [sflag:$0x1] =	stream.strided.gather @!p1 [hbm4b:s16+s17], $0x1000, s19, s17, $0x38;
	[tilespmem:$0x4080] =	vst v63  }
0x30: {  	p1 =	seq.s32 s13, $0x0  }
0x31: {  	p2 =	sge.u32 @!p1 s13, s7  }
0x32: {  	p1 =	por p1, p2  }
.Ltmp2:
0x33: {  	_ = 	snop;
	(pc) =	sbr.rel @p1 .LBB1_5-.Ltmp2, $1  }
0x34: {  	_ =	sdelay $0x3  }
0x35: {  	s16 =	simm.s32 $0x1  }
0x36: {  	_ =	swait.ge [sflag:s4], $0x1000;
	s16 =	simm.s32 @!p0 $0x0  }
0x37: {  	[sflag:s4] =	ssyncset.done $0x0;
	s16 =	sshll.u32 s16, $0xC  }
0x38: {  	[sflag:s4] =	ssyncadd.s32 $0xFFFFF000;
	s16 =	sor.u32 $0x40, s16  }
0x39: {  	v0 =	vld [tilespmem:s16+$0x20]  }
0x3a: {  	v1 =	vld [tilespmem:s16+$0x30]  }
0x3b: {  	v2 =	vld [tilespmem:s16+$0xFFFFFFD0]  }
0x3c: {  	v5 =	vld [tilespmem:s16+$0x0]  }
0x3d: {  	v6 =	vld [tilespmem:s16+$0x10]  }
0x3e: {  	s17 =	sand.u32 $0x1, s13;
	v3 =	vld [tilespmem:s16+$0xFFFFFFE0]  }
0x3f: {  	s17 =	smul.u32 $0x4100, s17;
	v4 =	vld [tilespmem:s16+$0xFFFFFFF0]  }
0x40: {  	s18 =	simm.s32 $0x0;
	v1 =	vperm.xlane.i2c.b16 v1  }
0x41: {  	s19 =	sand.u32 $0x3C, s18;
	s17 =	sshrl.u32 s17, $0x2;
	v8 =	vld [tilespmem:s16+$0xFFFFFFC0];
	s20 =	sadd.s32 $0x80, s16;
	v7 =	vperm.xlane.i2c.b16 v0;
	v0 =	vperm.xlane.i2c.b16 v2  }
0x42: {  	s30 =	sand.u32 $0x40, s18;
	s31 =	sshrl.u32 s19, $0x1;
	s16 =	sor.u32 $0x2000, s17;
	v11 =	vld [tilespmem:s20+$0x30];
	v10 =	vperm.xlane.i2c.b16 v5;
	v13 =	vperm.xlane.i2c.b16 v6  }
0x43: {  	s17 =	sshrl.u32 s30, $0x1;
	s18 =	sadd.s32 s31, s16;
	v2 =	vld [tilespmem:s20+$0x20];
	v3 =	vperm.xlane.i2c.b16 v3;
	v9 =	vcombine.low v7, v1  }
0x44: {  	v12 =	vld [tilespmem:s20+$0xFFFFFFD0];
	s17 =	sadd.s32 s17, s18;
	v4 =	vperm.xlane.i2c.b16 v4;
	v14 =	vcombine.low v10, v13  }
0x45: {  	v1 =	vcombine.high v7, v1;
	v7 =	vld [tilespmem:s20+$0xFFFFFFE0];
	[tilespmem:s17+$0xC30 ss:$0x41] =	vst.msk $0xffff, v9  }
0x46: {  	v6 =	vld [tilespmem:s20+$0xFFFFFFF0];
	v5 =	vperm.xlane.i2c.b16 v8;
	v9 =	vcombine.low v3, v4;
	[tilespmem:s17+$0x820 ss:$0x41] =	vst.msk $0xffff, v14  }
0x47: {  	s18 =	simm.s32 $0x4;
	v8 =	vperm.xlane.i2c.b16 v11;
	[tilespmem:s17+$0xC31 ss:$0x41] =	vst.msk $0xffff, v1;
	v1 =	vcombine.high v3, v4;
	v4 =	vld [tilespmem:s20+$0x0]  }
0x48: {  	s19 =	simm.s32 $0x2;
	s22 =	sand.u32 $0x3C, s18;
	v10 =	vcombine.high v10, v13;
	v3 =	vld [tilespmem:s20+$0x10];
	[tilespmem:s17+$0x410 ss:$0x41] =	vst.msk $0xffff, v9;
	v9 =	vperm.xlane.i2c.b16 v2  }
0x49: {  	s21 =	sand.u32 $0x40, s18;
	s22 =	sshrl.u32 s22, $0x1;
	v11 =	vcombine.low v5, v0;
	v2 =	vld [tilespmem:s20+$0xFFFFFFC0];
	s20 =	sadd.s32 $0x80, s20;
	[tilespmem:s17+$0x411 ss:$0x41] =	vst.msk $0xffff, v1;
	v1 =	vperm.xlane.i2c.b16 v12  }
.LBB1_3:
0x4a: {  	v12 =	vld [tilespmem:s20+$0x20];
	s22 =	sadd.s32 s22, s16;
	s21 =	sshrl.u32 s21, $0x1;
	v13 =	vperm.xlane.i2c.b16 v7;
	v7 =	vcombine.low v9, v8;
	[tilespmem:s17+$0x821 ss:$0x41] =	vst.msk $0xffff, v10  }
0x4b: {  	s19 =	sadd.s32 $0x2, s19;
	v14 =	vld [tilespmem:s20+$0x30];
	s21 =	sadd.s32 s21, s22;
	v10 =	vperm.xlane.i2c.b16 v6;
	v6 =	vcombine.high v9, v8;
	[tilespmem:s17+$0x0 ss:$0x41] =	vst.msk $0xffff, v11  }
0x4c: {  	p1 =	slt.u32 s19, $0x3E;
	v11 =	vld [tilespmem:s20+$0xFFFFFFD0];
	v8 =	vperm.xlane.i2c.b16 v4;
	[tilespmem:s21+$0xC30 ss:$0x41] =	vst.msk $0xffff, v7;
	v4 =	vcombine.high v5, v0;
	v0 =	vmov v1  }
.Ltmp3:
0x4d: {  	v7 =	vld [tilespmem:s20+$0xFFFFFFE0];
	v1 =	vcombine.low v13, v10;
	v3 =	vperm.xlane.i2c.b16 v3;
	[tilespmem:s21+$0xC31 ss:$0x41] =	vst.msk $0xffff, v6;
	(pc) =	sbr.rel @p1 .LBB1_3-.Ltmp3, $4  }
0x4e: {  	v6 =	vld [tilespmem:s20+$0xFFFFFFF0];
	v5 =	vperm.xlane.i2c.b16 v2;
	v2 =	vcombine.high v13, v10;
	[tilespmem:s17+$0x1 ss:$0x41] =	vst.msk $0xffff, v4;
	s17 =	smov.u32 s21  }
0x4f: {  	s18 =	sadd.s32 $0x4, s18;
	v4 =	vld [tilespmem:s20+$0x0];
	[tilespmem:s17+$0x410 ss:$0x41] =	vst.msk $0xffff, v1;
	v13 =	vcombine.low v8, v3;
	v10 =	vcombine.high v8, v3  }
0x50: {  	s22 =	sand.u32 $0x3C, s18;
	v9 =	vperm.xlane.i2c.b16 v12;
	v3 =	vld [tilespmem:s20+$0x10];
	v8 =	vperm.xlane.i2c.b16 v14;
	[tilespmem:s17+$0x411 ss:$0x41] =	vst.msk $0xffff, v2  }
0x51: {  	s22 =	sshrl.u32 s22, $0x1;
	s21 =	sand.u32 $0x40, s18;
	v2 =	vld [tilespmem:s20+$0xFFFFFFC0];
	v1 =	vperm.xlane.i2c.b16 v11;
	s20 =	sadd.s32 $0x80, s20;
	v11 =	vcombine.low v5, v0;
	[tilespmem:s17+$0x820 ss:$0x41] =	vst.msk $0xffff, v13  }
0x52: {  	s18 =	sadd.s32 s22, s16;
	s19 =	sshll.u32 s9, $0x7;
	s20 =	sshll.u32 s10, $0x4  }
0x53: {  	s21 =	sshrl.u32 s21, $0x1;
	s24 =	sshll.u32 s10, $0x1;
	p1 =	sgt.s32 s9, $0xF41C0  }
0x54: {  	s22 =	smov.u32 s9;
	s26 =	sshra.s32 s9, $0x1F;
	s23 =	sand.u32 $0xFFFFF800, s19  }
0x55: {  	s20 =	sand.u32 $0xFFFFF800, s20;
	s19 =	sand.u32 $0x700, s19;
	s25 =	sand.u32 $0x80, s24  }
0x56: {  	s18 =	sadd.s32 s21, s18;
	s22 =	simm.s32 @!p1 $0xF41C0;
	p1 =	sgt.s32 s10, $0x40  }
0x57: {  	s21 =	smov.u32 s10;
	s20 =	sadd.s32 s20, s23;
	s23 =	sshra.s32 s10, $0x1F  }
0x58: {  	s21 =	simm.s32 @!p1 $0x40;
	s19 =	sor.u32 s19, s20;
	s20 =	sand.u32 s26, s9  }
0x59: {  	v7 =	vperm.xlane.i2c.b16 v7;
	[tilespmem:s17+$0x821 ss:$0x41] =	vst.msk $0xffff, v10;
	v0 =	vcombine.high v5, v0;
	s23 =	sand.u32 s23, s10;
	s19 =	sor.u32 s25, s19;
	s20 =	ssub.s32 s22, s20  }
0x5a: {  	v57 =	vcombine.low v9, v8;
	v6 =	vperm.xlane.i2c.b16 v6;
	[tilespmem:s17+$0x0 ss:$0x41] =	vst.msk $0xffff, v11;
	s21 =	ssub.s32 s21, s23;
	s19 =	sshrl.u32 s19, $0x7;
	s22 =	sadd.s32 $0xFFF0BE40, s20  }
0x5b: {  	v58 =	vcombine.high v9, v8;
	v4 =	vperm.xlane.i2c.b16 v4;
	[tilespmem:s17+$0x1 ss:$0x41] =	vst.msk $0xffff, v0;
	s23 =	sadd.s32 $0xFFFFFFC0, s21;
	s20 =	ssub.s32 $0xF4240, s20;
	s21 =	ssub.s32 $0x80, s21  }
0x5c: {  	[tilespmem:s18+$0xC30 ss:$0x41] =	vst.msk $0xffff, v57;
	v59 =	vcombine.low v7, v6;
	v3 =	vperm.xlane.i2c.b16 v3;
	s27 =	smulhi.u32 $0x218DEF5, s19;
	p1 =	sgt.s32 s22, $0x7F;
	p2 =	sgt.s32 s23, $0x3F  }
0x5d: {  	[tilespmem:s18+$0xC31 ss:$0x41] =	vst.msk $0xffff, v58;
	v60 =	vcombine.high v7, v6;
	s20 =	simm.s32 @p1 $0x0;
	s21 =	simm.s32 @p2 $0x0  }
0x5e: {  	v2 =	vperm.xlane.i2c.b16 v2;
	[tilespmem:s18+$0x410 ss:$0x41] =	vst.msk $0xffff, v59;
	v61 =	vcombine.low v4, v3;
	s17 =	sshrl.u32 s27, $0xD;
	s20 =	smul.u32 s21, s20  }
0x5f: {  	v3 =	vcombine.high v4, v3;
	[tilespmem:s18+$0x411 ss:$0x41] =	vst.msk $0xffff, v60;
	s17 =	smul.u32 $0xF4240, s17  }
.Ltmp4:
0x60: {  	s28 =	sshrl.u32 s10, $0x3;
	s29 =	sand.u32 $0x7, s10;
	v62 =	vcombine.low v2, v1;
	[tilespmem:s18+$0x820 ss:$0x41] =	vst.msk $0xffff, v61;
	(pc) =	sbr.rel .LBB1_5-.Ltmp4, $4  }
0x61: {  	v63 =	vcombine.high v2, v1;
	[tilespmem:s18+$0x821 ss:$0x41] =	vst.msk $0xffff, v3;
	s21 =	sshll.u32 s29, $0x12;
	s17 =	ssub.s32 s19, s17;
	s19 =	sand.u32 $0x7, s28  }
0x62: {  	[tilespmem:s18+$0x0 ss:$0x41] =	vst.msk $0xffff, v62;
	s20 =	sshrl.u32 s20, $0x1;
	s17 =	sshll.u32 s17, $0x3;
	s19 =	sadd.s32 s5, s19  }
0x63: {  	[tilespmem:s18+$0x1 ss:$0x41] =	vst.msk $0xffff, v63;
	s31 =	sor.u32 $0x40, s21;
	s30 =	sand.u32 $0x3FFFFFFF, s20;
	s17 =	sadd.s32 s17, s19  }
0x64: {  	[hbm4b:s17+s31] =	stream.strided.scatter [tilespmem:s16], [sflag:$0x2], s30, s8, s31, $0x18;
	[tilespmem:$0x4080] =	vst v63  }
.LBB1_6:
0x65: {  	_ =	sfence.sel $0x180000  }
0x66: {  	s2 =	simm.s32 $0x1;
	[bflag:$0x0] =	sbarrier.arrive $0xFFFF  }
0x67: {  	s31 =	simm.s32 $0x2;
	[sflag:s2] =	ssyncpa.u1 $0x1  }
0x68: {  	[sflag:s31] =	ssyncpa.u1 $0x1  }
0x69: {  	p0 =	sne.s32 s1, $0x0;
	_ =	strace $0x90000047  }
0x6a: {  	s0 =	sadd.s32 @!p0 $0x100000, s0;
	[bflag:$0x2] =	sbarrier.arrive $0xFFFF  }
0x6b: {  	[sflag:s0] =	ssyncadd.tile.s32 @!p0 $0x1;
	_ =	shalt  }
.Lfunc_end1:
_tile_overlayer_lowered:
.L_overlay_start_2:
0x6c: {  	(tag) =	ssettag $0x2  }
0x6d: {  	s0 =	rddreg [dreg:$0x0];
	s2 =	stileid.u32  }
0x6e: {  	s1 =	rddreg [dreg:$0x1];
	p0 =	sne.s32 s2, $0x0  }
0x6f: {  	s3 =	rddreg [dreg:$0x2];
	[bflag:$0x3] =	sbarrier.arrive $0xFFFF;
	s2 =	simm.s32 @!p0 $0x1C01  }
0x70: {  	[timem:s3], [sflag:s2] =	dma.local @!p0 [hbm:s0], s1  }
0x71: {  	s0 =	simm.s32 @!p0 $0x1  }
0x72: {  	_ =	swait.ge @!p0 [sflag:s0], s1  }
0x73: {  	s1 =	ssub.s32 @!p0 $0x0, s1;
	[sflag:s0] =	ssyncset.done @!p0 $0x0  }
0x74: {  	[sflag:s0] =	ssyncadd.s32 @!p0 s1  }
0x75: {  	[bflag:$0x3] =	sbarrier.arrive $0xFFFF  }
0x76: {  	_ =	shalt  }

// kernel: sparse-core-data-format-call.cloned.1.call-start
scs
called_computation_lowered:
.L_overlay_start_0:
0x0: {  	s1 =	sld [smem:$0x3FD9]  }
0x1: {  	s2 =	sld [smem:$0x3FFE];
	_ =	sdelay $0x1  }
0x2: {  	s3 =	srdreg.scid  }
0x3: {  	s0 =	sand.u32 $0x1, s3  }
0x4: {  	s17 =	sshll.u32 s0, $0xA;
	s1 =	sadd.s32 s2, s1  }
0x5: {  	s1 =	sadd.s32 s1, s17  }
0x6: {  	[smem:$0x3FC2] =	sst s1  }
0x7: {  	_ = 	snop  }
0x8: {  	(tm) =	ssettm $0x1  }
0x9: {  	s18 =	sld [smem:$0x3FFB];
	_ =	sdelay $0x3  }
0xa: {  	_ =	strace s18  }
0xb: {  	s1 =	sld [smem:$0x3FFC];
	_ =	sdelay $0x3  }
0xc: {  	_ =	strace s1  }
0xd: {  	s1 =	sld [smem:$0x3FFD];
	_ =	sdelay $0x3  }
0xe: {  	_ =	strace s1  }
0xf: {  	_ =	strace $0x8FFFFFFF  }
0x10: {  	s19 =	sld [smem:$0x3FDB];
	_ =	sdelay $0x1  }
0x11: {  	s20 =	simm.s32 $_scs_section_size  }
0x12: {  	s4 =	simm.s32 $_size__tile_overlayer_lowered;
	s5 =	simm.s32 $_tile_overlayer_lowered  }
0x13: {  	s23 =	simm.s32 $0x1BFF;
	s22 =	sshll.u32 s5, $0x1;
	s1 =	sadd.s32 s20, s19  }
0x14: {  	s6 =	simm.s32 $0x0;
	s21 =	sshll.u32 s4, $0x1;
	s4 =	sadd.s32 s22, s1  }
0x15: {  	[timem:s6], [sflag:s23] =	dma.local [hbm:s4], s21  }
0x16: {  	_ =	swait.ge [sflag:s23], s21  }
0x17: {  	s2 =	ssub.s32 $0x0, s21;
	[sflag:s23] =	ssyncset.done $0x0  }
0x18: {  	[sflag:s23] =	ssyncadd.s32 s2;
	_ =	sdelay $0x1  }
0x19: {  	s24 =	simm.s32 $0x1B8B  }
0x1a: {  	_ =	swait.ge [sflag:s24], $0x1  }
0x1b: {  	[sflag:s24] =	ssyncset.done $0x0  }
0x1c: {  	s26 =	simm.s32 $0x1B8E;
	s25 =	sld [smem:$0x3FFE];
	[sflag:s24] =	ssyncadd.s32 $0xFFFFFFFF  }
0x1d: {  	s27 =	simm.s32 $execute0_lowered;
	[smem:$0x3FD2] =	sst s26  }
0x1e: {  	s4 =	sshll.u32 s27, $0x1;
	_ =	strace $0x80000049;
	[dreg:$0x1] =	wrdreg $0xFFFFFFFF  }
0x1f: {  	s28 =	simm.s32 $_size_execute0_lowered;
	s1 =	sadd.s32 s1, s4;
	[dreg:$0x0] =	wrdreg $0x0  }
0x20: {  	s4 =	sshll.u32 s28, $0x1;
	[dreg:$0x2] =	wrdreg s1  }
0x21: {  	[dreg:$0x3] =	wrdreg s4  }
0x22: {  	[dreg:$0x4] =	wrdreg $0xC0  }
0x23: {  	_ =	task [dreg:s6], $0x5FFFF  }
0x24: {  	[dreg:$0x1] =	wrdreg $0xFFFFFFFF  }
0x25: {  	[dreg:$0x0] =	wrdreg $0x60  }
0x26: {  	[dreg:$0x2] =	wrdreg s25  }
0x27: {  	[dreg:$0x3] =	wrdreg $0x9  }
0x28: {  	_ =	task.clear_ibuf [dreg:s6], $0x4FFFF;
	_ =	strace $0x90000049  }
0x29: {  	s29 =	simm.s32 $0x9;
	_ =	strace $0x8000004B  }
0x2a: {  	_ =	swait.ge [sflag:s29], $0x1  }
0x2b: {  	[sflag:s29] =	ssyncadd.s32 $0xFFFFFFFF  }
0x2c: {  	_ =	strace $0x9000004B  }
0x2d: {  	_ =	sfence  }
0x2e: {  	s30 =	sld [smem:$0x0];
	_ =	sdelay $0x2  }
0x2f: {  	s31 =	sshll.u32 s3, $0xD;
	s3 =	sshrl.u32 s3, $0x2  }
0x30: {  	s2 =	sand.u32 $0x4000, s31;
	s1 =	sadd.s32 s3, s30  }
0x31: {  	s0 =	sor.u32 s2, s0;
	s1 =	sshll.u32 s1, $0x11  }
0x32: {  	s0 =	sor.u32 s1, s0  }
0x33: {  	s0 =	sadd.s32 $0x8F2B, s0  }
0x34: {  	[sflag:s0] =	ssyncadd.remote.s32 $0x1  }
0x35: {  	_ =	sfence.sel $0xFFFF  }
0x36: {  	[dreg:$0x0] =	wrdreg $0xFFFFFFFF;
	(pc) =	sbr.abs _section_cstart, $3  }
0x37: {  	[dreg:$0x1] =	wrdreg $0xFFFFFFFF  }
0x38: {  	_ =	task.clear_ibuf [dreg:s6], $0x2FFFF;
	_ =	strace $0x9FFFFFFF  }
0x39: {  	(tm) =	ssettm $0x7FFFFFFF  }
tec
execute0_lowered:
.L_overlay_start_1:
0x0: {  	(tag) =	ssettag $0x1  }
0x1: {  	s0 =	srdreg.scid  }
0x2: {  	s5 =	rddreg [dreg:$0x0];
	s1 =	stileid.u32;
	s4 =	simm.s32 $0x1  }
0x3: {  	s6 =	simm.s32 $0x2;
	s8 =	simm.s32 $0x0;
	s2 =	sshll.u32 s0, $0x4  }
0x4: {  	s9 =	simm.s32 $0x0;
	s13 =	simm.s32 $0x0;
	s2 =	sand.u32 $0x10, s2  }
.Ltmp0:
0x5: {  	s10 =	simm.s32 $0x0;
	s3 =	sor.u32 s1, s2;
	(pc) =	sbr.rel .LBB1_1-.Ltmp0, $4  }
0x6: {  	s0 =	rddreg [dreg:$0x1];
	_ =	strace $0x8000004A;
	s3 =	sshll.u32 s3, $0x4  }
0x7: {  	s12 =	simm.s32 $0x0;
	[sflag:s4] =	ssyncpa.u1 $0x0;
	s7 =	ssub.s32 $0x7A10, s3  }
0x8: {  	s2 =	sadd.s32 $0x3D2400, s5;
	[sflag:s6] =	ssyncpa.u1 $0x0;
	s6 =	sshrl.u32 s7, $0x9  }
0x9: {  	s5 =	sadd.s32 $0x1A00, s5;
	s11 =	smov.u32 s3;
	s7 =	sor.u32 $0x2, s6  }
.LBB1_7:
0xa: {  	s15 =	sshll.u32 s12, $0xF  }
0xb: {  	s15 =	sand.u32 $0x8000, s15  }
0xc: {  	s16 =	sshll.u32 s10, $0x7;
	s15 =	sshrl.u32 s15, $0x1  }
0xd: {  	s16 =	sadd.s32 s5, s16;
	s15 =	sor.u32 $0x8000, s15  }
0xe: {  	[hbm4b:s16+s8] =	stream.linear.scatter [tilespmem:s15], [sflag:$0x2], s14, $0x38;
	[tilespmem:$0x10000] =	vst v63  }
.LBB1_8:
0xf: {  	p0 =	slt.u32 s12, $0x2  }
0x10: {  	p1 =	sgt.s32 @!p0 s13, $0x7A02  }
0x11: {  	s14 =	smov.u32 s13;
	s15 =	sshra.s32 @!p0 s13, $0x1F;
	p1 =	por !p1, p0  }
0x12: {  	s13 =	sand.u32 @!p0 s15, s13;
	s14 =	simm.s32 @p1 $0x7A02  }
0x13: {  	s13 =	ssub.s32 @!p0 s14, s13  }
0x14: {  	s13 =	sadd.s32 @!p0 $0xFFFF85FE, s13  }
0x15: {  	s14 =	sshll.u32 @!p0 s13, $0xC  }
0x16: {  	p1 =	sgt.s32 @!p0 s13, $0xF;
	s13 =	ssub.s32 @!p0 $0x10000, s14  }
0x17: {  	s15 =	sadd.s32 $0x200, s11;
	p1 =	por !p1, p0;
	s13 =	sshrl.u32 @!p0 s13, $0x2  }
0x18: {  	s13 =	simm.s32 @!p1 $0x0;
	p1 =	sgt.s32 s15, $0x7A11  }
0x19: {  	s15 =	smov.u32 @p1 s3;
	p1 =	sne.s32 s12, s7  }
.Ltmp1:
0x1a: {  	_ = 	snop;
	(pc) =	sbr.rel @!p1 .LBB1_9-.Ltmp1, $4  }
0x1b: {  	s14 =	simm.s32 @!p0 $0x2  }
0x1c: {  	s9 =	sadd.s32 $0x8000, s9;
	_ =	swait.ge @!p0 [sflag:s14], s13;
	s16 =	ssub.s32 @!p0 $0x0, s13  }
0x1d: {  	s13 =	smov.u32 s10;
	s12 =	sadd.s32 $0x1, s12;
	[sflag:s14] =	ssyncset.done @!p0 $0x0  }
0x1e: {  	s10 =	smov.u32 s11;
	s11 =	smov.u32 s15;
	[sflag:s14] =	ssyncadd.s32 @!p0 s16  }
.LBB1_1:
0x1f: {  	p0 =	sgt.u32 s12, s6  }
0x20: {  	p1 =	sgt.s32 @!p0 s11, $0x7A02  }
0x21: {  	s14 =	smov.u32 s11;
	s15 =	sshra.s32 @!p0 s11, $0x1F;
	p1 =	por !p1, p0  }
0x22: {  	s15 =	sand.u32 @!p0 s15, s11;
	s14 =	simm.s32 @p1 $0x7A02  }
0x23: {  	s14 =	ssub.s32 @!p0 s14, s15  }
0x24: {  	s14 =	sadd.s32 @!p0 $0xFFFF85FE, s14  }
0x25: {  	s16 =	sshll.u32 @!p0 s11, $0x7;
	s17 =	simm.s32 @!p0 $0x0;
	s15 =	sshll.u32 @!p0 s14, $0xC  }
0x26: {  	p1 =	sgt.s32 @!p0 s14, $0xF;
	s14 =	ssub.s32 @!p0 $0x10000, s15;
	s15 =	sxor.u32 @!p0 $0xFFFFFFFF, s12  }
0x27: {  	p1 =	por !p1, p0;
	s14 =	sshrl.u32 @!p0 s14, $0x2;
	s15 =	sshll.u32 @!p0 s15, $0xE  }
0x28: {  	s16 =	sadd.s32 @!p0 s2, s16;
	s14 =	simm.s32 @!p1 $0x0;
	s15 =	sand.u32 @!p0 $0x4000, s15  }
0x29: {  	[tilespmem:s15], [sflag:$0x1] =	stream.linear.gather @!p0 [hbm4b:s16+s17], s14, $0x38;
	[tilespmem:$0x10000] =	vst v63  }
0x2a: {  	p0 =	seq.s32 s12, $0x0  }
0x2b: {  	p1 =	sge.u32 @!p0 s12, s7  }
0x2c: {  	p0 =	por p0, p1  }
.Ltmp2:
0x2d: {  	_ = 	snop;
	(pc) =	sbr.rel @p0 .LBB1_8-.Ltmp2, $1  }
0x2e: {  	_ =	sdelay $0x3  }
0x2f: {  	p0 =	sgt.s32 s10, $0x7A02;
	s14 =	smov.u32 s10;
	s15 =	sshra.s32 s10, $0x1F  }
0x30: {  	s14 =	simm.s32 @!p0 $0x7A02;
	s15 =	sand.u32 s15, s10  }
0x31: {  	s14 =	ssub.s32 s14, s15  }
0x32: {  	s16 =	sadd.s32 $0x10, s10;
	s14 =	sadd.s32 $0xFFFF85FE, s14  }
0x33: {  	p1 =	slt.s32 s16, $0x7A12;
	s30 =	sshll.u32 s14, $0xC  }
0x34: {  	s16 =	simm.s32 @!p1 $0x7A12;
	s15 =	ssub.s32 $0x10000, s30  }
0x35: {  	p0 =	sgt.s32 s14, $0xF;
	s14 =	sshrl.u32 s15, $0x2;
	s15 =	ssub.s32 s16, s10  }
0x36: {  	s14 =	simm.s32 @p0 $0x0;
	p0 =	slt.s32 s15, $0x1  }
.Ltmp3:
0x37: {  	_ = 	snop;
	(pc) =	sbr.rel @p0 .LBB1_7-.Ltmp3, $4  }
0x38: {  	_ = 	snop  }
0x39: {  	_ =	swait.ge [sflag:s4], s14  }
0x3a: {  	s31 =	ssub.s32 $0x0, s14;
	[sflag:s4] =	ssyncset.done $0x0  }
0x3b: {  	[sflag:s4] =	ssyncadd.s32 s31  }
0x3c: {  	s16 =	sshrl.u32 s9, $0x1  }
0x3d: {  	s17 =	sand.u32 $0x4000, s16  }
0x3e: {  	s18 =	simm.s32 $0x0;
	s16 =	sor.u32 $0x200, s17;
	s17 =	sor.u32 $0x8080, s17  }
.LBB1_4:
0x3f: {  	v0 =	vld [tilespmem:s16+$0xFFFFFE70]  }
0x40: {  	v1 =	vld [tilespmem:s16+$0x70]  }
0x41: {  	v2 =	vld [tilespmem:s16+$0x0]  }
0x42: {  	v3 =	vld [tilespmem:s16+$0xFFFFFE10]  }
0x43: {  	v4 =	vld [tilespmem:s16+$0x10]  }
0x44: {  	v5 =	vld [tilespmem:s16+$0xFFFFFE20]  }
0x45: {  	v7 =	vld [tilespmem:s16+$0x20]  }
0x46: {  	v11 =	vld [tilespmem:s16+$0x30];
	v6 =	vunpack.i.l.s16.s32 v0;
	v8 =	vunpack.i.u.s16.s32 v0;
	v9 =	vunpack.i.u.s16.s32 v1  }
0x47: {  	v10 =	vunpack.i.l.s16.s32 v1;
	v0 =	vunpack.i.u.s16.s32 v2;
	v1 =	vunpack.i.l.s16.s32 v2;
	v2 =	vld [tilespmem:s16+$0xFFFFFE30]  }
0x48: {  	v8 =	vpack.i.b32.b16 v9, v8;
	v9 =	vunpack.i.u.s16.s32 v3;
	v3 =	vunpack.i.l.s16.s32 v3  }
0x49: {  	v12 =	vld [tilespmem:s16+$0xFFFFFE40];
	v6 =	vpack.i.b32.b16 v10, v6;
	[tilespmem:s17+$0x70] =	vst v8;
	v8 =	vunpack.i.u.s16.s32 v4;
	v4 =	vunpack.i.l.s16.s32 v4  }
0x4a: {  	v13 =	vld [tilespmem:s16+$0x40];
	v10 =	vunpack.i.u.s16.s32 v5;
	v5 =	vunpack.i.l.s16.s32 v5;
	[tilespmem:s17+$0xFFFFFFF0] =	vst v6;
	v3 =	vpack.i.b32.b16 v4, v3  }
0x4b: {  	v6 =	vunpack.i.l.s16.s32 v7;
	v4 =	vld [tilespmem:s16+$0xFFFFFE50];
	[tilespmem:s17+$0xFFFFFF90] =	vst v3;
	v3 =	vpack.i.b32.b16 v8, v9;
	v8 =	vunpack.i.u.s16.s32 v7  }
0x4c: {  	v7 =	vunpack.i.l.s16.s32 v11;
	[tilespmem:s17+$0x10] =	vst v3;
	v3 =	vpack.i.b32.b16 v6, v5;
	v9 =	vunpack.i.u.s16.s32 v2;
	v6 =	vld [tilespmem:s16+$0x50]  }
0x4d: {  	v5 =	vunpack.i.l.s16.s32 v2;
	v2 =	vld [tilespmem:s16+$0xFFFFFE60];
	[tilespmem:s17+$0xFFFFFFA0] =	vst v3;
	v3 =	vpack.i.b32.b16 v8, v10;
	v10 =	vunpack.i.u.s16.s32 v11  }
0x4e: {  	s21 =	simm.s32 $0x0;
	v11 =	vpack.i.b32.b16 v7, v5;
	v7 =	vunpack.i.u.s16.s32 v12;
	v8 =	vunpack.i.l.s16.s32 v12;
	[tilespmem:s17+$0x20] =	vst v3;
	v3 =	vld [tilespmem:s16+$0x60]  }
0x4f: {  	s22 =	sadd.s32 $0x80, s16;
	s20 =	smov.u32 s17;
	s19 =	smov.u32 s17;
	v5 =	vld [tilespmem:s16+$0xFFFFFE00];
	[tilespmem:s17+$0xFFFFFFB0] =	vst v11;
	v10 =	vpack.i.b32.b16 v10, v9;
	v9 =	vunpack.i.u.s16.s32 v13;
	v11 =	vunpack.i.l.s16.s32 v13  }
.LBB1_5:
0x50: {  	v12 =	vld [tilespmem:s22+$0xFFFFFE70];
	[tilespmem:s20+$0x30] =	vst v10;
	v8 =	vpack.i.b32.b16 v11, v8;
	v10 =	vunpack.i.u.s16.s32 v4;
	v4 =	vunpack.i.l.s16.s32 v4  }
0x51: {  	s21 =	sadd.s32 $0x2, s21;
	v7 =	vpack.i.b32.b16 v9, v7;
	v11 =	vld [tilespmem:s22+$0x70];
	[tilespmem:s20+$0xFFFFFFC0] =	vst v8;
	v8 =	vunpack.i.u.s16.s32 v6;
	v6 =	vunpack.i.l.s16.s32 v6  }
0x52: {  	p0 =	slt.u32 s21, $0x6;
	v9 =	vld [tilespmem:s22+$0x0];
	[tilespmem:s20+$0x40] =	vst v7;
	v4 =	vpack.i.b32.b16 v6, v4;
	v6 =	vunpack.i.u.s16.s32 v2;
	v2 =	vunpack.i.l.s16.s32 v2  }
0x53: {  	v7 =	vld [tilespmem:s22+$0xFFFFFE10];
	[tilespmem:s20+$0xFFFFFFD0] =	vst v4;
	v4 =	vpack.i.b32.b16 v8, v10;
	v8 =	vunpack.i.u.s16.s32 v3;
	v3 =	vunpack.i.l.s16.s32 v3  }
0x54: {  	v10 =	vld [tilespmem:s22+$0x10];
	v13 =	vunpack.i.u.s16.s32 v5;
	v5 =	vunpack.i.l.s16.s32 v5;
	[tilespmem:s20+$0x50] =	vst v4;
	v2 =	vpack.i.b32.b16 v3, v2  }
0x55: {  	v3 =	vld [tilespmem:s22+$0xFFFFFE20];
	v4 =	vunpack.i.l.s16.s32 v12;
	v1 =	vpack.i.b32.b16 v1, v5;
	v5 =	vpack.i.b32.b16 v0, v13;
	[tilespmem:s20+$0xFFFFFFE0] =	vst v2  }
0x56: {  	v12 =	vunpack.i.u.s16.s32 v12;
	v2 =	vld [tilespmem:s22+$0x20];
	v13 =	vunpack.i.u.s16.s32 v11;
	v11 =	vunpack.i.l.s16.s32 v11;
	[tilespmem:s20+$0xFFFFFF80] =	vst v1  }
0x57: {  	s20 =	sadd.s32 $0x100, s20;
	v0 =	vunpack.i.u.s16.s32 v9;
	v1 =	vunpack.i.l.s16.s32 v9;
	v9 =	vld [tilespmem:s22+$0xFFFFFE30];
	v12 =	vpack.i.b32.b16 v13, v12;
	[tilespmem:s19+$0x0] =	vst v5  }
0x58: {  	v6 =	vpack.i.b32.b16 v8, v6;
	v5 =	vunpack.i.u.s16.s32 v7;
	v7 =	vunpack.i.l.s16.s32 v7;
	v13 =	vld [tilespmem:s22+$0x30];
	[tilespmem:s20+$0x70] =	vst v12  }
0x59: {  	v4 =	vpack.i.b32.b16 v11, v4;
	v8 =	vunpack.i.u.s16.s32 v10;
	v10 =	vunpack.i.l.s16.s32 v10;
	v12 =	vld [tilespmem:s22+$0xFFFFFE40];
	[tilespmem:s19+$0x60] =	vst v6;
	s19 =	smov.u32 s20  }
0x5a: {  	v6 =	vpack.i.b32.b16 v10, v7;
	v7 =	vunpack.i.u.s16.s32 v3;
	v3 =	vunpack.i.l.s16.s32 v3;
	v11 =	vld [tilespmem:s22+$0x40];
	[tilespmem:s20+$0xFFFFFFF0] =	vst v4  }
.Ltmp4:
0x5b: {  	v5 =	vpack.i.b32.b16 v8, v5;
	[tilespmem:s20+$0xFFFFFF90] =	vst v6;
	v8 =	vunpack.i.u.s16.s32 v2;
	v2 =	vunpack.i.l.s16.s32 v2;
	v4 =	vld [tilespmem:s22+$0xFFFFFE50];
	(pc) =	sbr.rel @p0 .LBB1_5-.Ltmp4, $4  }
0x5c: {  	[tilespmem:s20+$0x10] =	vst v5;
	v2 =	vpack.i.b32.b16 v2, v3;
	v10 =	vunpack.i.u.s16.s32 v9;
	v3 =	vunpack.i.l.s16.s32 v9;
	v6 =	vld [tilespmem:s22+$0x50]  }
0x5d: {  	v5 =	vpack.i.b32.b16 v8, v7;
	[tilespmem:s20+$0xFFFFFFA0] =	vst v2;
	v9 =	vunpack.i.u.s16.s32 v13;
	v7 =	vunpack.i.l.s16.s32 v13;
	v2 =	vld [tilespmem:s22+$0xFFFFFE60]  }
0x5e: {  	[tilespmem:s20+$0x20] =	vst v5;
	v13 =	vpack.i.b32.b16 v7, v3;
	v7 =	vunpack.i.u.s16.s32 v12;
	v8 =	vunpack.i.l.s16.s32 v12;
	v3 =	vld [tilespmem:s22+$0x60]  }
0x5f: {  	v10 =	vpack.i.b32.b16 v9, v10;
	v5 =	vld [tilespmem:s22+$0xFFFFFE00];
	[tilespmem:s20+$0xFFFFFFB0] =	vst v13;
	v9 =	vunpack.i.u.s16.s32 v11;
	v11 =	vunpack.i.l.s16.s32 v11;
	s22 =	sadd.s32 $0x80, s22  }
0x60: {  	[tilespmem:s20+$0x30] =	vst v10;
	v8 =	vpack.i.b32.b16 v11, v8  }
0x61: {  	v51 =	vunpack.i.l.s16.s32 v4;
	v7 =	vpack.i.b32.b16 v9, v7;
	[tilespmem:s20+$0xFFFFFFC0] =	vst v8;
	v52 =	vunpack.i.l.s16.s32 v6  }
0x62: {  	v53 =	vunpack.i.u.s16.s32 v4;
	s18 =	sadd.s32 $0x1, s18;
	v54 =	vunpack.i.u.s16.s32 v6;
	[tilespmem:s20+$0x40] =	vst v7;
	v55 =	vpack.i.b32.b16 v52, v51  }
0x63: {  	p0 =	sne.s32 s18, s15;
	v56 =	vunpack.i.l.s16.s32 v2;
	v4 =	vpack.i.b32.b16 v54, v53;
	[tilespmem:s20+$0xFFFFFFD0] =	vst v55;
	v57 =	vunpack.i.l.s16.s32 v3  }
.Ltmp5:
0x64: {  	[tilespmem:s20+$0x50] =	vst v4;
	v58 =	vunpack.i.l.s16.s32 v5;
	v59 =	vpack.i.b32.b16 v57, v56;
	(pc) =	sbr.rel @p0 .LBB1_4-.Ltmp5, $4  }
.Ltmp6:
0x65: {  	v61 =	vunpack.i.u.s16.s32 v2;
	v62 =	vunpack.i.u.s16.s32 v3;
	v1 =	vpack.i.b32.b16 v1, v58;
	[tilespmem:s20+$0xFFFFFFE0] =	vst v59;
	(pc) =	sbr.rel @!p0 .LBB1_7-.Ltmp6, $4  }
0x66: {  	v60 =	vunpack.i.u.s16.s32 v5;
	v63 =	vpack.i.b32.b16 v62, v61;
	[tilespmem:s20+$0xFFFFFF80] =	vst v1  }
0x67: {  	v0 =	vpack.i.b32.b16 v0, v60;
	[tilespmem:s19+$0x60] =	vst v63  }
0x68: {  	s16 =	sadd.s32 $0x400, s16;
	s17 =	sadd.s32 $0x400, s17;
	[tilespmem:s19+$0x0] =	vst v0  }
0x69: {  	_ = 	snop  }
.LBB1_9:
0x6a: {  	_ =	sfence.sel $0x180000  }
0x6b: {  	s2 =	simm.s32 $0x1;
	[bflag:$0x0] =	sbarrier.arrive $0xFFFF  }
0x6c: {  	s31 =	simm.s32 $0x2;
	[sflag:s2] =	ssyncpa.u1 $0x1  }
0x6d: {  	[sflag:s31] =	ssyncpa.u1 $0x1  }
0x6e: {  	p0 =	sne.s32 s1, $0x0;
	_ =	strace $0x9000004A  }
0x6f: {  	s0 =	sadd.s32 @!p0 $0x100000, s0;
	[bflag:$0x2] =	sbarrier.arrive $0xFFFF  }
0x70: {  	[sflag:s0] =	ssyncadd.tile.s32 @!p0 $0x1;
	_ =	shalt  }
.Lfunc_end1:
_tile_overlayer_lowered:
.L_overlay_start_2:
0x71: {  	(tag) =	ssettag $0x2  }
0x72: {  	s0 =	rddreg [dreg:$0x0];
	s2 =	stileid.u32  }
0x73: {  	s1 =	rddreg [dreg:$0x1];
	p0 =	sne.s32 s2, $0x0  }
0x74: {  	s3 =	rddreg [dreg:$0x2];
	[bflag:$0x3] =	sbarrier.arrive $0xFFFF;
	s2 =	simm.s32 @!p0 $0x1C01  }
0x75: {  	[timem:s3], [sflag:s2] =	dma.local @!p0 [hbm:s0], s1  }
0x76: {  	s0 =	simm.s32 @!p0 $0x1  }
0x77: {  	_ =	swait.ge @!p0 [sflag:s0], s1  }
0x78: {  	s1 =	ssub.s32 @!p0 $0x0, s1;
	[sflag:s0] =	ssyncset.done @!p0 $0x0  }
0x79: {  	[sflag:s0] =	ssyncadd.s32 @!p0 s1  }
0x7a: {  	[bflag:$0x3] =	sbarrier.arrive $0xFFFF  }
0x7b: {  	_ =	shalt  }

</sc_bundles>
